<compile_context>
chip_gen: v7x
topology: tpu7x:2x2x1
jax: 0.10.2.dev20260603
libtpu: 0.0.44.dev20260713+nightly
codegen_flags: <defaults>
</compile_context>

<pallas_src>
import functools

import jax
import jax.numpy as jnp
from jax import lax
from jax.experimental import pallas as pl
from jax.experimental.pallas import tpu as pltpu
from jax.experimental.pallas import tpu_sc as plsc

N = 10000
E = 320000
D = 128
H = 32
G = 64
PE = 0.1
PF = 0.1

NC = 2
NS = 16
CHW = 128
CH = -(-E // (NS * CHW))
EPT = CH * CHW
NPP = 10016
NP4 = NPP // 4
NPL = N // 4
NPAD = 12288
NP4A = NPAD // 4
PADR = NPAD - NPP
NPT = NPAD // NS
NGT = NPP // NS
LW = 4 * H



def _deg_body(dstdeg_hbm, counts_hbm, idxv, onesv, zv, accsh, dsem):
    c = lax.axis_index("c")
    s = lax.axis_index("s")
    for i in range(CHW // 16):
        onesv[pl.ds(i * 16, 16)] = jnp.ones((16,), jnp.float32)

    def zero_fill(i, carry):
        zv[pl.ds(i * 16, 16)] = jnp.zeros((16,), jnp.float32)
        return carry

    lax.fori_loop(0, NPT // 16, zero_fill, 0)
    pltpu.sync_copy(zv, accsh.at[pl.ds(s * NPT, NPT)])
    pltpu.sync_copy(dstdeg_hbm.at[c, s], idxv)
    plsc.subcore_barrier()

    def body(j, carry):
        pltpu.async_copy(onesv, accsh.at[idxv.at[j]], dsem, add=True)

        @pl.when(j >= 8)
        def _():
            pltpu.make_async_copy(onesv, accsh.at[idxv.at[0]], dsem).wait()

        return carry

    lax.fori_loop(0, CH, body, 0)

    def drain(j, carry):
        pltpu.make_async_copy(onesv, accsh.at[idxv.at[0]], dsem).wait()
        return carry

    lax.fori_loop(0, 8, drain, 0)
    plsc.subcore_barrier()
    pltpu.sync_copy(accsh.at[pl.ds(s * NPT, NPT)], zv)
    pltpu.sync_copy(zv, counts_hbm.at[c, pl.ds(s * NPT, NPT)])


def _scat_body(g_hbm, src_hbm, dst_hbm, out_hbm,
               srcv, dstv, rows0, rows1, bounce, gsh, accsh,
               sem0, sem1):
    c = lax.axis_index("c")
    s = lax.axis_index("s")

    def zero_fill(r, carry):
        bounce[r, pl.ds(0, 16)] = jnp.zeros((16,), jnp.float32)
        bounce[r, pl.ds(16, 16)] = jnp.zeros((16,), jnp.float32)
        return carry

    lax.fori_loop(0, NPT, zero_fill, 0)
    pltpu.sync_copy(bounce, accsh.at[pl.ds(s * NPT, NPT)])
    pltpu.sync_copy(g_hbm.at[c, pl.ds(s * NGT, NGT)],
                    gsh.at[pl.ds(s * NGT, NGT)])
    pltpu.sync_copy(src_hbm.at[s], srcv)
    pltpu.sync_copy(dst_hbm.at[c, s], dstv)
    plsc.subcore_barrier()

    def wait0():
        pltpu.make_async_copy(gsh.at[srcv.at[0]], rows0, sem0).wait()

    def wait1():
        pltpu.make_async_copy(gsh.at[srcv.at[0]], rows1, sem1).wait()

    pltpu.async_copy(gsh.at[srcv.at[0]], rows0, sem0)

    def body(i, carry):
        j0 = 2 * i
        wait0()
        pltpu.async_copy(gsh.at[srcv.at[j0 + 1]], rows1, sem1)
        pltpu.sync_copy(rows0, accsh.at[dstv.at[j0]], add=True)
        wait1()

        @pl.when(j0 + 2 < CH)
        def _():
            pltpu.async_copy(gsh.at[srcv.at[j0 + 2]], rows0, sem0)

        pltpu.sync_copy(rows1, accsh.at[dstv.at[j0 + 1]], add=True)
        return carry

    lax.fori_loop(0, CH // 2, body, 0)
    if CH % 2:
        wait0()
        pltpu.sync_copy(rows0, accsh.at[dstv.at[CH - 1]], add=True)
    plsc.subcore_barrier()
    pltpu.sync_copy(accsh.at[pl.ds(s * NPT, NPT)], bounce)
    pltpu.sync_copy(bounce, out_hbm.at[c, pl.ds(s * NPT, NPT)])


def _sc_mesh():
    return plsc.VectorSubcoreMesh(core_axis_name="c", subcore_axis_name="s",
                                  num_cores=NC, num_subcores=NS)


def _deg_call(dstdeg):
    k = pl.kernel(
        _deg_body,
        out_type=jax.ShapeDtypeStruct((NC, NPAD), jnp.float32),
        mesh=_sc_mesh(),
        scratch_types=[
            pltpu.VMEM((CH, CHW), jnp.int32),
            pltpu.VMEM((CHW,), jnp.float32),
            pltpu.VMEM((NPT,), jnp.float32),
            pltpu.VMEM_SHARED((NPAD,), jnp.float32),
            pltpu.SemaphoreType.DMA,
        ],
    )
    return k(dstdeg)


def _scat_call(gs, src, dst):
    k = pl.kernel(
        _scat_body,
        out_type=jax.ShapeDtypeStruct((NC, NPAD, H), jnp.float32),
        mesh=_sc_mesh(),
        compiler_params=pltpu.CompilerParams(use_tc_tiling_on_sc=False),
        scratch_types=[
            pltpu.VMEM((CH, CHW), jnp.int32),
            pltpu.VMEM((CH, CHW), jnp.int32),
            pltpu.VMEM((CHW, H), jnp.float32),
            pltpu.VMEM((CHW, H), jnp.float32),
            pltpu.VMEM((NPT, H), jnp.float32),
            pltpu.VMEM_SHARED((NPP, H), jnp.float32),
            pltpu.VMEM_SHARED((NPAD, H), jnp.float32),
            pltpu.SemaphoreType.DMA,
            pltpu.SemaphoreType.DMA,
        ],
    )
    return k(gs, src, dst)



def _mm_body(xp_ref, wb_ref, wbf_ref, hp_ref):
    xp = xp_ref[...]
    hp_ref[0, :, :] = jnp.dot(xp, wb_ref[...],
                              preferred_element_type=jnp.float32)
    hp_ref[1, :, :] = jnp.dot(xp, wbf_ref[...],
                              preferred_element_type=jnp.float32)


def _gscale_body(hp_ref, dp_ref, g_ref):
    g_ref[0, :, :] = hp_ref[0, :, :] * dp_ref[0, :, :]
    g_ref[1, :, :] = hp_ref[1, :, :] * dp_ref[1, :, :]


def _grp(v):
    m = (v[:, 0:H] + v[:, H:2 * H] + v[:, 2 * H:3 * H]
         + v[:, 3 * H:4 * H]) * 0.25
    return jnp.concatenate([m, m, m, m], axis=1)


def _mid_body(s_ref, g_ref, d_ref, b_ref, gam_ref, bet_ref, wb_ref, o_ref):
    d = d_ref[0, :, :]
    a = d * (s_ref[0, 0:NP4, :] + g_ref[0, :, :]) + b_ref[...]
    m = _grp(jnp.mean(a[0:NPL, :], axis=0, keepdims=True))
    c = a - m
    v = _grp(jnp.mean(c[0:NPL, :] ** 2, axis=0, keepdims=True))
    h = jnp.maximum(c * lax.rsqrt(v + 1e-5) * gam_ref[...] + bet_ref[...],
                    0.0)
    o_ref[0, :, :] = jnp.dot(h, wb_ref[...],
                             preferred_element_type=jnp.float32) * d


def _fin_body(s_ref, g_ref, d_ref, b_ref, gam_ref, bet_ref, batch_ref,
              pw1_ref, pb1_ref, pw2_ref, pb2_ref, z_ref):
    d = d_ref[0, 0:NPL, :]
    a = d * (s_ref[0, 0:NPL, :] + g_ref[0, 0:NPL, :]) + b_ref[...]
    m = _grp(jnp.mean(a, axis=0, keepdims=True))
    c = a - m
    v = _grp(jnp.mean(c ** 2, axis=0, keepdims=True))
    h = jnp.maximum(c * lax.rsqrt(v + 1e-5) * gam_ref[...] + bet_ref[...],
                    0.0)
    bt = batch_ref[...]
    iota = lax.broadcasted_iota(jnp.int32, (G, NPL), 0)
    p = jnp.zeros((G, H), jnp.float32)
    for j in range(4):
        ohj = (iota == bt[j:j + 1, :]).astype(jnp.float32)
        p = p + jnp.dot(ohj, h[:, j * H:(j + 1) * H],
                        preferred_element_type=jnp.float32)
    q = jnp.maximum(jnp.dot(p, pw1_ref[...],
                            preferred_element_type=jnp.float32)
                    + pb1_ref[...], 0.0)
    z_ref[0, :, :] = (jnp.dot(q, pw2_ref[...],
                              preferred_element_type=jnp.float32)
                      + pb2_ref[...])


def _mm_call(xp, wb, wbf):
    f = pl.pallas_call(
        _mm_body,
        out_shape=jax.ShapeDtypeStruct((NC, NP4, LW), jnp.float32),
    )
    return f(xp, wb, wbf)


def _gscale_call(hp, dp):
    f = pl.pallas_call(
        _gscale_body,
        out_shape=jax.ShapeDtypeStruct((NC, NP4, LW), jnp.float32),
    )
    return f(hp, dp)


def _e_spec(shape):
    return pl.BlockSpec((1,) + shape, lambda e: (e,) + (0,) * len(shape))


def _fix_spec(shape):
    return pl.BlockSpec(shape, lambda e: (0,) * len(shape))


def _mid_call(sp, gp, dp, b, gam, bet, wb):
    f = pl.pallas_call(
        _mid_body,
        grid=(NC,),
        in_specs=[_e_spec((NP4A, LW)), _e_spec((NP4, LW)), _e_spec((NP4, LW)),
                  _fix_spec((1, LW)), _fix_spec((1, LW)), _fix_spec((1, LW)),
                  _fix_spec((LW, LW))],
        out_specs=_e_spec((NP4, LW)),
        out_shape=jax.ShapeDtypeStruct((NC, NP4, LW), jnp.float32),
    )
    return f(sp, gp, dp, b, gam, bet, wb)


def _fin_call(sp, gp, dp, b, gam, bet, batch4, pw1, pb1, pw2, pb2):
    f = pl.pallas_call(
        _fin_body,
        grid=(NC,),
        in_specs=[_e_spec((NP4A, LW)), _e_spec((NP4, LW)), _e_spec((NP4, LW)),
                  _fix_spec((1, LW)), _fix_spec((1, LW)), _fix_spec((1, LW)),
                  _fix_spec((4, NPL)),
                  _fix_spec((H, H)), _fix_spec((1, H)),
                  _fix_spec((H, H)), _fix_spec((1, H))],
        out_specs=_e_spec((G, H)),
        out_shape=jax.ShapeDtypeStruct((NC, G, H), jnp.float32),
    )
    z = f(sp, gp, dp, b, gam, bet, batch4, pw1, pb1, pw2, pb2)
    return z[0], z[1]



def kernel(x, edge_index, batch, W0, b0, W1, b1, W2, b2,
           g0, be0, g1, be1, g2, be2, pW1, pb1, pW2, pb2):
    src = edge_index[0]
    dst = edge_index[1]

    akey = jax.random.key(42)
    k1, k2 = jax.random.split(akey)
    keep = jax.random.bernoulli(k1, 1.0 - PE, (E,))
    fmask = jax.random.bernoulli(k2, 1.0 - PF, (D,)).astype(jnp.float32)

    spread = (jnp.arange(E, dtype=jnp.int32) % PADR) + NPP
    dst1 = jnp.where(keep, dst, spread)
    padlen = NS * EPT - E
    padsrc = jnp.arange(padlen, dtype=jnp.int32) % N
    paddst = (jnp.arange(padlen, dtype=jnp.int32) % PADR) + NPP

    def lay(a, pad):
        return jnp.concatenate([a, pad]).reshape(NS, CH, CHW)

    SRC = lay(src, padsrc)
    DST = jnp.stack([lay(dst1, paddst), lay(dst, paddst)])

    eye4 = jnp.eye(4, dtype=jnp.float32)
    Wb0 = jnp.kron(eye4, W0)
    Wb0f = jnp.kron(eye4, W0 * fmask[:, None])
    Wb1 = jnp.kron(eye4, W1)
    Wb2 = jnp.kron(eye4, W2)
    xp = jnp.concatenate(
        [x, jnp.zeros((NPP - N, D), jnp.float32)]).reshape(NP4, 4 * D)
    batch4 = batch.reshape(NPL, 4).T.astype(jnp.int32)

    def tile4(v):
        return jnp.tile(v, 4)[None, :]

    HP = _mm_call(xp, Wb0, Wb0f)
    counts = _deg_call(DST)
    dinv = lax.rsqrt(counts[:, :NPP] + 1.0)
    DP = jnp.broadcast_to(dinv[:, :, None], (NC, NPP, H)).reshape(
        NC, NP4, LW)
    GP = _gscale_call(HP, DP)

    def scat(gp):
        ss = _scat_call(gp.reshape(NC, NPP, H), SRC, DST)
        return ss.reshape(NC, NP4A, LW)

    SP = scat(GP)
    GP = _mid_call(SP, GP, DP, tile4(b0), tile4(g0), tile4(be0), Wb1)
    SP = scat(GP)
    GP = _mid_call(SP, GP, DP, tile4(b1), tile4(g1), tile4(be1), Wb2)
    SP = scat(GP)
    z1, z2 = _fin_call(SP, GP, DP, tile4(b2), tile4(g2), tile4(be2),
                       batch4, pW1, pb1[None, :], pW2, pb2[None, :])
    return (z1, z2)

# --- scband reference (transcript-rebuilt; emitter-appended) ---
"""Pipeline reference for scband-encoder-81647328297626 (READ-ONLY COPY).

The authoritative reference and input builder live on the scoring server;
editing this copy changes nothing except your own understanding.
"""

import jax, jax.numpy as jnp
import numpy as np

N = 10000
E = 320000
D = 128
H = 32
G = 64
PE = 0.1
PF = 0.1


def setup_inputs(seed: int = 0) -> dict:
    key = jax.random.key(seed)
    ks = jax.random.split(key, 20)
    x = jax.random.normal(ks[0], (N, D), dtype=jnp.float32)
    edge_index = jax.random.randint(ks[1], (2, E), 0, N, dtype=jnp.int32)
    batch = jnp.sort(jax.random.randint(ks[2], (N,), 0, G, dtype=jnp.int32))
    s = 0.05
    W0 = jax.random.normal(ks[3], (D, H), dtype=jnp.float32) * s
    b0 = jnp.zeros((H,), dtype=jnp.float32)
    W1 = jax.random.normal(ks[4], (H, H), dtype=jnp.float32) * s
    b1 = jnp.zeros((H,), dtype=jnp.float32)
    W2 = jax.random.normal(ks[5], (H, H), dtype=jnp.float32) * s
    b2 = jnp.zeros((H,), dtype=jnp.float32)
    g0 = jnp.ones((H,), dtype=jnp.float32); be0 = jnp.zeros((H,), dtype=jnp.float32)
    g1 = jnp.ones((H,), dtype=jnp.float32); be1 = jnp.zeros((H,), dtype=jnp.float32)
    g2 = jnp.ones((H,), dtype=jnp.float32); be2 = jnp.zeros((H,), dtype=jnp.float32)
    pW1 = jax.random.normal(ks[6], (H, H), dtype=jnp.float32) * s
    pb1 = jnp.zeros((H,), dtype=jnp.float32)
    pW2 = jax.random.normal(ks[7], (H, H), dtype=jnp.float32) * s
    pb2 = jnp.zeros((H,), dtype=jnp.float32)
    return {"x": x, "edge_index": edge_index, "batch": batch,
            "W0": W0, "b0": b0, "W1": W1, "b1": b1, "W2": W2, "b2": b2,
            "g0": g0, "be0": be0, "g1": g1, "be1": be1, "g2": g2, "be2": be2,
            "pW1": pW1, "pb1": pb1, "pW2": pW2, "pb2": pb2}


def _bn(h, g, b):
    m = jnp.mean(h, axis=0)
    v = jnp.mean((h - m) ** 2, axis=0)
    return (h - m) / jnp.sqrt(v + 1e-5) * g + b


def _gcn_conv(h, W, b, src, dst, ew):
    n = h.shape[0]
    h = h @ W
    deg = jax.ops.segment_sum(ew, dst, num_segments=n) + 1.0  # +1 for self-loop
    dinv = jax.lax.rsqrt(deg)
    norm = dinv[src] * dinv[dst] * ew
    agg = jax.ops.segment_sum(h[src] * norm[:, None], dst, num_segments=n)
    agg = agg + h * (dinv * dinv)[:, None]  # self-loop contribution
    return agg + b


def _encoder(x, src, dst, ew, batch, W0, b0, W1, b1, W2, b2, g0, be0, g1, be1, g2, be2, pW1, pb1, pW2, pb2):
    h = jax.nn.relu(_bn(_gcn_conv(x, W0, b0, src, dst, ew), g0, be0))
    h = jax.nn.relu(_bn(_gcn_conv(h, W1, b1, src, dst, ew), g1, be1))
    h = jax.nn.relu(_bn(_gcn_conv(h, W2, b2, src, dst, ew), g2, be2))
    pooled = jax.ops.segment_sum(h, batch, num_segments=G)  # global_add_pool
    z = jax.nn.relu(pooled @ pW1 + pb1) @ pW2 + pb2
    return z


def reference(x, edge_index, batch, W0, b0, W1, b1, W2, b2, g0, be0, g1, be1, g2, be2, pW1, pb1, pW2, pb2):
    src = edge_index[0]
    dst = edge_index[1]
    akey = jax.random.key(42)
    k1, k2 = jax.random.split(akey)
    # Augmentor 1: EdgeRemoving(pe=0.1) -> per-edge keep mask as edge weight
    ew1 = jax.random.bernoulli(k1, 1.0 - PE, (E,)).astype(jnp.float32)
    # Augmentor 2: FeatureMasking(pf=0.1) -> per-feature-dim keep mask
    fmask = jax.random.bernoulli(k2, 1.0 - PF, (D,)).astype(jnp.float32)
    x1 = x
    ew2 = jnp.ones((E,), dtype=jnp.float32)
    x2 = x * fmask[None, :]
    z1 = _encoder(x1, src, dst, ew1, batch, W0, b0, W1, b1, W2, b2, g0, be0, g1, be1, g2, be2, pW1, pb1, pW2, pb2)
    z2 = _encoder(x2, src, dst, ew2, batch, W0, b0, W1, b1, W2, b2, g0, be0, g1, be1, g2, be2, pW1, pb1, pW2, pb2)
    return (z1, z2)

if __name__ == "__main__":
    import jax
    _d = setup_inputs()
    print(jax.jit(kernel)(*tuple(_d.values())))

</pallas_src>

<mosaic_0001>
#map = affine_map<(d0, d1) -> (0, 0, 0)>
#map1 = affine_map<(d0, d1) -> (0, 0, 0, 0)>
module attributes {stable_mosaic.version = 14 : i64} {
  func.func @_scat_body(%arg0: i32, %arg1: i32, %arg2: memref<2x10016x32xf32, #tpu.memory_space<hbm>>, %arg3: memref<16x157x128xi32, #tpu.memory_space<hbm>>, %arg4: memref<2x16x157x128xi32, #tpu.memory_space<hbm>>, %arg5: memref<2x12288x32xf32, #tpu.memory_space<hbm>>, %arg6: memref<157x128xi32, #tpu.memory_space<vmem>>, %arg7: memref<157x128xi32, #tpu.memory_space<vmem>>, %arg8: memref<128x32xf32, #tpu.memory_space<vmem>>, %arg9: memref<128x32xf32, #tpu.memory_space<vmem>>, %arg10: memref<768x32xf32, #tpu.memory_space<vmem>>, %arg11: memref<10016x32xf32, #tpu.memory_space<vmem_shared>>, %arg12: memref<12288x32xf32, #tpu.memory_space<vmem_shared>>, %arg13: memref<!tpu.dma_semaphore, #tpu.memory_space<semaphore_mem>>, %arg14: memref<!tpu.dma_semaphore, #tpu.memory_space<semaphore_mem>>) attributes {dimension_semantics = [#tpu.dimension_semantics<core_parallel>, #tpu.dimension_semantics<subcore_parallel>], iteration_bounds = array<i64: 2, 16>, scalar_prefetch = 0 : i64, scratch_operands = 9 : i64, tpu.core_type = #tpu.core_type<sc_vector_subcore>, window_params = [{transform_indices = #map}, {transform_indices = #map}, {transform_indices = #map1}, {transform_indices = #map}]} {
    %scan3A = arith.constant 0 : i32
    %scan3A_0 = arith.constant 0 : i32
    %scan3A_1 = arith.constant 768 : i32
    %scan3A_2 = arith.addi %scan3A_0, %scan3A_1 : i32
    %scan3A_3 = arith.constant 1 : i32
    scf.for %scan3A_33 = %scan3A_0 to %scan3A_2 step %scan3A_3  : i32 {
      %broadcast_in_dim3A = arith.constant 0.000000e+00 : f32
      %broadcast_in_dim3A_34 = vector.broadcast %broadcast_in_dim3A : f32 to vector<16xf32>
      %swap3A = arith.index_cast %scan3A_33 : i32 to index
      %swap3A_35 = arith.constant 0 : index
      %swap3A_36 = tpu.vector_load %arg10[%swap3A, %swap3A_35] {strides = array<i32>} : memref<768x32xf32, #tpu.memory_space<vmem>>, vector<1x16xf32>,
      %swap3A_37 = vector.shape_cast %swap3A_36 : vector<1x16xf32> to vector<16xf32>
      %swap3A_38 = vector.shape_cast %broadcast_in_dim3A_34 : vector<16xf32> to vector<1x16xf32>
      tpu.vector_store %arg10[%swap3A, %swap3A_35], %swap3A_38 {strides = array<i32>} : memref<768x32xf32, #tpu.memory_space<vmem>>, vector<1x16xf32>,
      %broadcast_in_dim3A_39 = arith.constant 0.000000e+00 : f32
      %broadcast_in_dim3A_40 = vector.broadcast %broadcast_in_dim3A_39 : f32 to vector<16xf32>
      %swap3A_41 = arith.index_cast %scan3A_33 : i32 to index
      %swap3A_42 = arith.constant 16 : index
      %swap3A_43 = tpu.vector_load %arg10[%swap3A_41, %swap3A_42] {strides = array<i32>} : memref<768x32xf32, #tpu.memory_space<vmem>>, vector<1x16xf32>,
      %swap3A_44 = vector.shape_cast %swap3A_43 : vector<1x16xf32> to vector<16xf32>
      %swap3A_45 = vector.shape_cast %broadcast_in_dim3A_40 : vector<16xf32> to vector<1x16xf32>
      tpu.vector_store %arg10[%swap3A_41, %swap3A_42], %swap3A_45 {strides = array<i32>} : memref<768x32xf32, #tpu.memory_space<vmem>>, vector<1x16xf32>,
    }
    %scan3A_4 = arith.constant 768 : i32
    %mul3A = arith.constant 768 : i32
    %mul3A_5 = arith.muli %arg1, %mul3A : i32
    "tpu.region"() ({
      %run_scoped3A_33 = tpu.sem_alloc : memref<!tpu.dma_semaphore, #tpu.memory_space<semaphore_mem>>
      %dma_start3A_34 = arith.constant 0 : i32
      %dma_start3A_35 = tpu.memref_slice %arg12[%mul3A_5, %dma_start3A_34] : memref<12288x32xf32, #tpu.memory_space<vmem_shared>> -> memref<768x32xf32, #tpu.memory_space<vmem_shared>>
      %dma_start3A_36 = arith.constant 0 : i32
      %dma_start3A_37 = tpu.memref_slice %arg12[%mul3A_5, %dma_start3A_36] : memref<12288x32xf32, #tpu.memory_space<vmem_shared>> -> memref<768x32xf32, #tpu.memory_space<vmem_shared>>
      tpu.enqueue_dma source(%arg10 : memref<768x32xf32, #tpu.memory_space<vmem>>) target(%dma_start3A_37 : memref<768x32xf32, #tpu.memory_space<vmem_shared>>) target_semaphore(%run_scoped3A_33 : memref<!tpu.dma_semaphore, #tpu.memory_space<semaphore_mem>>)
      %dma_wait3A_38 = arith.constant 0 : i32
      %dma_wait3A_39 = tpu.memref_slice %arg12[%mul3A_5, %dma_wait3A_38] : memref<12288x32xf32, #tpu.memory_space<vmem_shared>> -> memref<768x32xf32, #tpu.memory_space<vmem_shared>>
      %dma_wait3A_40 = arith.constant 0 : i32
      %dma_wait3A_41 = tpu.memref_slice %arg12[%mul3A_5, %dma_wait3A_40] : memref<12288x32xf32, #tpu.memory_space<vmem_shared>> -> memref<768x32xf32, #tpu.memory_space<vmem_shared>>
      tpu.wait_dma2 semaphore(%run_scoped3A_33 : memref<!tpu.dma_semaphore, #tpu.memory_space<semaphore_mem>>) src(%arg10 : memref<768x32xf32, #tpu.memory_space<vmem>>) dst(%dma_wait3A_41 : memref<768x32xf32, #tpu.memory_space<vmem_shared>>)
      tpu.yield
    }) : () -> ()
    %mul3A_6 = arith.constant 626 : i32
    %mul3A_7 = arith.muli %arg1, %mul3A_6 : i32
    %mul3A_8 = arith.constant 626 : i32
    %mul3A_9 = arith.muli %arg1, %mul3A_8 : i32
    "tpu.region"() ({
      %run_scoped3A_33 = tpu.sem_alloc : memref<!tpu.dma_semaphore, #tpu.memory_space<semaphore_mem>>
      %dma_start3A_34 = arith.constant 0 : i32
      %dma_start3A_35 = tpu.memref_slice %arg11[%mul3A_9, %dma_start3A_34] : memref<10016x32xf32, #tpu.memory_space<vmem_shared>> -> memref<626x32xf32, #tpu.memory_space<vmem_shared>>
      %dma_start3A_36 = arith.constant 0 : i32
      %dma_start3A_37 = tpu.memref_slice %arg2[%arg0, %mul3A_7, %dma_start3A_36] : memref<2x10016x32xf32, #tpu.memory_space<hbm>> -> memref<1x626x32xf32, #tpu.memory_space<hbm>>
      %dma_start3A_38 = tpu.memref_squeeze %dma_start3A_37 : memref<1x626x32xf32, #tpu.memory_space<hbm>> -> memref<626x32xf32, #tpu.memory_space<hbm>>
      tpu.enqueue_dma source(%dma_start3A_38 : memref<626x32xf32, #tpu.memory_space<hbm>>) target(%dma_start3A_35 : memref<626x32xf32, #tpu.memory_space<vmem_shared>>) target_semaphore(%run_scoped3A_33 : memref<!tpu.dma_semaphore, #tpu.memory_space<semaphore_mem>>)
      %dma_wait3A_39 = arith.constant 0 : i32
      %dma_wait3A_40 = tpu.memref_slice %arg11[%mul3A_9, %dma_wait3A_39] : memref<10016x32xf32, #tpu.memory_space<vmem_shared>> -> memref<626x32xf32, #tpu.memory_space<vmem_shared>>
      %dma_wait3A_41 = arith.constant 0 : i32
      %dma_wait3A_42 = tpu.memref_slice %arg2[%arg0, %mul3A_7, %dma_wait3A_41] : memref<2x10016x32xf32, #tpu.memory_space<hbm>> -> memref<1x626x32xf32, #tpu.memory_space<hbm>>
      %dma_wait3A_43 = tpu.memref_squeeze %dma_wait3A_42 : memref<1x626x32xf32, #tpu.memory_space<hbm>> -> memref<626x32xf32, #tpu.memory_space<hbm>>
      tpu.wait_dma2 semaphore(%run_scoped3A_33 : memref<!tpu.dma_semaphore, #tpu.memory_space<semaphore_mem>>) src(%dma_wait3A_43 : memref<626x32xf32, #tpu.memory_space<hbm>>) dst(%dma_wait3A_40 : memref<626x32xf32, #tpu.memory_space<vmem_shared>>)
      tpu.yield
    }) : () -> ()
    "tpu.region"() ({
      %run_scoped3A_33 = tpu.sem_alloc : memref<!tpu.dma_semaphore, #tpu.memory_space<semaphore_mem>>
      %dma_start3A_34 = arith.constant 0 : i32
      %dma_start3A_35 = arith.constant 0 : i32
      %dma_start3A_36 = tpu.memref_slice %arg3[%arg1, %dma_start3A_34, %dma_start3A_35] : memref<16x157x128xi32, #tpu.memory_space<hbm>> -> memref<1x157x128xi32, #tpu.memory_space<hbm>>
      %dma_start3A_37 = tpu.memref_squeeze %dma_start3A_36 : memref<1x157x128xi32, #tpu.memory_space<hbm>> -> memref<157x128xi32, #tpu.memory_space<hbm>>
      %dma_start3A_38 = arith.constant 0 : i32
      %dma_start3A_39 = arith.constant 0 : i32
      %dma_start3A_40 = tpu.memref_slice %arg3[%arg1, %dma_start3A_38, %dma_start3A_39] : memref<16x157x128xi32, #tpu.memory_space<hbm>> -> memref<1x157x128xi32, #tpu.memory_space<hbm>>
      %dma_start3A_41 = tpu.memref_squeeze %dma_start3A_40 : memref<1x157x128xi32, #tpu.memory_space<hbm>> -> memref<157x128xi32, #tpu.memory_space<hbm>>
      tpu.enqueue_dma source(%dma_start3A_41 : memref<157x128xi32, #tpu.memory_space<hbm>>) target(%arg6 : memref<157x128xi32, #tpu.memory_space<vmem>>) target_semaphore(%run_scoped3A_33 : memref<!tpu.dma_semaphore, #tpu.memory_space<semaphore_mem>>)
      %dma_wait3A_42 = arith.constant 0 : i32
      %dma_wait3A_43 = arith.constant 0 : i32
      %dma_wait3A_44 = tpu.memref_slice %arg3[%arg1, %dma_wait3A_42, %dma_wait3A_43] : memref<16x157x128xi32, #tpu.memory_space<hbm>> -> memref<1x157x128xi32, #tpu.memory_space<hbm>>
      %dma_wait3A_45 = tpu.memref_squeeze %dma_wait3A_44 : memref<1x157x128xi32, #tpu.memory_space<hbm>> -> memref<157x128xi32, #tpu.memory_space<hbm>>
      %dma_wait3A_46 = arith.constant 0 : i32
      %dma_wait3A_47 = arith.constant 0 : i32
      %dma_wait3A_48 = tpu.memref_slice %arg3[%arg1, %dma_wait3A_46, %dma_wait3A_47] : memref<16x157x128xi32, #tpu.memory_space<hbm>> -> memref<1x157x128xi32, #tpu.memory_space<hbm>>
      %dma_wait3A_49 = tpu.memref_squeeze %dma_wait3A_48 : memref<1x157x128xi32, #tpu.memory_space<hbm>> -> memref<157x128xi32, #tpu.memory_space<hbm>>
      tpu.wait_dma2 semaphore(%run_scoped3A_33 : memref<!tpu.dma_semaphore, #tpu.memory_space<semaphore_mem>>) src(%dma_wait3A_49 : memref<157x128xi32, #tpu.memory_space<hbm>>) dst(%arg6 : memref<157x128xi32, #tpu.memory_space<vmem>>)
      tpu.yield
    }) : () -> ()
    "tpu.region"() ({
      %run_scoped3A_33 = tpu.sem_alloc : memref<!tpu.dma_semaphore, #tpu.memory_space<semaphore_mem>>
      %dma_start3A_34 = arith.constant 0 : i32
      %dma_start3A_35 = arith.constant 0 : i32
      %dma_start3A_36 = tpu.memref_slice %arg4[%arg0, %arg1, %dma_start3A_34, %dma_start3A_35] : memref<2x16x157x128xi32, #tpu.memory_space<hbm>> -> memref<1x1x157x128xi32, #tpu.memory_space<hbm>>
      %dma_start3A_37 = tpu.memref_squeeze %dma_start3A_36 : memref<1x1x157x128xi32, #tpu.memory_space<hbm>> -> memref<157x128xi32, #tpu.memory_space<hbm>>
      %dma_start3A_38 = arith.constant 0 : i32
      %dma_start3A_39 = arith.constant 0 : i32
      %dma_start3A_40 = tpu.memref_slice %arg4[%arg0, %arg1, %dma_start3A_38, %dma_start3A_39] : memref<2x16x157x128xi32, #tpu.memory_space<hbm>> -> memref<1x1x157x128xi32, #tpu.memory_space<hbm>>
      %dma_start3A_41 = tpu.memref_squeeze %dma_start3A_40 : memref<1x1x157x128xi32, #tpu.memory_space<hbm>> -> memref<157x128xi32, #tpu.memory_space<hbm>>
      tpu.enqueue_dma source(%dma_start3A_41 : memref<157x128xi32, #tpu.memory_space<hbm>>) target(%arg7 : memref<157x128xi32, #tpu.memory_space<vmem>>) target_semaphore(%run_scoped3A_33 : memref<!tpu.dma_semaphore, #tpu.memory_space<semaphore_mem>>)
      %dma_wait3A_42 = arith.constant 0 : i32
      %dma_wait3A_43 = arith.constant 0 : i32
      %dma_wait3A_44 = tpu.memref_slice %arg4[%arg0, %arg1, %dma_wait3A_42, %dma_wait3A_43] : memref<2x16x157x128xi32, #tpu.memory_space<hbm>> -> memref<1x1x157x128xi32, #tpu.memory_space<hbm>>
      %dma_wait3A_45 = tpu.memref_squeeze %dma_wait3A_44 : memref<1x1x157x128xi32, #tpu.memory_space<hbm>> -> memref<157x128xi32, #tpu.memory_space<hbm>>
      %dma_wait3A_46 = arith.constant 0 : i32
      %dma_wait3A_47 = arith.constant 0 : i32
      %dma_wait3A_48 = tpu.memref_slice %arg4[%arg0, %arg1, %dma_wait3A_46, %dma_wait3A_47] : memref<2x16x157x128xi32, #tpu.memory_space<hbm>> -> memref<1x1x157x128xi32, #tpu.memory_space<hbm>>
      %dma_wait3A_49 = tpu.memref_squeeze %dma_wait3A_48 : memref<1x1x157x128xi32, #tpu.memory_space<hbm>> -> memref<157x128xi32, #tpu.memory_space<hbm>>
      tpu.wait_dma2 semaphore(%run_scoped3A_33 : memref<!tpu.dma_semaphore, #tpu.memory_space<semaphore_mem>>) src(%dma_wait3A_49 : memref<157x128xi32, #tpu.memory_space<hbm>>) dst(%arg7 : memref<157x128xi32, #tpu.memory_space<vmem>>)
      tpu.yield
    }) : () -> ()
    %barrier3A = arith.constant 0 : index
    tpu.barrier barrier_id(%barrier3A)
    %dma_start3A = arith.constant 0 : i32
    %dma_start3A_10 = arith.constant 0 : i32
    %dma_start3A_11 = tpu.memref_slice %arg6[%dma_start3A, %dma_start3A_10] : memref<157x128xi32, #tpu.memory_space<vmem>> -> memref<1x128xi32, #tpu.memory_space<vmem>>
    %dma_start3A_12 = tpu.memref_squeeze %dma_start3A_11 : memref<1x128xi32, #tpu.memory_space<vmem>> -> memref<128xi32, #tpu.memory_space<vmem>>
    %dma_start3A_13 = arith.constant 0 : i32
    %dma_start3A_14 = arith.constant 0 : i32
    %dma_start3A_15 = tpu.memref_slice %arg11[%dma_start3A_13, %dma_start3A_14] : memref<10016x32xf32, #tpu.memory_space<vmem_shared>> -> memref<10016x32xf32, #tpu.memory_space<vmem_shared>>
    tpu.enqueue_indirect_dma source(%dma_start3A_15 : memref<10016x32xf32, #tpu.memory_space<vmem_shared>>) target(%arg8 : memref<128x32xf32, #tpu.memory_space<vmem>>) offsets(%dma_start3A_12 : memref<128xi32, #tpu.memory_space<vmem>>) semaphore(%arg13 : memref<!tpu.dma_semaphore, #tpu.memory_space<semaphore_mem>>)
    %scan3A_16 = arith.constant 0 : i32
    %scan3A_17 = arith.constant 0 : i32
    %scan3A_18 = arith.constant 78 : i32
    %scan3A_19 = arith.addi %scan3A_17, %scan3A_18 : i32
    %scan3A_20 = arith.constant 1 : i32
    scf.for %scan3A_33 = %scan3A_17 to %scan3A_19 step %scan3A_20  : i32 {
      %mul3A_34 = arith.constant 2 : i32
      %mul3A_35 = arith.muli %mul3A_34, %scan3A_33 : i32
      %dma_wait3A_36 = arith.constant 0 : i32
      %dma_wait3A_37 = arith.constant 0 : i32
      %dma_wait3A_38 = tpu.memref_slice %arg6[%dma_wait3A_36, %dma_wait3A_37] : memref<157x128xi32, #tpu.memory_space<vmem>> -> memref<1x128xi32, #tpu.memory_space<vmem>>
      %dma_wait3A_39 = tpu.memref_squeeze %dma_wait3A_38 : memref<1x128xi32, #tpu.memory_space<vmem>> -> memref<128xi32, #tpu.memory_space<vmem>>
      %dma_wait3A_40 = arith.constant 0 : i32
      %dma_wait3A_41 = arith.constant 0 : i32
      %dma_wait3A_42 = tpu.memref_slice %arg11[%dma_wait3A_40, %dma_wait3A_41] : memref<10016x32xf32, #tpu.memory_space<vmem_shared>> -> memref<10016x32xf32, #tpu.memory_space<vmem_shared>>
      tpu.wait_indirect_dma semaphore(%arg13 : memref<!tpu.dma_semaphore, #tpu.memory_space<semaphore_mem>>) src(%dma_wait3A_42 : memref<10016x32xf32, #tpu.memory_space<vmem_shared>>) dst(%arg8 : memref<128x32xf32, #tpu.memory_space<vmem>>)
      %add3A = arith.constant 1 : i32
      %add3A_43 = arith.addi %mul3A_35, %add3A : i32
      %dma_start3A_44 = arith.constant 0 : i32
      %dma_start3A_45 = tpu.memref_slice %arg6[%add3A_43, %dma_start3A_44] : memref<157x128xi32, #tpu.memory_space<vmem>> -> memref<1x128xi32, #tpu.memory_space<vmem>>
      %dma_start3A_46 = tpu.memref_squeeze %dma_start3A_45 : memref<1x128xi32, #tpu.memory_space<vmem>> -> memref<128xi32, #tpu.memory_space<vmem>>
      %dma_start3A_47 = arith.constant 0 : i32
      %dma_start3A_48 = arith.constant 0 : i32
      %dma_start3A_49 = tpu.memref_slice %arg11[%dma_start3A_47, %dma_start3A_48] : memref<10016x32xf32, #tpu.memory_space<vmem_shared>> -> memref<10016x32xf32, #tpu.memory_space<vmem_shared>>
      tpu.enqueue_indirect_dma source(%dma_start3A_49 : memref<10016x32xf32, #tpu.memory_space<vmem_shared>>) target(%arg9 : memref<128x32xf32, #tpu.memory_space<vmem>>) offsets(%dma_start3A_46 : memref<128xi32, #tpu.memory_space<vmem>>) semaphore(%arg14 : memref<!tpu.dma_semaphore, #tpu.memory_space<semaphore_mem>>)
      "tpu.region"() ({
        %run_scoped3A_63 = tpu.sem_alloc : memref<!tpu.dma_semaphore, #tpu.memory_space<semaphore_mem>>
        %dma_start3A_64 = arith.constant 0 : i32
        %dma_start3A_65 = tpu.memref_slice %arg7[%mul3A_35, %dma_start3A_64] : memref<157x128xi32, #tpu.memory_space<vmem>> -> memref<1x128xi32, #tpu.memory_space<vmem>>
        %dma_start3A_66 = tpu.memref_squeeze %dma_start3A_65 : memref<1x128xi32, #tpu.memory_space<vmem>> -> memref<128xi32, #tpu.memory_space<vmem>>
        %dma_start3A_67 = arith.constant 0 : i32
        %dma_start3A_68 = arith.constant 0 : i32
        %dma_start3A_69 = tpu.memref_slice %arg12[%dma_start3A_67, %dma_start3A_68] : memref<12288x32xf32, #tpu.memory_space<vmem_shared>> -> memref<12288x32xf32, #tpu.memory_space<vmem_shared>>
        tpu.enqueue_indirect_dma source(%arg8 : memref<128x32xf32, #tpu.memory_space<vmem>>) target(%dma_start3A_69 : memref<12288x32xf32, #tpu.memory_space<vmem_shared>>) offsets(%dma_start3A_66 : memref<128xi32, #tpu.memory_space<vmem>>) semaphore(%run_scoped3A_63 : memref<!tpu.dma_semaphore, #tpu.memory_space<semaphore_mem>>) {add = true}
        %dma_wait3A_70 = arith.constant 0 : i32
        %dma_wait3A_71 = tpu.memref_slice %arg7[%mul3A_35, %dma_wait3A_70] : memref<157x128xi32, #tpu.memory_space<vmem>> -> memref<1x128xi32, #tpu.memory_space<vmem>>
        %dma_wait3A_72 = tpu.memref_squeeze %dma_wait3A_71 : memref<1x128xi32, #tpu.memory_space<vmem>> -> memref<128xi32, #tpu.memory_space<vmem>>
        %dma_wait3A_73 = arith.constant 0 : i32
        %dma_wait3A_74 = arith.constant 0 : i32
        %dma_wait3A_75 = tpu.memref_slice %arg12[%dma_wait3A_73, %dma_wait3A_74] : memref<12288x32xf32, #tpu.memory_space<vmem_shared>> -> memref<12288x32xf32, #tpu.memory_space<vmem_shared>>
        tpu.wait_indirect_dma semaphore(%run_scoped3A_63 : memref<!tpu.dma_semaphore, #tpu.memory_space<semaphore_mem>>) src(%arg8 : memref<128x32xf32, #tpu.memory_space<vmem>>) dst(%dma_wait3A_75 : memref<12288x32xf32, #tpu.memory_space<vmem_shared>>)
        tpu.yield
      }) : () -> ()
      %dma_wait3A_50 = arith.constant 0 : i32
      %dma_wait3A_51 = arith.constant 0 : i32
      %dma_wait3A_52 = tpu.memref_slice %arg6[%dma_wait3A_50, %dma_wait3A_51] : memref<157x128xi32, #tpu.memory_space<vmem>> -> memref<1x128xi32, #tpu.memory_space<vmem>>
      %dma_wait3A_53 = tpu.memref_squeeze %dma_wait3A_52 : memref<1x128xi32, #tpu.memory_space<vmem>> -> memref<128xi32, #tpu.memory_space<vmem>>
      %dma_wait3A_54 = arith.constant 0 : i32
      %dma_wait3A_55 = arith.constant 0 : i32
      %dma_wait3A_56 = tpu.memref_slice %arg11[%dma_wait3A_54, %dma_wait3A_55] : memref<10016x32xf32, #tpu.memory_space<vmem_shared>> -> memref<10016x32xf32, #tpu.memory_space<vmem_shared>>
      tpu.wait_indirect_dma semaphore(%arg14 : memref<!tpu.dma_semaphore, #tpu.memory_space<semaphore_mem>>) src(%dma_wait3A_56 : memref<10016x32xf32, #tpu.memory_space<vmem_shared>>) dst(%arg9 : memref<128x32xf32, #tpu.memory_space<vmem>>)
      %add3A_57 = arith.constant 2 : i32
      %add3A_58 = arith.addi %mul3A_35, %add3A_57 : i32
      %lt3A = arith.constant 157 : i32
      %lt3A_59 = arith.cmpi slt, %add3A_58, %lt3A : i32
      %convert_element_type3A = arith.extui %lt3A_59 : i1 to i32
      %cond3A = arith.constant 0 : i32
      %cond3A_60 = arith.cmpi ne, %convert_element_type3A, %cond3A : i32
      scf.if %cond3A_60 {
        %add3A_63 = arith.constant 2 : i32
        %add3A_64 = arith.addi %mul3A_35, %add3A_63 : i32
        %dma_start3A_65 = arith.constant 0 : i32
        %dma_start3A_66 = tpu.memref_slice %arg6[%add3A_64, %dma_start3A_65] : memref<157x128xi32, #tpu.memory_space<vmem>> -> memref<1x128xi32, #tpu.memory_space<vmem>>
        %dma_start3A_67 = tpu.memref_squeeze %dma_start3A_66 : memref<1x128xi32, #tpu.memory_space<vmem>> -> memref<128xi32, #tpu.memory_space<vmem>>
        %dma_start3A_68 = arith.constant 0 : i32
        %dma_start3A_69 = arith.constant 0 : i32
        %dma_start3A_70 = tpu.memref_slice %arg11[%dma_start3A_68, %dma_start3A_69] : memref<10016x32xf32, #tpu.memory_space<vmem_shared>> -> memref<10016x32xf32, #tpu.memory_space<vmem_shared>>
        tpu.enqueue_indirect_dma source(%dma_start3A_70 : memref<10016x32xf32, #tpu.memory_space<vmem_shared>>) target(%arg8 : memref<128x32xf32, #tpu.memory_space<vmem>>) offsets(%dma_start3A_67 : memref<128xi32, #tpu.memory_space<vmem>>) semaphore(%arg13 : memref<!tpu.dma_semaphore, #tpu.memory_space<semaphore_mem>>)
      } else {
      }
      %add3A_61 = arith.constant 1 : i32
      %add3A_62 = arith.addi %mul3A_35, %add3A_61 : i32
      "tpu.region"() ({
        %run_scoped3A_63 = tpu.sem_alloc : memref<!tpu.dma_semaphore, #tpu.memory_space<semaphore_mem>>
        %dma_start3A_64 = arith.constant 0 : i32
        %dma_start3A_65 = tpu.memref_slice %arg7[%add3A_62, %dma_start3A_64] : memref<157x128xi32, #tpu.memory_space<vmem>> -> memref<1x128xi32, #tpu.memory_space<vmem>>
        %dma_start3A_66 = tpu.memref_squeeze %dma_start3A_65 : memref<1x128xi32, #tpu.memory_space<vmem>> -> memref<128xi32, #tpu.memory_space<vmem>>
        %dma_start3A_67 = arith.constant 0 : i32
        %dma_start3A_68 = arith.constant 0 : i32
        %dma_start3A_69 = tpu.memref_slice %arg12[%dma_start3A_67, %dma_start3A_68] : memref<12288x32xf32, #tpu.memory_space<vmem_shared>> -> memref<12288x32xf32, #tpu.memory_space<vmem_shared>>
        tpu.enqueue_indirect_dma source(%arg9 : memref<128x32xf32, #tpu.memory_space<vmem>>) target(%dma_start3A_69 : memref<12288x32xf32, #tpu.memory_space<vmem_shared>>) offsets(%dma_start3A_66 : memref<128xi32, #tpu.memory_space<vmem>>) semaphore(%run_scoped3A_63 : memref<!tpu.dma_semaphore, #tpu.memory_space<semaphore_mem>>) {add = true}
        %dma_wait3A_70 = arith.constant 0 : i32
        %dma_wait3A_71 = tpu.memref_slice %arg7[%add3A_62, %dma_wait3A_70] : memref<157x128xi32, #tpu.memory_space<vmem>> -> memref<1x128xi32, #tpu.memory_space<vmem>>
        %dma_wait3A_72 = tpu.memref_squeeze %dma_wait3A_71 : memref<1x128xi32, #tpu.memory_space<vmem>> -> memref<128xi32, #tpu.memory_space<vmem>>
        %dma_wait3A_73 = arith.constant 0 : i32
        %dma_wait3A_74 = arith.constant 0 : i32
        %dma_wait3A_75 = tpu.memref_slice %arg12[%dma_wait3A_73, %dma_wait3A_74] : memref<12288x32xf32, #tpu.memory_space<vmem_shared>> -> memref<12288x32xf32, #tpu.memory_space<vmem_shared>>
        tpu.wait_indirect_dma semaphore(%run_scoped3A_63 : memref<!tpu.dma_semaphore, #tpu.memory_space<semaphore_mem>>) src(%arg9 : memref<128x32xf32, #tpu.memory_space<vmem>>) dst(%dma_wait3A_75 : memref<12288x32xf32, #tpu.memory_space<vmem_shared>>)
        tpu.yield
      }) : () -> ()
    }
    %scan3A_21 = arith.constant 78 : i32
    %dma_wait3A = arith.constant 0 : i32
    %dma_wait3A_22 = arith.constant 0 : i32
    %dma_wait3A_23 = tpu.memref_slice %arg6[%dma_wait3A, %dma_wait3A_22] : memref<157x128xi32, #tpu.memory_space<vmem>> -> memref<1x128xi32, #tpu.memory_space<vmem>>
    %dma_wait3A_24 = tpu.memref_squeeze %dma_wait3A_23 : memref<1x128xi32, #tpu.memory_space<vmem>> -> memref<128xi32, #tpu.memory_space<vmem>>
    %dma_wait3A_25 = arith.constant 0 : i32
    %dma_wait3A_26 = arith.constant 0 : i32
    %dma_wait3A_27 = tpu.memref_slice %arg11[%dma_wait3A_25, %dma_wait3A_26] : memref<10016x32xf32, #tpu.memory_space<vmem_shared>> -> memref<10016x32xf32, #tpu.memory_space<vmem_shared>>
    tpu.wait_indirect_dma semaphore(%arg13 : memref<!tpu.dma_semaphore, #tpu.memory_space<semaphore_mem>>) src(%dma_wait3A_27 : memref<10016x32xf32, #tpu.memory_space<vmem_shared>>) dst(%arg8 : memref<128x32xf32, #tpu.memory_space<vmem>>)
    %run_scoped3A = arith.constant 156 : i32
    "tpu.region"() ({
      %run_scoped3A_33 = tpu.sem_alloc : memref<!tpu.dma_semaphore, #tpu.memory_space<semaphore_mem>>
      %dma_start3A_34 = arith.constant 0 : i32
      %dma_start3A_35 = tpu.memref_slice %arg7[%run_scoped3A, %dma_start3A_34] : memref<157x128xi32, #tpu.memory_space<vmem>> -> memref<1x128xi32, #tpu.memory_space<vmem>>
      %dma_start3A_36 = tpu.memref_squeeze %dma_start3A_35 : memref<1x128xi32, #tpu.memory_space<vmem>> -> memref<128xi32, #tpu.memory_space<vmem>>
      %dma_start3A_37 = arith.constant 0 : i32
      %dma_start3A_38 = arith.constant 0 : i32
      %dma_start3A_39 = tpu.memref_slice %arg12[%dma_start3A_37, %dma_start3A_38] : memref<12288x32xf32, #tpu.memory_space<vmem_shared>> -> memref<12288x32xf32, #tpu.memory_space<vmem_shared>>
      tpu.enqueue_indirect_dma source(%arg8 : memref<128x32xf32, #tpu.memory_space<vmem>>) target(%dma_start3A_39 : memref<12288x32xf32, #tpu.memory_space<vmem_shared>>) offsets(%dma_start3A_36 : memref<128xi32, #tpu.memory_space<vmem>>) semaphore(%run_scoped3A_33 : memref<!tpu.dma_semaphore, #tpu.memory_space<semaphore_mem>>) {add = true}
      %dma_wait3A_40 = arith.constant 0 : i32
      %dma_wait3A_41 = tpu.memref_slice %arg7[%run_scoped3A, %dma_wait3A_40] : memref<157x128xi32, #tpu.memory_space<vmem>> -> memref<1x128xi32, #tpu.memory_space<vmem>>
      %dma_wait3A_42 = tpu.memref_squeeze %dma_wait3A_41 : memref<1x128xi32, #tpu.memory_space<vmem>> -> memref<128xi32, #tpu.memory_space<vmem>>
      %dma_wait3A_43 = arith.constant 0 : i32
      %dma_wait3A_44 = arith.constant 0 : i32
      %dma_wait3A_45 = tpu.memref_slice %arg12[%dma_wait3A_43, %dma_wait3A_44] : memref<12288x32xf32, #tpu.memory_space<vmem_shared>> -> memref<12288x32xf32, #tpu.memory_space<vmem_shared>>
      tpu.wait_indirect_dma semaphore(%run_scoped3A_33 : memref<!tpu.dma_semaphore, #tpu.memory_space<semaphore_mem>>) src(%arg8 : memref<128x32xf32, #tpu.memory_space<vmem>>) dst(%dma_wait3A_45 : memref<12288x32xf32, #tpu.memory_space<vmem_shared>>)
      tpu.yield
    }) : () -> ()
    %barrier3A_28 = arith.constant 0 : index
    tpu.barrier barrier_id(%barrier3A_28)
    %mul3A_29 = arith.constant 768 : i32
    %mul3A_30 = arith.muli %arg1, %mul3A_29 : i32
    "tpu.region"() ({
      %run_scoped3A_33 = tpu.sem_alloc : memref<!tpu.dma_semaphore, #tpu.memory_space<semaphore_mem>>
      %dma_start3A_34 = arith.constant 0 : i32
      %dma_start3A_35 = tpu.memref_slice %arg12[%mul3A_30, %dma_start3A_34] : memref<12288x32xf32, #tpu.memory_space<vmem_shared>> -> memref<768x32xf32, #tpu.memory_space<vmem_shared>>
      %dma_start3A_36 = arith.constant 0 : i32
      %dma_start3A_37 = tpu.memref_slice %arg12[%mul3A_30, %dma_start3A_36] : memref<12288x32xf32, #tpu.memory_space<vmem_shared>> -> memref<768x32xf32, #tpu.memory_space<vmem_shared>>
      tpu.enqueue_dma source(%dma_start3A_37 : memref<768x32xf32, #tpu.memory_space<vmem_shared>>) target(%arg10 : memref<768x32xf32, #tpu.memory_space<vmem>>) target_semaphore(%run_scoped3A_33 : memref<!tpu.dma_semaphore, #tpu.memory_space<semaphore_mem>>)
      %dma_wait3A_38 = arith.constant 0 : i32
      %dma_wait3A_39 = tpu.memref_slice %arg12[%mul3A_30, %dma_wait3A_38] : memref<12288x32xf32, #tpu.memory_space<vmem_shared>> -> memref<768x32xf32, #tpu.memory_space<vmem_shared>>
      %dma_wait3A_40 = arith.constant 0 : i32
      %dma_wait3A_41 = tpu.memref_slice %arg12[%mul3A_30, %dma_wait3A_40] : memref<12288x32xf32, #tpu.memory_space<vmem_shared>> -> memref<768x32xf32, #tpu.memory_space<vmem_shared>>
      tpu.wait_dma2 semaphore(%run_scoped3A_33 : memref<!tpu.dma_semaphore, #tpu.memory_space<semaphore_mem>>) src(%dma_wait3A_41 : memref<768x32xf32, #tpu.memory_space<vmem_shared>>) dst(%arg10 : memref<768x32xf32, #tpu.memory_space<vmem>>)
      tpu.yield
    }) : () -> ()
    %mul3A_31 = arith.constant 768 : i32
    %mul3A_32 = arith.muli %arg1, %mul3A_31 : i32
    "tpu.region"() ({
      %run_scoped3A_33 = tpu.sem_alloc : memref<!tpu.dma_semaphore, #tpu.memory_space<semaphore_mem>>
      %dma_start3A_34 = arith.constant 0 : i32
      %dma_start3A_35 = tpu.memref_slice %arg5[%arg0, %mul3A_32, %dma_start3A_34] : memref<2x12288x32xf32, #tpu.memory_space<hbm>> -> memref<1x768x32xf32, #tpu.memory_space<hbm>>
      %dma_start3A_36 = tpu.memref_squeeze %dma_start3A_35 : memref<1x768x32xf32, #tpu.memory_space<hbm>> -> memref<768x32xf32, #tpu.memory_space<hbm>>
      %dma_start3A_37 = arith.constant 0 : i32
      %dma_start3A_38 = tpu.memref_slice %arg5[%arg0, %mul3A_32, %dma_start3A_37] : memref<2x12288x32xf32, #tpu.memory_space<hbm>> -> memref<1x768x32xf32, #tpu.memory_space<hbm>>
      %dma_start3A_39 = tpu.memref_squeeze %dma_start3A_38 : memref<1x768x32xf32, #tpu.memory_space<hbm>> -> memref<768x32xf32, #tpu.memory_space<hbm>>
      tpu.enqueue_dma source(%arg10 : memref<768x32xf32, #tpu.memory_space<vmem>>) target(%dma_start3A_39 : memref<768x32xf32, #tpu.memory_space<hbm>>) target_semaphore(%run_scoped3A_33 : memref<!tpu.dma_semaphore, #tpu.memory_space<semaphore_mem>>)
      %dma_wait3A_40 = arith.constant 0 : i32
      %dma_wait3A_41 = tpu.memref_slice %arg5[%arg0, %mul3A_32, %dma_wait3A_40] : memref<2x12288x32xf32, #tpu.memory_space<hbm>> -> memref<1x768x32xf32, #tpu.memory_space<hbm>>
      %dma_wait3A_42 = tpu.memref_squeeze %dma_wait3A_41 : memref<1x768x32xf32, #tpu.memory_space<hbm>> -> memref<768x32xf32, #tpu.memory_space<hbm>>
      %dma_wait3A_43 = arith.constant 0 : i32
      %dma_wait3A_44 = tpu.memref_slice %arg5[%arg0, %mul3A_32, %dma_wait3A_43] : memref<2x12288x32xf32, #tpu.memory_space<hbm>> -> memref<1x768x32xf32, #tpu.memory_space<hbm>>
      %dma_wait3A_45 = tpu.memref_squeeze %dma_wait3A_44 : memref<1x768x32xf32, #tpu.memory_space<hbm>> -> memref<768x32xf32, #tpu.memory_space<hbm>>
      tpu.wait_dma2 semaphore(%run_scoped3A_33 : memref<!tpu.dma_semaphore, #tpu.memory_space<semaphore_mem>>) src(%arg10 : memref<768x32xf32, #tpu.memory_space<vmem>>) dst(%dma_wait3A_45 : memref<768x32xf32, #tpu.memory_space<hbm>>)
      tpu.yield
    }) : () -> ()
    return
  }
}

#map = affine_map<(d0, d1) -> (0, 0, 0, 0)>
#map1 = affine_map<(d0, d1) -> (0, 0)>
module attributes {stable_mosaic.version = 14 : i64} {
  func.func @_deg_body(%arg0: i32, %arg1: i32, %arg2: memref<2x16x157x128xi32, #tpu.memory_space<hbm>>, %arg3: memref<2x12288xf32, #tpu.memory_space<hbm>>, %arg4: memref<157x128xi32, #tpu.memory_space<vmem>>, %arg5: memref<128xf32, #tpu.memory_space<vmem>>, %arg6: memref<768xf32, #tpu.memory_space<vmem>>, %arg7: memref<12288xf32, #tpu.memory_space<vmem_shared>>, %arg8: memref<!tpu.dma_semaphore, #tpu.memory_space<semaphore_mem>>) attributes {dimension_semantics = [#tpu.dimension_semantics<core_parallel>, #tpu.dimension_semantics<subcore_parallel>], iteration_bounds = array<i64: 2, 16>, scalar_prefetch = 0 : i64, scratch_operands = 5 : i64, tpu.core_type = #tpu.core_type<sc_vector_subcore>, window_params = [{transform_indices = #map}, {transform_indices = #map1}]} {
    %broadcast_in_dim3A = arith.constant 1.000000e+00 : f32
    %broadcast_in_dim3A_0 = vector.broadcast %broadcast_in_dim3A : f32 to vector<16xf32>
    %swap3A = arith.constant 0 : index
    %swap3A_1 = tpu.vector_load %arg5[%swap3A] {strides = array<i32>} : memref<128xf32, #tpu.memory_space<vmem>>, vector<16xf32>,
    %swap3A_2 = vector.shape_cast %swap3A_1 : vector<16xf32> to vector<16xf32>
    %swap3A_3 = vector.shape_cast %broadcast_in_dim3A_0 : vector<16xf32> to vector<16xf32>
    tpu.vector_store %arg5[%swap3A], %swap3A_3 {strides = array<i32>} : memref<128xf32, #tpu.memory_space<vmem>>, vector<16xf32>,
    %broadcast_in_dim3A_4 = arith.constant 1.000000e+00 : f32
    %broadcast_in_dim3A_5 = vector.broadcast %broadcast_in_dim3A_4 : f32 to vector<16xf32>
    %swap3A_6 = arith.constant 16 : index
    %swap3A_7 = tpu.vector_load %arg5[%swap3A_6] {strides = array<i32>} : memref<128xf32, #tpu.memory_space<vmem>>, vector<16xf32>,
    %swap3A_8 = vector.shape_cast %swap3A_7 : vector<16xf32> to vector<16xf32>
    %swap3A_9 = vector.shape_cast %broadcast_in_dim3A_5 : vector<16xf32> to vector<16xf32>
    tpu.vector_store %arg5[%swap3A_6], %swap3A_9 {strides = array<i32>} : memref<128xf32, #tpu.memory_space<vmem>>, vector<16xf32>,
    %broadcast_in_dim3A_10 = arith.constant 1.000000e+00 : f32
    %broadcast_in_dim3A_11 = vector.broadcast %broadcast_in_dim3A_10 : f32 to vector<16xf32>
    %swap3A_12 = arith.constant 32 : index
    %swap3A_13 = tpu.vector_load %arg5[%swap3A_12] {strides = array<i32>} : memref<128xf32, #tpu.memory_space<vmem>>, vector<16xf32>,
    %swap3A_14 = vector.shape_cast %swap3A_13 : vector<16xf32> to vector<16xf32>
    %swap3A_15 = vector.shape_cast %broadcast_in_dim3A_11 : vector<16xf32> to vector<16xf32>
    tpu.vector_store %arg5[%swap3A_12], %swap3A_15 {strides = array<i32>} : memref<128xf32, #tpu.memory_space<vmem>>, vector<16xf32>,
    %broadcast_in_dim3A_16 = arith.constant 1.000000e+00 : f32
    %broadcast_in_dim3A_17 = vector.broadcast %broadcast_in_dim3A_16 : f32 to vector<16xf32>
    %swap3A_18 = arith.constant 48 : index
    %swap3A_19 = tpu.vector_load %arg5[%swap3A_18] {strides = array<i32>} : memref<128xf32, #tpu.memory_space<vmem>>, vector<16xf32>,
    %swap3A_20 = vector.shape_cast %swap3A_19 : vector<16xf32> to vector<16xf32>
    %swap3A_21 = vector.shape_cast %broadcast_in_dim3A_17 : vector<16xf32> to vector<16xf32>
    tpu.vector_store %arg5[%swap3A_18], %swap3A_21 {strides = array<i32>} : memref<128xf32, #tpu.memory_space<vmem>>, vector<16xf32>,
    %broadcast_in_dim3A_22 = arith.constant 1.000000e+00 : f32
    %broadcast_in_dim3A_23 = vector.broadcast %broadcast_in_dim3A_22 : f32 to vector<16xf32>
    %swap3A_24 = arith.constant 64 : index
    %swap3A_25 = tpu.vector_load %arg5[%swap3A_24] {strides = array<i32>} : memref<128xf32, #tpu.memory_space<vmem>>, vector<16xf32>,
    %swap3A_26 = vector.shape_cast %swap3A_25 : vector<16xf32> to vector<16xf32>
    %swap3A_27 = vector.shape_cast %broadcast_in_dim3A_23 : vector<16xf32> to vector<16xf32>
    tpu.vector_store %arg5[%swap3A_24], %swap3A_27 {strides = array<i32>} : memref<128xf32, #tpu.memory_space<vmem>>, vector<16xf32>,
    %broadcast_in_dim3A_28 = arith.constant 1.000000e+00 : f32
    %broadcast_in_dim3A_29 = vector.broadcast %broadcast_in_dim3A_28 : f32 to vector<16xf32>
    %swap3A_30 = arith.constant 80 : index
    %swap3A_31 = tpu.vector_load %arg5[%swap3A_30] {strides = array<i32>} : memref<128xf32, #tpu.memory_space<vmem>>, vector<16xf32>,
    %swap3A_32 = vector.shape_cast %swap3A_31 : vector<16xf32> to vector<16xf32>
    %swap3A_33 = vector.shape_cast %broadcast_in_dim3A_29 : vector<16xf32> to vector<16xf32>
    tpu.vector_store %arg5[%swap3A_30], %swap3A_33 {strides = array<i32>} : memref<128xf32, #tpu.memory_space<vmem>>, vector<16xf32>,
    %broadcast_in_dim3A_34 = arith.constant 1.000000e+00 : f32
    %broadcast_in_dim3A_35 = vector.broadcast %broadcast_in_dim3A_34 : f32 to vector<16xf32>
    %swap3A_36 = arith.constant 96 : index
    %swap3A_37 = tpu.vector_load %arg5[%swap3A_36] {strides = array<i32>} : memref<128xf32, #tpu.memory_space<vmem>>, vector<16xf32>,
    %swap3A_38 = vector.shape_cast %swap3A_37 : vector<16xf32> to vector<16xf32>
    %swap3A_39 = vector.shape_cast %broadcast_in_dim3A_35 : vector<16xf32> to vector<16xf32>
    tpu.vector_store %arg5[%swap3A_36], %swap3A_39 {strides = array<i32>} : memref<128xf32, #tpu.memory_space<vmem>>, vector<16xf32>,
    %broadcast_in_dim3A_40 = arith.constant 1.000000e+00 : f32
    %broadcast_in_dim3A_41 = vector.broadcast %broadcast_in_dim3A_40 : f32 to vector<16xf32>
    %swap3A_42 = arith.constant 112 : index
    %swap3A_43 = tpu.vector_load %arg5[%swap3A_42] {strides = array<i32>} : memref<128xf32, #tpu.memory_space<vmem>>, vector<16xf32>,
    %swap3A_44 = vector.shape_cast %swap3A_43 : vector<16xf32> to vector<16xf32>
    %swap3A_45 = vector.shape_cast %broadcast_in_dim3A_41 : vector<16xf32> to vector<16xf32>
    tpu.vector_store %arg5[%swap3A_42], %swap3A_45 {strides = array<i32>} : memref<128xf32, #tpu.memory_space<vmem>>, vector<16xf32>,
    %scan3A = arith.constant 0 : i32
    %scan3A_46 = arith.constant 0 : i32
    %scan3A_47 = arith.constant 48 : i32
    %scan3A_48 = arith.addi %scan3A_46, %scan3A_47 : i32
    %scan3A_49 = arith.constant 1 : i32
    scf.for %scan3A_69 = %scan3A_46 to %scan3A_48 step %scan3A_49  : i32 {
      %broadcast_in_dim3A_70 = arith.constant 0.000000e+00 : f32
      %broadcast_in_dim3A_71 = vector.broadcast %broadcast_in_dim3A_70 : f32 to vector<16xf32>
      %mul3A_72 = arith.constant 16 : i32
      %mul3A_73 = arith.muli %scan3A_69, %mul3A_72 : i32
      %swap3A_74 = arith.index_cast %mul3A_73 : i32 to index
      %swap3A_75 = tpu.vector_load %arg6[%swap3A_74] {strides = array<i32>} : memref<768xf32, #tpu.memory_space<vmem>>, vector<16xf32>,
      %swap3A_76 = vector.shape_cast %swap3A_75 : vector<16xf32> to vector<16xf32>
      %swap3A_77 = vector.shape_cast %broadcast_in_dim3A_71 : vector<16xf32> to vector<16xf32>
      tpu.vector_store %arg6[%swap3A_74], %swap3A_77 {strides = array<i32>} : memref<768xf32, #tpu.memory_space<vmem>>, vector<16xf32>,
    }
    %scan3A_50 = arith.constant 48 : i32
    %mul3A = arith.constant 768 : i32
    %mul3A_51 = arith.muli %arg1, %mul3A : i32
    "tpu.region"() ({
      %run_scoped3A = tpu.sem_alloc : memref<!tpu.dma_semaphore, #tpu.memory_space<semaphore_mem>>
      %dma_start3A = tpu.memref_slice %arg7[%mul3A_51] : memref<12288xf32, #tpu.memory_space<vmem_shared>> -> memref<768xf32, #tpu.memory_space<vmem_shared>>
      %dma_start3A_69 = tpu.memref_slice %arg7[%mul3A_51] : memref<12288xf32, #tpu.memory_space<vmem_shared>> -> memref<768xf32, #tpu.memory_space<vmem_shared>>
      tpu.enqueue_dma source(%arg6 : memref<768xf32, #tpu.memory_space<vmem>>) target(%dma_start3A_69 : memref<768xf32, #tpu.memory_space<vmem_shared>>) target_semaphore(%run_scoped3A : memref<!tpu.dma_semaphore, #tpu.memory_space<semaphore_mem>>)
      %dma_wait3A = tpu.memref_slice %arg7[%mul3A_51] : memref<12288xf32, #tpu.memory_space<vmem_shared>> -> memref<768xf32, #tpu.memory_space<vmem_shared>>
      %dma_wait3A_70 = tpu.memref_slice %arg7[%mul3A_51] : memref<12288xf32, #tpu.memory_space<vmem_shared>> -> memref<768xf32, #tpu.memory_space<vmem_shared>>
      tpu.wait_dma2 semaphore(%run_scoped3A : memref<!tpu.dma_semaphore, #tpu.memory_space<semaphore_mem>>) src(%arg6 : memref<768xf32, #tpu.memory_space<vmem>>) dst(%dma_wait3A_70 : memref<768xf32, #tpu.memory_space<vmem_shared>>)
      tpu.yield
    }) : () -> ()
    "tpu.region"() ({
      %run_scoped3A = tpu.sem_alloc : memref<!tpu.dma_semaphore, #tpu.memory_space<semaphore_mem>>
      %dma_start3A = arith.constant 0 : i32
      %dma_start3A_69 = arith.constant 0 : i32
      %dma_start3A_70 = tpu.memref_slice %arg2[%arg0, %arg1, %dma_start3A, %dma_start3A_69] : memref<2x16x157x128xi32, #tpu.memory_space<hbm>> -> memref<1x1x157x128xi32, #tpu.memory_space<hbm>>
      %dma_start3A_71 = tpu.memref_squeeze %dma_start3A_70 : memref<1x1x157x128xi32, #tpu.memory_space<hbm>> -> memref<157x128xi32, #tpu.memory_space<hbm>>
      %dma_start3A_72 = arith.constant 0 : i32
      %dma_start3A_73 = arith.constant 0 : i32
      %dma_start3A_74 = tpu.memref_slice %arg2[%arg0, %arg1, %dma_start3A_72, %dma_start3A_73] : memref<2x16x157x128xi32, #tpu.memory_space<hbm>> -> memref<1x1x157x128xi32, #tpu.memory_space<hbm>>
      %dma_start3A_75 = tpu.memref_squeeze %dma_start3A_74 : memref<1x1x157x128xi32, #tpu.memory_space<hbm>> -> memref<157x128xi32, #tpu.memory_space<hbm>>
      tpu.enqueue_dma source(%dma_start3A_75 : memref<157x128xi32, #tpu.memory_space<hbm>>) target(%arg4 : memref<157x128xi32, #tpu.memory_space<vmem>>) target_semaphore(%run_scoped3A : memref<!tpu.dma_semaphore, #tpu.memory_space<semaphore_mem>>)
      %dma_wait3A = arith.constant 0 : i32
      %dma_wait3A_76 = arith.constant 0 : i32
      %dma_wait3A_77 = tpu.memref_slice %arg2[%arg0, %arg1, %dma_wait3A, %dma_wait3A_76] : memref<2x16x157x128xi32, #tpu.memory_space<hbm>> -> memref<1x1x157x128xi32, #tpu.memory_space<hbm>>
      %dma_wait3A_78 = tpu.memref_squeeze %dma_wait3A_77 : memref<1x1x157x128xi32, #tpu.memory_space<hbm>> -> memref<157x128xi32, #tpu.memory_space<hbm>>
      %dma_wait3A_79 = arith.constant 0 : i32
      %dma_wait3A_80 = arith.constant 0 : i32
      %dma_wait3A_81 = tpu.memref_slice %arg2[%arg0, %arg1, %dma_wait3A_79, %dma_wait3A_80] : memref<2x16x157x128xi32, #tpu.memory_space<hbm>> -> memref<1x1x157x128xi32, #tpu.memory_space<hbm>>
      %dma_wait3A_82 = tpu.memref_squeeze %dma_wait3A_81 : memref<1x1x157x128xi32, #tpu.memory_space<hbm>> -> memref<157x128xi32, #tpu.memory_space<hbm>>
      tpu.wait_dma2 semaphore(%run_scoped3A : memref<!tpu.dma_semaphore, #tpu.memory_space<semaphore_mem>>) src(%dma_wait3A_82 : memref<157x128xi32, #tpu.memory_space<hbm>>) dst(%arg4 : memref<157x128xi32, #tpu.memory_space<vmem>>)
      tpu.yield
    }) : () -> ()
    %barrier3A = arith.constant 0 : index
    tpu.barrier barrier_id(%barrier3A)
    %scan3A_52 = arith.constant 0 : i32
    %scan3A_53 = arith.constant 0 : i32
    %scan3A_54 = arith.constant 157 : i32
    %scan3A_55 = arith.addi %scan3A_53, %scan3A_54 : i32
    %scan3A_56 = arith.constant 1 : i32
    scf.for %scan3A_69 = %scan3A_53 to %scan3A_55 step %scan3A_56  : i32 {
      %dma_start3A = arith.constant 0 : i32
      %dma_start3A_70 = tpu.memref_slice %arg4[%scan3A_69, %dma_start3A] : memref<157x128xi32, #tpu.memory_space<vmem>> -> memref<1x128xi32, #tpu.memory_space<vmem>>
      %dma_start3A_71 = tpu.memref_squeeze %dma_start3A_70 : memref<1x128xi32, #tpu.memory_space<vmem>> -> memref<128xi32, #tpu.memory_space<vmem>>
      %dma_start3A_72 = arith.constant 0 : i32
      %dma_start3A_73 = tpu.memref_slice %arg7[%dma_start3A_72] : memref<12288xf32, #tpu.memory_space<vmem_shared>> -> memref<12288xf32, #tpu.memory_space<vmem_shared>>
      tpu.enqueue_indirect_dma source(%arg5 : memref<128xf32, #tpu.memory_space<vmem>>) target(%dma_start3A_73 : memref<12288xf32, #tpu.memory_space<vmem_shared>>) offsets(%dma_start3A_71 : memref<128xi32, #tpu.memory_space<vmem>>) semaphore(%arg8 : memref<!tpu.dma_semaphore, #tpu.memory_space<semaphore_mem>>) {add = true}
      %ge3A = arith.constant 8 : i32
      %ge3A_74 = arith.cmpi sge, %scan3A_69, %ge3A : i32
      %convert_element_type3A = arith.extui %ge3A_74 : i1 to i32
      %cond3A = arith.constant 0 : i32
      %cond3A_75 = arith.cmpi ne, %convert_element_type3A, %cond3A : i32
      scf.if %cond3A_75 {
        %dma_wait3A = arith.constant 0 : i32
        %dma_wait3A_76 = arith.constant 0 : i32
        %dma_wait3A_77 = tpu.memref_slice %arg4[%dma_wait3A, %dma_wait3A_76] : memref<157x128xi32, #tpu.memory_space<vmem>> -> memref<1x128xi32, #tpu.memory_space<vmem>>
        %dma_wait3A_78 = tpu.memref_squeeze %dma_wait3A_77 : memref<1x128xi32, #tpu.memory_space<vmem>> -> memref<128xi32, #tpu.memory_space<vmem>>
        %dma_wait3A_79 = arith.constant 0 : i32
        %dma_wait3A_80 = tpu.memref_slice %arg7[%dma_wait3A_79] : memref<12288xf32, #tpu.memory_space<vmem_shared>> -> memref<12288xf32, #tpu.memory_space<vmem_shared>>
        tpu.wait_indirect_dma semaphore(%arg8 : memref<!tpu.dma_semaphore, #tpu.memory_space<semaphore_mem>>) src(%arg5 : memref<128xf32, #tpu.memory_space<vmem>>) dst(%dma_wait3A_80 : memref<12288xf32, #tpu.memory_space<vmem_shared>>)
      } else {
      }
    }
    %scan3A_57 = arith.constant 157 : i32
    %scan3A_58 = arith.constant 0 : i32
    %scan3A_59 = arith.constant 0 : i32
    %scan3A_60 = arith.constant 8 : i32
    %scan3A_61 = arith.addi %scan3A_59, %scan3A_60 : i32
    %scan3A_62 = arith.constant 1 : i32
    scf.for %scan3A_69 = %scan3A_59 to %scan3A_61 step %scan3A_62  : i32 {
      %dma_wait3A = arith.constant 0 : i32
      %dma_wait3A_70 = arith.constant 0 : i32
      %dma_wait3A_71 = tpu.memref_slice %arg4[%dma_wait3A, %dma_wait3A_70] : memref<157x128xi32, #tpu.memory_space<vmem>> -> memref<1x128xi32, #tpu.memory_space<vmem>>
      %dma_wait3A_72 = tpu.memref_squeeze %dma_wait3A_71 : memref<1x128xi32, #tpu.memory_space<vmem>> -> memref<128xi32, #tpu.memory_space<vmem>>
      %dma_wait3A_73 = arith.constant 0 : i32
      %dma_wait3A_74 = tpu.memref_slice %arg7[%dma_wait3A_73] : memref<12288xf32, #tpu.memory_space<vmem_shared>> -> memref<12288xf32, #tpu.memory_space<vmem_shared>>
      tpu.wait_indirect_dma semaphore(%arg8 : memref<!tpu.dma_semaphore, #tpu.memory_space<semaphore_mem>>) src(%arg5 : memref<128xf32, #tpu.memory_space<vmem>>) dst(%dma_wait3A_74 : memref<12288xf32, #tpu.memory_space<vmem_shared>>)
    }
    %scan3A_63 = arith.constant 8 : i32
    %barrier3A_64 = arith.constant 0 : index
    tpu.barrier barrier_id(%barrier3A_64)
    %mul3A_65 = arith.constant 768 : i32
    %mul3A_66 = arith.muli %arg1, %mul3A_65 : i32
    "tpu.region"() ({
      %run_scoped3A = tpu.sem_alloc : memref<!tpu.dma_semaphore, #tpu.memory_space<semaphore_mem>>
      %dma_start3A = tpu.memref_slice %arg7[%mul3A_66] : memref<12288xf32, #tpu.memory_space<vmem_shared>> -> memref<768xf32, #tpu.memory_space<vmem_shared>>
      %dma_start3A_69 = tpu.memref_slice %arg7[%mul3A_66] : memref<12288xf32, #tpu.memory_space<vmem_shared>> -> memref<768xf32, #tpu.memory_space<vmem_shared>>
      tpu.enqueue_dma source(%dma_start3A_69 : memref<768xf32, #tpu.memory_space<vmem_shared>>) target(%arg6 : memref<768xf32, #tpu.memory_space<vmem>>) target_semaphore(%run_scoped3A : memref<!tpu.dma_semaphore, #tpu.memory_space<semaphore_mem>>)
      %dma_wait3A = tpu.memref_slice %arg7[%mul3A_66] : memref<12288xf32, #tpu.memory_space<vmem_shared>> -> memref<768xf32, #tpu.memory_space<vmem_shared>>
      %dma_wait3A_70 = tpu.memref_slice %arg7[%mul3A_66] : memref<12288xf32, #tpu.memory_space<vmem_shared>> -> memref<768xf32, #tpu.memory_space<vmem_shared>>
      tpu.wait_dma2 semaphore(%run_scoped3A : memref<!tpu.dma_semaphore, #tpu.memory_space<semaphore_mem>>) src(%dma_wait3A_70 : memref<768xf32, #tpu.memory_space<vmem_shared>>) dst(%arg6 : memref<768xf32, #tpu.memory_space<vmem>>)
      tpu.yield
    }) : () -> ()
    %mul3A_67 = arith.constant 768 : i32
    %mul3A_68 = arith.muli %arg1, %mul3A_67 : i32
    "tpu.region"() ({
      %run_scoped3A = tpu.sem_alloc : memref<!tpu.dma_semaphore, #tpu.memory_space<semaphore_mem>>
      %dma_start3A = tpu.memref_slice %arg3[%arg0, %mul3A_68] : memref<2x12288xf32, #tpu.memory_space<hbm>> -> memref<1x768xf32, #tpu.memory_space<hbm>>
      %dma_start3A_69 = tpu.memref_squeeze %dma_start3A : memref<1x768xf32, #tpu.memory_space<hbm>> -> memref<768xf32, #tpu.memory_space<hbm>>
      %dma_start3A_70 = tpu.memref_slice %arg3[%arg0, %mul3A_68] : memref<2x12288xf32, #tpu.memory_space<hbm>> -> memref<1x768xf32, #tpu.memory_space<hbm>>
      %dma_start3A_71 = tpu.memref_squeeze %dma_start3A_70 : memref<1x768xf32, #tpu.memory_space<hbm>> -> memref<768xf32, #tpu.memory_space<hbm>>
      tpu.enqueue_dma source(%arg6 : memref<768xf32, #tpu.memory_space<vmem>>) target(%dma_start3A_71 : memref<768xf32, #tpu.memory_space<hbm>>) target_semaphore(%run_scoped3A : memref<!tpu.dma_semaphore, #tpu.memory_space<semaphore_mem>>)
      %dma_wait3A = tpu.memref_slice %arg3[%arg0, %mul3A_68] : memref<2x12288xf32, #tpu.memory_space<hbm>> -> memref<1x768xf32, #tpu.memory_space<hbm>>
      %dma_wait3A_72 = tpu.memref_squeeze %dma_wait3A : memref<1x768xf32, #tpu.memory_space<hbm>> -> memref<768xf32, #tpu.memory_space<hbm>>
      %dma_wait3A_73 = tpu.memref_slice %arg3[%arg0, %mul3A_68] : memref<2x12288xf32, #tpu.memory_space<hbm>> -> memref<1x768xf32, #tpu.memory_space<hbm>>
      %dma_wait3A_74 = tpu.memref_squeeze %dma_wait3A_73 : memref<1x768xf32, #tpu.memory_space<hbm>> -> memref<768xf32, #tpu.memory_space<hbm>>
      tpu.wait_dma2 semaphore(%run_scoped3A : memref<!tpu.dma_semaphore, #tpu.memory_space<semaphore_mem>>) src(%arg6 : memref<768xf32, #tpu.memory_space<vmem>>) dst(%dma_wait3A_74 : memref<768xf32, #tpu.memory_space<hbm>>)
      tpu.yield
    }) : () -> ()
    return
  }
}

#map = affine_map<(d0, d1) -> (0, 0, 0)>
#map1 = affine_map<(d0, d1) -> (0, 0, 0, 0)>
module attributes {stable_mosaic.version = 14 : i64} {
  func.func @_scat_body(%arg0: i32, %arg1: i32, %arg2: memref<2x10016x32xf32, #tpu.memory_space<hbm>>, %arg3: memref<16x157x128xi32, #tpu.memory_space<hbm>>, %arg4: memref<2x16x157x128xi32, #tpu.memory_space<hbm>>, %arg5: memref<2x12288x32xf32, #tpu.memory_space<hbm>>, %arg6: memref<157x128xi32, #tpu.memory_space<vmem>>, %arg7: memref<157x128xi32, #tpu.memory_space<vmem>>, %arg8: memref<128x32xf32, #tpu.memory_space<vmem>>, %arg9: memref<128x32xf32, #tpu.memory_space<vmem>>, %arg10: memref<768x32xf32, #tpu.memory_space<vmem>>, %arg11: memref<10016x32xf32, #tpu.memory_space<vmem_shared>>, %arg12: memref<12288x32xf32, #tpu.memory_space<vmem_shared>>, %arg13: memref<!tpu.dma_semaphore, #tpu.memory_space<semaphore_mem>>, %arg14: memref<!tpu.dma_semaphore, #tpu.memory_space<semaphore_mem>>) attributes {dimension_semantics = [#tpu.dimension_semantics<core_parallel>, #tpu.dimension_semantics<subcore_parallel>], iteration_bounds = array<i64: 2, 16>, scalar_prefetch = 0 : i64, scratch_operands = 9 : i64, tpu.core_type = #tpu.core_type<sc_vector_subcore>, window_params = [{transform_indices = #map}, {transform_indices = #map}, {transform_indices = #map1}, {transform_indices = #map}]} {
    %scan3A = arith.constant 0 : i32
    %scan3A_0 = arith.constant 0 : i32
    %scan3A_1 = arith.constant 768 : i32
    %scan3A_2 = arith.addi %scan3A_0, %scan3A_1 : i32
    %scan3A_3 = arith.constant 1 : i32
    scf.for %scan3A_33 = %scan3A_0 to %scan3A_2 step %scan3A_3  : i32 {
      %broadcast_in_dim3A = arith.constant 0.000000e+00 : f32
      %broadcast_in_dim3A_34 = vector.broadcast %broadcast_in_dim3A : f32 to vector<16xf32>
      %swap3A = arith.index_cast %scan3A_33 : i32 to index
      %swap3A_35 = arith.constant 0 : index
      %swap3A_36 = tpu.vector_load %arg10[%swap3A, %swap3A_35] {strides = array<i32>} : memref<768x32xf32, #tpu.memory_space<vmem>>, vector<1x16xf32>,
      %swap3A_37 = vector.shape_cast %swap3A_36 : vector<1x16xf32> to vector<16xf32>
      %swap3A_38 = vector.shape_cast %broadcast_in_dim3A_34 : vector<16xf32> to vector<1x16xf32>
      tpu.vector_store %arg10[%swap3A, %swap3A_35], %swap3A_38 {strides = array<i32>} : memref<768x32xf32, #tpu.memory_space<vmem>>, vector<1x16xf32>,
      %broadcast_in_dim3A_39 = arith.constant 0.000000e+00 : f32
      %broadcast_in_dim3A_40 = vector.broadcast %broadcast_in_dim3A_39 : f32 to vector<16xf32>
      %swap3A_41 = arith.index_cast %scan3A_33 : i32 to index
      %swap3A_42 = arith.constant 16 : index
      %swap3A_43 = tpu.vector_load %arg10[%swap3A_41, %swap3A_42] {strides = array<i32>} : memref<768x32xf32, #tpu.memory_space<vmem>>, vector<1x16xf32>,
      %swap3A_44 = vector.shape_cast %swap3A_43 : vector<1x16xf32> to vector<16xf32>
      %swap3A_45 = vector.shape_cast %broadcast_in_dim3A_40 : vector<16xf32> to vector<1x16xf32>
      tpu.vector_store %arg10[%swap3A_41, %swap3A_42], %swap3A_45 {strides = array<i32>} : memref<768x32xf32, #tpu.memory_space<vmem>>, vector<1x16xf32>,
    }
    %scan3A_4 = arith.constant 768 : i32
    %mul3A = arith.constant 768 : i32
    %mul3A_5 = arith.muli %arg1, %mul3A : i32
    "tpu.region"() ({
      %run_scoped3A_33 = tpu.sem_alloc : memref<!tpu.dma_semaphore, #tpu.memory_space<semaphore_mem>>
      %dma_start3A_34 = arith.constant 0 : i32
      %dma_start3A_35 = tpu.memref_slice %arg12[%mul3A_5, %dma_start3A_34] : memref<12288x32xf32, #tpu.memory_space<vmem_shared>> -> memref<768x32xf32, #tpu.memory_space<vmem_shared>>
      %dma_start3A_36 = arith.constant 0 : i32
      %dma_start3A_37 = tpu.memref_slice %arg12[%mul3A_5, %dma_start3A_36] : memref<12288x32xf32, #tpu.memory_space<vmem_shared>> -> memref<768x32xf32, #tpu.memory_space<vmem_shared>>
      tpu.enqueue_dma source(%arg10 : memref<768x32xf32, #tpu.memory_space<vmem>>) target(%dma_start3A_37 : memref<768x32xf32, #tpu.memory_space<vmem_shared>>) target_semaphore(%run_scoped3A_33 : memref<!tpu.dma_semaphore, #tpu.memory_space<semaphore_mem>>)
      %dma_wait3A_38 = arith.constant 0 : i32
      %dma_wait3A_39 = tpu.memref_slice %arg12[%mul3A_5, %dma_wait3A_38] : memref<12288x32xf32, #tpu.memory_space<vmem_shared>> -> memref<768x32xf32, #tpu.memory_space<vmem_shared>>
      %dma_wait3A_40 = arith.constant 0 : i32
      %dma_wait3A_41 = tpu.memref_slice %arg12[%mul3A_5, %dma_wait3A_40] : memref<12288x32xf32, #tpu.memory_space<vmem_shared>> -> memref<768x32xf32, #tpu.memory_space<vmem_shared>>
      tpu.wait_dma2 semaphore(%run_scoped3A_33 : memref<!tpu.dma_semaphore, #tpu.memory_space<semaphore_mem>>) src(%arg10 : memref<768x32xf32, #tpu.memory_space<vmem>>) dst(%dma_wait3A_41 : memref<768x32xf32, #tpu.memory_space<vmem_shared>>)
      tpu.yield
    }) : () -> ()
    %mul3A_6 = arith.constant 626 : i32
    %mul3A_7 = arith.muli %arg1, %mul3A_6 : i32
    %mul3A_8 = arith.constant 626 : i32
    %mul3A_9 = arith.muli %arg1, %mul3A_8 : i32
    "tpu.region"() ({
      %run_scoped3A_33 = tpu.sem_alloc : memref<!tpu.dma_semaphore, #tpu.memory_space<semaphore_mem>>
      %dma_start3A_34 = arith.constant 0 : i32
      %dma_start3A_35 = tpu.memref_slice %arg11[%mul3A_9, %dma_start3A_34] : memref<10016x32xf32, #tpu.memory_space<vmem_shared>> -> memref<626x32xf32, #tpu.memory_space<vmem_shared>>
      %dma_start3A_36 = arith.constant 0 : i32
      %dma_start3A_37 = tpu.memref_slice %arg2[%arg0, %mul3A_7, %dma_start3A_36] : memref<2x10016x32xf32, #tpu.memory_space<hbm>> -> memref<1x626x32xf32, #tpu.memory_space<hbm>>
      %dma_start3A_38 = tpu.memref_squeeze %dma_start3A_37 : memref<1x626x32xf32, #tpu.memory_space<hbm>> -> memref<626x32xf32, #tpu.memory_space<hbm>>
      tpu.enqueue_dma source(%dma_start3A_38 : memref<626x32xf32, #tpu.memory_space<hbm>>) target(%dma_start3A_35 : memref<626x32xf32, #tpu.memory_space<vmem_shared>>) target_semaphore(%run_scoped3A_33 : memref<!tpu.dma_semaphore, #tpu.memory_space<semaphore_mem>>)
      %dma_wait3A_39 = arith.constant 0 : i32
      %dma_wait3A_40 = tpu.memref_slice %arg11[%mul3A_9, %dma_wait3A_39] : memref<10016x32xf32, #tpu.memory_space<vmem_shared>> -> memref<626x32xf32, #tpu.memory_space<vmem_shared>>
      %dma_wait3A_41 = arith.constant 0 : i32
      %dma_wait3A_42 = tpu.memref_slice %arg2[%arg0, %mul3A_7, %dma_wait3A_41] : memref<2x10016x32xf32, #tpu.memory_space<hbm>> -> memref<1x626x32xf32, #tpu.memory_space<hbm>>
      %dma_wait3A_43 = tpu.memref_squeeze %dma_wait3A_42 : memref<1x626x32xf32, #tpu.memory_space<hbm>> -> memref<626x32xf32, #tpu.memory_space<hbm>>
      tpu.wait_dma2 semaphore(%run_scoped3A_33 : memref<!tpu.dma_semaphore, #tpu.memory_space<semaphore_mem>>) src(%dma_wait3A_43 : memref<626x32xf32, #tpu.memory_space<hbm>>) dst(%dma_wait3A_40 : memref<626x32xf32, #tpu.memory_space<vmem_shared>>)
      tpu.yield
    }) : () -> ()
    "tpu.region"() ({
      %run_scoped3A_33 = tpu.sem_alloc : memref<!tpu.dma_semaphore, #tpu.memory_space<semaphore_mem>>
      %dma_start3A_34 = arith.constant 0 : i32
      %dma_start3A_35 = arith.constant 0 : i32
      %dma_start3A_36 = tpu.memref_slice %arg3[%arg1, %dma_start3A_34, %dma_start3A_35] : memref<16x157x128xi32, #tpu.memory_space<hbm>> -> memref<1x157x128xi32, #tpu.memory_space<hbm>>
      %dma_start3A_37 = tpu.memref_squeeze %dma_start3A_36 : memref<1x157x128xi32, #tpu.memory_space<hbm>> -> memref<157x128xi32, #tpu.memory_space<hbm>>
      %dma_start3A_38 = arith.constant 0 : i32
      %dma_start3A_39 = arith.constant 0 : i32
      %dma_start3A_40 = tpu.memref_slice %arg3[%arg1, %dma_start3A_38, %dma_start3A_39] : memref<16x157x128xi32, #tpu.memory_space<hbm>> -> memref<1x157x128xi32, #tpu.memory_space<hbm>>
      %dma_start3A_41 = tpu.memref_squeeze %dma_start3A_40 : memref<1x157x128xi32, #tpu.memory_space<hbm>> -> memref<157x128xi32, #tpu.memory_space<hbm>>
      tpu.enqueue_dma source(%dma_start3A_41 : memref<157x128xi32, #tpu.memory_space<hbm>>) target(%arg6 : memref<157x128xi32, #tpu.memory_space<vmem>>) target_semaphore(%run_scoped3A_33 : memref<!tpu.dma_semaphore, #tpu.memory_space<semaphore_mem>>)
      %dma_wait3A_42 = arith.constant 0 : i32
      %dma_wait3A_43 = arith.constant 0 : i32
      %dma_wait3A_44 = tpu.memref_slice %arg3[%arg1, %dma_wait3A_42, %dma_wait3A_43] : memref<16x157x128xi32, #tpu.memory_space<hbm>> -> memref<1x157x128xi32, #tpu.memory_space<hbm>>
      %dma_wait3A_45 = tpu.memref_squeeze %dma_wait3A_44 : memref<1x157x128xi32, #tpu.memory_space<hbm>> -> memref<157x128xi32, #tpu.memory_space<hbm>>
      %dma_wait3A_46 = arith.constant 0 : i32
      %dma_wait3A_47 = arith.constant 0 : i32
      %dma_wait3A_48 = tpu.memref_slice %arg3[%arg1, %dma_wait3A_46, %dma_wait3A_47] : memref<16x157x128xi32, #tpu.memory_space<hbm>> -> memref<1x157x128xi32, #tpu.memory_space<hbm>>
      %dma_wait3A_49 = tpu.memref_squeeze %dma_wait3A_48 : memref<1x157x128xi32, #tpu.memory_space<hbm>> -> memref<157x128xi32, #tpu.memory_space<hbm>>
      tpu.wait_dma2 semaphore(%run_scoped3A_33 : memref<!tpu.dma_semaphore, #tpu.memory_space<semaphore_mem>>) src(%dma_wait3A_49 : memref<157x128xi32, #tpu.memory_space<hbm>>) dst(%arg6 : memref<157x128xi32, #tpu.memory_space<vmem>>)
      tpu.yield
    }) : () -> ()
    "tpu.region"() ({
      %run_scoped3A_33 = tpu.sem_alloc : memref<!tpu.dma_semaphore, #tpu.memory_space<semaphore_mem>>
      %dma_start3A_34 = arith.constant 0 : i32
      %dma_start3A_35 = arith.constant 0 : i32
      %dma_start3A_36 = tpu.memref_slice %arg4[%arg0, %arg1, %dma_start3A_34, %dma_start3A_35] : memref<2x16x157x128xi32, #tpu.memory_space<hbm>> -> memref<1x1x157x128xi32, #tpu.memory_space<hbm>>
      %dma_start3A_37 = tpu.memref_squeeze %dma_start3A_36 : memref<1x1x157x128xi32, #tpu.memory_space<hbm>> -> memref<157x128xi32, #tpu.memory_space<hbm>>
      %dma_start3A_38 = arith.constant 0 : i32
      %dma_start3A_39 = arith.constant 0 : i32
      %dma_start3A_40 = tpu.memref_slice %arg4[%arg0, %arg1, %dma_start3A_38, %dma_start3A_39] : memref<2x16x157x128xi32, #tpu.memory_space<hbm>> -> memref<1x1x157x128xi32, #tpu.memory_space<hbm>>
      %dma_start3A_41 = tpu.memref_squeeze %dma_start3A_40 : memref<1x1x157x128xi32, #tpu.memory_space<hbm>> -> memref<157x128xi32, #tpu.memory_space<hbm>>
      tpu.enqueue_dma source(%dma_start3A_41 : memref<157x128xi32, #tpu.memory_space<hbm>>) target(%arg7 : memref<157x128xi32, #tpu.memory_space<vmem>>) target_semaphore(%run_scoped3A_33 : memref<!tpu.dma_semaphore, #tpu.memory_space<semaphore_mem>>)
      %dma_wait3A_42 = arith.constant 0 : i32
      %dma_wait3A_43 = arith.constant 0 : i32
      %dma_wait3A_44 = tpu.memref_slice %arg4[%arg0, %arg1, %dma_wait3A_42, %dma_wait3A_43] : memref<2x16x157x128xi32, #tpu.memory_space<hbm>> -> memref<1x1x157x128xi32, #tpu.memory_space<hbm>>
      %dma_wait3A_45 = tpu.memref_squeeze %dma_wait3A_44 : memref<1x1x157x128xi32, #tpu.memory_space<hbm>> -> memref<157x128xi32, #tpu.memory_space<hbm>>
      %dma_wait3A_46 = arith.constant 0 : i32
      %dma_wait3A_47 = arith.constant 0 : i32
      %dma_wait3A_48 = tpu.memref_slice %arg4[%arg0, %arg1, %dma_wait3A_46, %dma_wait3A_47] : memref<2x16x157x128xi32, #tpu.memory_space<hbm>> -> memref<1x1x157x128xi32, #tpu.memory_space<hbm>>
      %dma_wait3A_49 = tpu.memref_squeeze %dma_wait3A_48 : memref<1x1x157x128xi32, #tpu.memory_space<hbm>> -> memref<157x128xi32, #tpu.memory_space<hbm>>
      tpu.wait_dma2 semaphore(%run_scoped3A_33 : memref<!tpu.dma_semaphore, #tpu.memory_space<semaphore_mem>>) src(%dma_wait3A_49 : memref<157x128xi32, #tpu.memory_space<hbm>>) dst(%arg7 : memref<157x128xi32, #tpu.memory_space<vmem>>)
      tpu.yield
    }) : () -> ()
    %barrier3A = arith.constant 0 : index
    tpu.barrier barrier_id(%barrier3A)
    %dma_start3A = arith.constant 0 : i32
    %dma_start3A_10 = arith.constant 0 : i32
    %dma_start3A_11 = tpu.memref_slice %arg6[%dma_start3A, %dma_start3A_10] : memref<157x128xi32, #tpu.memory_space<vmem>> -> memref<1x128xi32, #tpu.memory_space<vmem>>
    %dma_start3A_12 = tpu.memref_squeeze %dma_start3A_11 : memref<1x128xi32, #tpu.memory_space<vmem>> -> memref<128xi32, #tpu.memory_space<vmem>>
    %dma_start3A_13 = arith.constant 0 : i32
    %dma_start3A_14 = arith.constant 0 : i32
    %dma_start3A_15 = tpu.memref_slice %arg11[%dma_start3A_13, %dma_start3A_14] : memref<10016x32xf32, #tpu.memory_space<vmem_shared>> -> memref<10016x32xf32, #tpu.memory_space<vmem_shared>>
    tpu.enqueue_indirect_dma source(%dma_start3A_15 : memref<10016x32xf32, #tpu.memory_space<vmem_shared>>) target(%arg8 : memref<128x32xf32, #tpu.memory_space<vmem>>) offsets(%dma_start3A_12 : memref<128xi32, #tpu.memory_space<vmem>>) semaphore(%arg13 : memref<!tpu.dma_semaphore, #tpu.memory_space<semaphore_mem>>)
    %scan3A_16 = arith.constant 0 : i32
    %scan3A_17 = arith.constant 0 : i32
    %scan3A_18 = arith.constant 78 : i32
    %scan3A_19 = arith.addi %scan3A_17, %scan3A_18 : i32
    %scan3A_20 = arith.constant 1 : i32
    scf.for %scan3A_33 = %scan3A_17 to %scan3A_19 step %scan3A_20  : i32 {
      %mul3A_34 = arith.constant 2 : i32
      %mul3A_35 = arith.muli %mul3A_34, %scan3A_33 : i32
      %dma_wait3A_36 = arith.constant 0 : i32
      %dma_wait3A_37 = arith.constant 0 : i32
      %dma_wait3A_38 = tpu.memref_slice %arg6[%dma_wait3A_36, %dma_wait3A_37] : memref<157x128xi32, #tpu.memory_space<vmem>> -> memref<1x128xi32, #tpu.memory_space<vmem>>
      %dma_wait3A_39 = tpu.memref_squeeze %dma_wait3A_38 : memref<1x128xi32, #tpu.memory_space<vmem>> -> memref<128xi32, #tpu.memory_space<vmem>>
      %dma_wait3A_40 = arith.constant 0 : i32
      %dma_wait3A_41 = arith.constant 0 : i32
      %dma_wait3A_42 = tpu.memref_slice %arg11[%dma_wait3A_40, %dma_wait3A_41] : memref<10016x32xf32, #tpu.memory_space<vmem_shared>> -> memref<10016x32xf32, #tpu.memory_space<vmem_shared>>
      tpu.wait_indirect_dma semaphore(%arg13 : memref<!tpu.dma_semaphore, #tpu.memory_space<semaphore_mem>>) src(%dma_wait3A_42 : memref<10016x32xf32, #tpu.memory_space<vmem_shared>>) dst(%arg8 : memref<128x32xf32, #tpu.memory_space<vmem>>)
      %add3A = arith.constant 1 : i32
      %add3A_43 = arith.addi %mul3A_35, %add3A : i32
      %dma_start3A_44 = arith.constant 0 : i32
      %dma_start3A_45 = tpu.memref_slice %arg6[%add3A_43, %dma_start3A_44] : memref<157x128xi32, #tpu.memory_space<vmem>> -> memref<1x128xi32, #tpu.memory_space<vmem>>
      %dma_start3A_46 = tpu.memref_squeeze %dma_start3A_45 : memref<1x128xi32, #tpu.memory_space<vmem>> -> memref<128xi32, #tpu.memory_space<vmem>>
      %dma_start3A_47 = arith.constant 0 : i32
      %dma_start3A_48 = arith.constant 0 : i32
      %dma_start3A_49 = tpu.memref_slice %arg11[%dma_start3A_47, %dma_start3A_48] : memref<10016x32xf32, #tpu.memory_space<vmem_shared>> -> memref<10016x32xf32, #tpu.memory_space<vmem_shared>>
      tpu.enqueue_indirect_dma source(%dma_start3A_49 : memref<10016x32xf32, #tpu.memory_space<vmem_shared>>) target(%arg9 : memref<128x32xf32, #tpu.memory_space<vmem>>) offsets(%dma_start3A_46 : memref<128xi32, #tpu.memory_space<vmem>>) semaphore(%arg14 : memref<!tpu.dma_semaphore, #tpu.memory_space<semaphore_mem>>)
      "tpu.region"() ({
        %run_scoped3A_63 = tpu.sem_alloc : memref<!tpu.dma_semaphore, #tpu.memory_space<semaphore_mem>>
        %dma_start3A_64 = arith.constant 0 : i32
        %dma_start3A_65 = tpu.memref_slice %arg7[%mul3A_35, %dma_start3A_64] : memref<157x128xi32, #tpu.memory_space<vmem>> -> memref<1x128xi32, #tpu.memory_space<vmem>>
        %dma_start3A_66 = tpu.memref_squeeze %dma_start3A_65 : memref<1x128xi32, #tpu.memory_space<vmem>> -> memref<128xi32, #tpu.memory_space<vmem>>
        %dma_start3A_67 = arith.constant 0 : i32
        %dma_start3A_68 = arith.constant 0 : i32
        %dma_start3A_69 = tpu.memref_slice %arg12[%dma_start3A_67, %dma_start3A_68] : memref<12288x32xf32, #tpu.memory_space<vmem_shared>> -> memref<12288x32xf32, #tpu.memory_space<vmem_shared>>
        tpu.enqueue_indirect_dma source(%arg8 : memref<128x32xf32, #tpu.memory_space<vmem>>) target(%dma_start3A_69 : memref<12288x32xf32, #tpu.memory_space<vmem_shared>>) offsets(%dma_start3A_66 : memref<128xi32, #tpu.memory_space<vmem>>) semaphore(%run_scoped3A_63 : memref<!tpu.dma_semaphore, #tpu.memory_space<semaphore_mem>>) {add = true}
        %dma_wait3A_70 = arith.constant 0 : i32
        %dma_wait3A_71 = tpu.memref_slice %arg7[%mul3A_35, %dma_wait3A_70] : memref<157x128xi32, #tpu.memory_space<vmem>> -> memref<1x128xi32, #tpu.memory_space<vmem>>
        %dma_wait3A_72 = tpu.memref_squeeze %dma_wait3A_71 : memref<1x128xi32, #tpu.memory_space<vmem>> -> memref<128xi32, #tpu.memory_space<vmem>>
        %dma_wait3A_73 = arith.constant 0 : i32
        %dma_wait3A_74 = arith.constant 0 : i32
        %dma_wait3A_75 = tpu.memref_slice %arg12[%dma_wait3A_73, %dma_wait3A_74] : memref<12288x32xf32, #tpu.memory_space<vmem_shared>> -> memref<12288x32xf32, #tpu.memory_space<vmem_shared>>
        tpu.wait_indirect_dma semaphore(%run_scoped3A_63 : memref<!tpu.dma_semaphore, #tpu.memory_space<semaphore_mem>>) src(%arg8 : memref<128x32xf32, #tpu.memory_space<vmem>>) dst(%dma_wait3A_75 : memref<12288x32xf32, #tpu.memory_space<vmem_shared>>)
        tpu.yield
      }) : () -> ()
      %dma_wait3A_50 = arith.constant 0 : i32
      %dma_wait3A_51 = arith.constant 0 : i32
      %dma_wait3A_52 = tpu.memref_slice %arg6[%dma_wait3A_50, %dma_wait3A_51] : memref<157x128xi32, #tpu.memory_space<vmem>> -> memref<1x128xi32, #tpu.memory_space<vmem>>
      %dma_wait3A_53 = tpu.memref_squeeze %dma_wait3A_52 : memref<1x128xi32, #tpu.memory_space<vmem>> -> memref<128xi32, #tpu.memory_space<vmem>>
      %dma_wait3A_54 = arith.constant 0 : i32
      %dma_wait3A_55 = arith.constant 0 : i32
      %dma_wait3A_56 = tpu.memref_slice %arg11[%dma_wait3A_54, %dma_wait3A_55] : memref<10016x32xf32, #tpu.memory_space<vmem_shared>> -> memref<10016x32xf32, #tpu.memory_space<vmem_shared>>
      tpu.wait_indirect_dma semaphore(%arg14 : memref<!tpu.dma_semaphore, #tpu.memory_space<semaphore_mem>>) src(%dma_wait3A_56 : memref<10016x32xf32, #tpu.memory_space<vmem_shared>>) dst(%arg9 : memref<128x32xf32, #tpu.memory_space<vmem>>)
      %add3A_57 = arith.constant 2 : i32
      %add3A_58 = arith.addi %mul3A_35, %add3A_57 : i32
      %lt3A = arith.constant 157 : i32
      %lt3A_59 = arith.cmpi slt, %add3A_58, %lt3A : i32
      %convert_element_type3A = arith.extui %lt3A_59 : i1 to i32
      %cond3A = arith.constant 0 : i32
      %cond3A_60 = arith.cmpi ne, %convert_element_type3A, %cond3A : i32
      scf.if %cond3A_60 {
        %add3A_63 = arith.constant 2 : i32
        %add3A_64 = arith.addi %mul3A_35, %add3A_63 : i32
        %dma_start3A_65 = arith.constant 0 : i32
        %dma_start3A_66 = tpu.memref_slice %arg6[%add3A_64, %dma_start3A_65] : memref<157x128xi32, #tpu.memory_space<vmem>> -> memref<1x128xi32, #tpu.memory_space<vmem>>
        %dma_start3A_67 = tpu.memref_squeeze %dma_start3A_66 : memref<1x128xi32, #tpu.memory_space<vmem>> -> memref<128xi32, #tpu.memory_space<vmem>>
        %dma_start3A_68 = arith.constant 0 : i32
        %dma_start3A_69 = arith.constant 0 : i32
        %dma_start3A_70 = tpu.memref_slice %arg11[%dma_start3A_68, %dma_start3A_69] : memref<10016x32xf32, #tpu.memory_space<vmem_shared>> -> memref<10016x32xf32, #tpu.memory_space<vmem_shared>>
        tpu.enqueue_indirect_dma source(%dma_start3A_70 : memref<10016x32xf32, #tpu.memory_space<vmem_shared>>) target(%arg8 : memref<128x32xf32, #tpu.memory_space<vmem>>) offsets(%dma_start3A_67 : memref<128xi32, #tpu.memory_space<vmem>>) semaphore(%arg13 : memref<!tpu.dma_semaphore, #tpu.memory_space<semaphore_mem>>)
      } else {
      }
      %add3A_61 = arith.constant 1 : i32
      %add3A_62 = arith.addi %mul3A_35, %add3A_61 : i32
      "tpu.region"() ({
        %run_scoped3A_63 = tpu.sem_alloc : memref<!tpu.dma_semaphore, #tpu.memory_space<semaphore_mem>>
        %dma_start3A_64 = arith.constant 0 : i32
        %dma_start3A_65 = tpu.memref_slice %arg7[%add3A_62, %dma_start3A_64] : memref<157x128xi32, #tpu.memory_space<vmem>> -> memref<1x128xi32, #tpu.memory_space<vmem>>
        %dma_start3A_66 = tpu.memref_squeeze %dma_start3A_65 : memref<1x128xi32, #tpu.memory_space<vmem>> -> memref<128xi32, #tpu.memory_space<vmem>>
        %dma_start3A_67 = arith.constant 0 : i32
        %dma_start3A_68 = arith.constant 0 : i32
        %dma_start3A_69 = tpu.memref_slice %arg12[%dma_start3A_67, %dma_start3A_68] : memref<12288x32xf32, #tpu.memory_space<vmem_shared>> -> memref<12288x32xf32, #tpu.memory_space<vmem_shared>>
        tpu.enqueue_indirect_dma source(%arg9 : memref<128x32xf32, #tpu.memory_space<vmem>>) target(%dma_start3A_69 : memref<12288x32xf32, #tpu.memory_space<vmem_shared>>) offsets(%dma_start3A_66 : memref<128xi32, #tpu.memory_space<vmem>>) semaphore(%run_scoped3A_63 : memref<!tpu.dma_semaphore, #tpu.memory_space<semaphore_mem>>) {add = true}
        %dma_wait3A_70 = arith.constant 0 : i32
        %dma_wait3A_71 = tpu.memref_slice %arg7[%add3A_62, %dma_wait3A_70] : memref<157x128xi32, #tpu.memory_space<vmem>> -> memref<1x128xi32, #tpu.memory_space<vmem>>
        %dma_wait3A_72 = tpu.memref_squeeze %dma_wait3A_71 : memref<1x128xi32, #tpu.memory_space<vmem>> -> memref<128xi32, #tpu.memory_space<vmem>>
        %dma_wait3A_73 = arith.constant 0 : i32
        %dma_wait3A_74 = arith.constant 0 : i32
        %dma_wait3A_75 = tpu.memref_slice %arg12[%dma_wait3A_73, %dma_wait3A_74] : memref<12288x32xf32, #tpu.memory_space<vmem_shared>> -> memref<12288x32xf32, #tpu.memory_space<vmem_shared>>
        tpu.wait_indirect_dma semaphore(%run_scoped3A_63 : memref<!tpu.dma_semaphore, #tpu.memory_space<semaphore_mem>>) src(%arg9 : memref<128x32xf32, #tpu.memory_space<vmem>>) dst(%dma_wait3A_75 : memref<12288x32xf32, #tpu.memory_space<vmem_shared>>)
        tpu.yield
      }) : () -> ()
    }
    %scan3A_21 = arith.constant 78 : i32
    %dma_wait3A = arith.constant 0 : i32
    %dma_wait3A_22 = arith.constant 0 : i32
    %dma_wait3A_23 = tpu.memref_slice %arg6[%dma_wait3A, %dma_wait3A_22] : memref<157x128xi32, #tpu.memory_space<vmem>> -> memref<1x128xi32, #tpu.memory_space<vmem>>
    %dma_wait3A_24 = tpu.memref_squeeze %dma_wait3A_23 : memref<1x128xi32, #tpu.memory_space<vmem>> -> memref<128xi32, #tpu.memory_space<vmem>>
    %dma_wait3A_25 = arith.constant 0 : i32
    %dma_wait3A_26 = arith.constant 0 : i32
    %dma_wait3A_27 = tpu.memref_slice %arg11[%dma_wait3A_25, %dma_wait3A_26] : memref<10016x32xf32, #tpu.memory_space<vmem_shared>> -> memref<10016x32xf32, #tpu.memory_space<vmem_shared>>
    tpu.wait_indirect_dma semaphore(%arg13 : memref<!tpu.dma_semaphore, #tpu.memory_space<semaphore_mem>>) src(%dma_wait3A_27 : memref<10016x32xf32, #tpu.memory_space<vmem_shared>>) dst(%arg8 : memref<128x32xf32, #tpu.memory_space<vmem>>)
    %run_scoped3A = arith.constant 156 : i32
    "tpu.region"() ({
      %run_scoped3A_33 = tpu.sem_alloc : memref<!tpu.dma_semaphore, #tpu.memory_space<semaphore_mem>>
      %dma_start3A_34 = arith.constant 0 : i32
      %dma_start3A_35 = tpu.memref_slice %arg7[%run_scoped3A, %dma_start3A_34] : memref<157x128xi32, #tpu.memory_space<vmem>> -> memref<1x128xi32, #tpu.memory_space<vmem>>
      %dma_start3A_36 = tpu.memref_squeeze %dma_start3A_35 : memref<1x128xi32, #tpu.memory_space<vmem>> -> memref<128xi32, #tpu.memory_space<vmem>>
      %dma_start3A_37 = arith.constant 0 : i32
      %dma_start3A_38 = arith.constant 0 : i32
      %dma_start3A_39 = tpu.memref_slice %arg12[%dma_start3A_37, %dma_start3A_38] : memref<12288x32xf32, #tpu.memory_space<vmem_shared>> -> memref<12288x32xf32, #tpu.memory_space<vmem_shared>>
      tpu.enqueue_indirect_dma source(%arg8 : memref<128x32xf32, #tpu.memory_space<vmem>>) target(%dma_start3A_39 : memref<12288x32xf32, #tpu.memory_space<vmem_shared>>) offsets(%dma_start3A_36 : memref<128xi32, #tpu.memory_space<vmem>>) semaphore(%run_scoped3A_33 : memref<!tpu.dma_semaphore, #tpu.memory_space<semaphore_mem>>) {add = true}
      %dma_wait3A_40 = arith.constant 0 : i32
      %dma_wait3A_41 = tpu.memref_slice %arg7[%run_scoped3A, %dma_wait3A_40] : memref<157x128xi32, #tpu.memory_space<vmem>> -> memref<1x128xi32, #tpu.memory_space<vmem>>
      %dma_wait3A_42 = tpu.memref_squeeze %dma_wait3A_41 : memref<1x128xi32, #tpu.memory_space<vmem>> -> memref<128xi32, #tpu.memory_space<vmem>>
      %dma_wait3A_43 = arith.constant 0 : i32
      %dma_wait3A_44 = arith.constant 0 : i32
      %dma_wait3A_45 = tpu.memref_slice %arg12[%dma_wait3A_43, %dma_wait3A_44] : memref<12288x32xf32, #tpu.memory_space<vmem_shared>> -> memref<12288x32xf32, #tpu.memory_space<vmem_shared>>
      tpu.wait_indirect_dma semaphore(%run_scoped3A_33 : memref<!tpu.dma_semaphore, #tpu.memory_space<semaphore_mem>>) src(%arg8 : memref<128x32xf32, #tpu.memory_space<vmem>>) dst(%dma_wait3A_45 : memref<12288x32xf32, #tpu.memory_space<vmem_shared>>)
      tpu.yield
    }) : () -> ()
    %barrier3A_28 = arith.constant 0 : index
    tpu.barrier barrier_id(%barrier3A_28)
    %mul3A_29 = arith.constant 768 : i32
    %mul3A_30 = arith.muli %arg1, %mul3A_29 : i32
    "tpu.region"() ({
      %run_scoped3A_33 = tpu.sem_alloc : memref<!tpu.dma_semaphore, #tpu.memory_space<semaphore_mem>>
      %dma_start3A_34 = arith.constant 0 : i32
      %dma_start3A_35 = tpu.memref_slice %arg12[%mul3A_30, %dma_start3A_34] : memref<12288x32xf32, #tpu.memory_space<vmem_shared>> -> memref<768x32xf32, #tpu.memory_space<vmem_shared>>
      %dma_start3A_36 = arith.constant 0 : i32
      %dma_start3A_37 = tpu.memref_slice %arg12[%mul3A_30, %dma_start3A_36] : memref<12288x32xf32, #tpu.memory_space<vmem_shared>> -> memref<768x32xf32, #tpu.memory_space<vmem_shared>>
      tpu.enqueue_dma source(%dma_start3A_37 : memref<768x32xf32, #tpu.memory_space<vmem_shared>>) target(%arg10 : memref<768x32xf32, #tpu.memory_space<vmem>>) target_semaphore(%run_scoped3A_33 : memref<!tpu.dma_semaphore, #tpu.memory_space<semaphore_mem>>)
      %dma_wait3A_38 = arith.constant 0 : i32
      %dma_wait3A_39 = tpu.memref_slice %arg12[%mul3A_30, %dma_wait3A_38] : memref<12288x32xf32, #tpu.memory_space<vmem_shared>> -> memref<768x32xf32, #tpu.memory_space<vmem_shared>>
      %dma_wait3A_40 = arith.constant 0 : i32
      %dma_wait3A_41 = tpu.memref_slice %arg12[%mul3A_30, %dma_wait3A_40] : memref<12288x32xf32, #tpu.memory_space<vmem_shared>> -> memref<768x32xf32, #tpu.memory_space<vmem_shared>>
      tpu.wait_dma2 semaphore(%run_scoped3A_33 : memref<!tpu.dma_semaphore, #tpu.memory_space<semaphore_mem>>) src(%dma_wait3A_41 : memref<768x32xf32, #tpu.memory_space<vmem_shared>>) dst(%arg10 : memref<768x32xf32, #tpu.memory_space<vmem>>)
      tpu.yield
    }) : () -> ()
    %mul3A_31 = arith.constant 768 : i32
    %mul3A_32 = arith.muli %arg1, %mul3A_31 : i32
    "tpu.region"() ({
      %run_scoped3A_33 = tpu.sem_alloc : memref<!tpu.dma_semaphore, #tpu.memory_space<semaphore_mem>>
      %dma_start3A_34 = arith.constant 0 : i32
      %dma_start3A_35 = tpu.memref_slice %arg5[%arg0, %mul3A_32, %dma_start3A_34] : memref<2x12288x32xf32, #tpu.memory_space<hbm>> -> memref<1x768x32xf32, #tpu.memory_space<hbm>>
      %dma_start3A_36 = tpu.memref_squeeze %dma_start3A_35 : memref<1x768x32xf32, #tpu.memory_space<hbm>> -> memref<768x32xf32, #tpu.memory_space<hbm>>
      %dma_start3A_37 = arith.constant 0 : i32
      %dma_start3A_38 = tpu.memref_slice %arg5[%arg0, %mul3A_32, %dma_start3A_37] : memref<2x12288x32xf32, #tpu.memory_space<hbm>> -> memref<1x768x32xf32, #tpu.memory_space<hbm>>
      %dma_start3A_39 = tpu.memref_squeeze %dma_start3A_38 : memref<1x768x32xf32, #tpu.memory_space<hbm>> -> memref<768x32xf32, #tpu.memory_space<hbm>>
      tpu.enqueue_dma source(%arg10 : memref<768x32xf32, #tpu.memory_space<vmem>>) target(%dma_start3A_39 : memref<768x32xf32, #tpu.memory_space<hbm>>) target_semaphore(%run_scoped3A_33 : memref<!tpu.dma_semaphore, #tpu.memory_space<semaphore_mem>>)
      %dma_wait3A_40 = arith.constant 0 : i32
      %dma_wait3A_41 = tpu.memref_slice %arg5[%arg0, %mul3A_32, %dma_wait3A_40] : memref<2x12288x32xf32, #tpu.memory_space<hbm>> -> memref<1x768x32xf32, #tpu.memory_space<hbm>>
      %dma_wait3A_42 = tpu.memref_squeeze %dma_wait3A_41 : memref<1x768x32xf32, #tpu.memory_space<hbm>> -> memref<768x32xf32, #tpu.memory_space<hbm>>
      %dma_wait3A_43 = arith.constant 0 : i32
      %dma_wait3A_44 = tpu.memref_slice %arg5[%arg0, %mul3A_32, %dma_wait3A_43] : memref<2x12288x32xf32, #tpu.memory_space<hbm>> -> memref<1x768x32xf32, #tpu.memory_space<hbm>>
      %dma_wait3A_45 = tpu.memref_squeeze %dma_wait3A_44 : memref<1x768x32xf32, #tpu.memory_space<hbm>> -> memref<768x32xf32, #tpu.memory_space<hbm>>
      tpu.wait_dma2 semaphore(%run_scoped3A_33 : memref<!tpu.dma_semaphore, #tpu.memory_space<semaphore_mem>>) src(%arg10 : memref<768x32xf32, #tpu.memory_space<vmem>>) dst(%dma_wait3A_45 : memref<768x32xf32, #tpu.memory_space<hbm>>)
      tpu.yield
    }) : () -> ()
    return
  }
}

#map = affine_map<(d0, d1) -> (0, 0, 0)>
#map1 = affine_map<(d0, d1) -> (0, 0, 0, 0)>
module attributes {stable_mosaic.version = 14 : i64} {
  func.func @_scat_body(%arg0: i32, %arg1: i32, %arg2: memref<2x10016x32xf32, #tpu.memory_space<hbm>>, %arg3: memref<16x157x128xi32, #tpu.memory_space<hbm>>, %arg4: memref<2x16x157x128xi32, #tpu.memory_space<hbm>>, %arg5: memref<2x12288x32xf32, #tpu.memory_space<hbm>>, %arg6: memref<157x128xi32, #tpu.memory_space<vmem>>, %arg7: memref<157x128xi32, #tpu.memory_space<vmem>>, %arg8: memref<128x32xf32, #tpu.memory_space<vmem>>, %arg9: memref<128x32xf32, #tpu.memory_space<vmem>>, %arg10: memref<768x32xf32, #tpu.memory_space<vmem>>, %arg11: memref<10016x32xf32, #tpu.memory_space<vmem_shared>>, %arg12: memref<12288x32xf32, #tpu.memory_space<vmem_shared>>, %arg13: memref<!tpu.dma_semaphore, #tpu.memory_space<semaphore_mem>>, %arg14: memref<!tpu.dma_semaphore, #tpu.memory_space<semaphore_mem>>) attributes {dimension_semantics = [#tpu.dimension_semantics<core_parallel>, #tpu.dimension_semantics<subcore_parallel>], iteration_bounds = array<i64: 2, 16>, scalar_prefetch = 0 : i64, scratch_operands = 9 : i64, tpu.core_type = #tpu.core_type<sc_vector_subcore>, window_params = [{transform_indices = #map}, {transform_indices = #map}, {transform_indices = #map1}, {transform_indices = #map}]} {
    %scan3A = arith.constant 0 : i32
    %scan3A_0 = arith.constant 0 : i32
    %scan3A_1 = arith.constant 768 : i32
    %scan3A_2 = arith.addi %scan3A_0, %scan3A_1 : i32
    %scan3A_3 = arith.constant 1 : i32
    scf.for %scan3A_33 = %scan3A_0 to %scan3A_2 step %scan3A_3  : i32 {
      %broadcast_in_dim3A = arith.constant 0.000000e+00 : f32
      %broadcast_in_dim3A_34 = vector.broadcast %broadcast_in_dim3A : f32 to vector<16xf32>
      %swap3A = arith.index_cast %scan3A_33 : i32 to index
      %swap3A_35 = arith.constant 0 : index
      %swap3A_36 = tpu.vector_load %arg10[%swap3A, %swap3A_35] {strides = array<i32>} : memref<768x32xf32, #tpu.memory_space<vmem>>, vector<1x16xf32>,
      %swap3A_37 = vector.shape_cast %swap3A_36 : vector<1x16xf32> to vector<16xf32>
      %swap3A_38 = vector.shape_cast %broadcast_in_dim3A_34 : vector<16xf32> to vector<1x16xf32>
      tpu.vector_store %arg10[%swap3A, %swap3A_35], %swap3A_38 {strides = array<i32>} : memref<768x32xf32, #tpu.memory_space<vmem>>, vector<1x16xf32>,
      %broadcast_in_dim3A_39 = arith.constant 0.000000e+00 : f32
      %broadcast_in_dim3A_40 = vector.broadcast %broadcast_in_dim3A_39 : f32 to vector<16xf32>
      %swap3A_41 = arith.index_cast %scan3A_33 : i32 to index
      %swap3A_42 = arith.constant 16 : index
      %swap3A_43 = tpu.vector_load %arg10[%swap3A_41, %swap3A_42] {strides = array<i32>} : memref<768x32xf32, #tpu.memory_space<vmem>>, vector<1x16xf32>,
      %swap3A_44 = vector.shape_cast %swap3A_43 : vector<1x16xf32> to vector<16xf32>
      %swap3A_45 = vector.shape_cast %broadcast_in_dim3A_40 : vector<16xf32> to vector<1x16xf32>
      tpu.vector_store %arg10[%swap3A_41, %swap3A_42], %swap3A_45 {strides = array<i32>} : memref<768x32xf32, #tpu.memory_space<vmem>>, vector<1x16xf32>,
    }
    %scan3A_4 = arith.constant 768 : i32
    %mul3A = arith.constant 768 : i32
    %mul3A_5 = arith.muli %arg1, %mul3A : i32
    "tpu.region"() ({
      %run_scoped3A_33 = tpu.sem_alloc : memref<!tpu.dma_semaphore, #tpu.memory_space<semaphore_mem>>
      %dma_start3A_34 = arith.constant 0 : i32
      %dma_start3A_35 = tpu.memref_slice %arg12[%mul3A_5, %dma_start3A_34] : memref<12288x32xf32, #tpu.memory_space<vmem_shared>> -> memref<768x32xf32, #tpu.memory_space<vmem_shared>>
      %dma_start3A_36 = arith.constant 0 : i32
      %dma_start3A_37 = tpu.memref_slice %arg12[%mul3A_5, %dma_start3A_36] : memref<12288x32xf32, #tpu.memory_space<vmem_shared>> -> memref<768x32xf32, #tpu.memory_space<vmem_shared>>
      tpu.enqueue_dma source(%arg10 : memref<768x32xf32, #tpu.memory_space<vmem>>) target(%dma_start3A_37 : memref<768x32xf32, #tpu.memory_space<vmem_shared>>) target_semaphore(%run_scoped3A_33 : memref<!tpu.dma_semaphore, #tpu.memory_space<semaphore_mem>>)
      %dma_wait3A_38 = arith.constant 0 : i32
      %dma_wait3A_39 = tpu.memref_slice %arg12[%mul3A_5, %dma_wait3A_38] : memref<12288x32xf32, #tpu.memory_space<vmem_shared>> -> memref<768x32xf32, #tpu.memory_space<vmem_shared>>
      %dma_wait3A_40 = arith.constant 0 : i32
      %dma_wait3A_41 = tpu.memref_slice %arg12[%mul3A_5, %dma_wait3A_40] : memref<12288x32xf32, #tpu.memory_space<vmem_shared>> -> memref<768x32xf32, #tpu.memory_space<vmem_shared>>
      tpu.wait_dma2 semaphore(%run_scoped3A_33 : memref<!tpu.dma_semaphore, #tpu.memory_space<semaphore_mem>>) src(%arg10 : memref<768x32xf32, #tpu.memory_space<vmem>>) dst(%dma_wait3A_41 : memref<768x32xf32, #tpu.memory_space<vmem_shared>>)
      tpu.yield
    }) : () -> ()
    %mul3A_6 = arith.constant 626 : i32
    %mul3A_7 = arith.muli %arg1, %mul3A_6 : i32
    %mul3A_8 = arith.constant 626 : i32
    %mul3A_9 = arith.muli %arg1, %mul3A_8 : i32
    "tpu.region"() ({
      %run_scoped3A_33 = tpu.sem_alloc : memref<!tpu.dma_semaphore, #tpu.memory_space<semaphore_mem>>
      %dma_start3A_34 = arith.constant 0 : i32
      %dma_start3A_35 = tpu.memref_slice %arg11[%mul3A_9, %dma_start3A_34] : memref<10016x32xf32, #tpu.memory_space<vmem_shared>> -> memref<626x32xf32, #tpu.memory_space<vmem_shared>>
      %dma_start3A_36 = arith.constant 0 : i32
      %dma_start3A_37 = tpu.memref_slice %arg2[%arg0, %mul3A_7, %dma_start3A_36] : memref<2x10016x32xf32, #tpu.memory_space<hbm>> -> memref<1x626x32xf32, #tpu.memory_space<hbm>>
      %dma_start3A_38 = tpu.memref_squeeze %dma_start3A_37 : memref<1x626x32xf32, #tpu.memory_space<hbm>> -> memref<626x32xf32, #tpu.memory_space<hbm>>
      tpu.enqueue_dma source(%dma_start3A_38 : memref<626x32xf32, #tpu.memory_space<hbm>>) target(%dma_start3A_35 : memref<626x32xf32, #tpu.memory_space<vmem_shared>>) target_semaphore(%run_scoped3A_33 : memref<!tpu.dma_semaphore, #tpu.memory_space<semaphore_mem>>)
      %dma_wait3A_39 = arith.constant 0 : i32
      %dma_wait3A_40 = tpu.memref_slice %arg11[%mul3A_9, %dma_wait3A_39] : memref<10016x32xf32, #tpu.memory_space<vmem_shared>> -> memref<626x32xf32, #tpu.memory_space<vmem_shared>>
      %dma_wait3A_41 = arith.constant 0 : i32
      %dma_wait3A_42 = tpu.memref_slice %arg2[%arg0, %mul3A_7, %dma_wait3A_41] : memref<2x10016x32xf32, #tpu.memory_space<hbm>> -> memref<1x626x32xf32, #tpu.memory_space<hbm>>
      %dma_wait3A_43 = tpu.memref_squeeze %dma_wait3A_42 : memref<1x626x32xf32, #tpu.memory_space<hbm>> -> memref<626x32xf32, #tpu.memory_space<hbm>>
      tpu.wait_dma2 semaphore(%run_scoped3A_33 : memref<!tpu.dma_semaphore, #tpu.memory_space<semaphore_mem>>) src(%dma_wait3A_43 : memref<626x32xf32, #tpu.memory_space<hbm>>) dst(%dma_wait3A_40 : memref<626x32xf32, #tpu.memory_space<vmem_shared>>)
      tpu.yield
    }) : () -> ()
    "tpu.region"() ({
      %run_scoped3A_33 = tpu.sem_alloc : memref<!tpu.dma_semaphore, #tpu.memory_space<semaphore_mem>>
      %dma_start3A_34 = arith.constant 0 : i32
      %dma_start3A_35 = arith.constant 0 : i32
      %dma_start3A_36 = tpu.memref_slice %arg3[%arg1, %dma_start3A_34, %dma_start3A_35] : memref<16x157x128xi32, #tpu.memory_space<hbm>> -> memref<1x157x128xi32, #tpu.memory_space<hbm>>
      %dma_start3A_37 = tpu.memref_squeeze %dma_start3A_36 : memref<1x157x128xi32, #tpu.memory_space<hbm>> -> memref<157x128xi32, #tpu.memory_space<hbm>>
      %dma_start3A_38 = arith.constant 0 : i32
      %dma_start3A_39 = arith.constant 0 : i32
      %dma_start3A_40 = tpu.memref_slice %arg3[%arg1, %dma_start3A_38, %dma_start3A_39] : memref<16x157x128xi32, #tpu.memory_space<hbm>> -> memref<1x157x128xi32, #tpu.memory_space<hbm>>
      %dma_start3A_41 = tpu.memref_squeeze %dma_start3A_40 : memref<1x157x128xi32, #tpu.memory_space<hbm>> -> memref<157x128xi32, #tpu.memory_space<hbm>>
      tpu.enqueue_dma source(%dma_start3A_41 : memref<157x128xi32, #tpu.memory_space<hbm>>) target(%arg6 : memref<157x128xi32, #tpu.memory_space<vmem>>) target_semaphore(%run_scoped3A_33 : memref<!tpu.dma_semaphore, #tpu.memory_space<semaphore_mem>>)
      %dma_wait3A_42 = arith.constant 0 : i32
      %dma_wait3A_43 = arith.constant 0 : i32
      %dma_wait3A_44 = tpu.memref_slice %arg3[%arg1, %dma_wait3A_42, %dma_wait3A_43] : memref<16x157x128xi32, #tpu.memory_space<hbm>> -> memref<1x157x128xi32, #tpu.memory_space<hbm>>
      %dma_wait3A_45 = tpu.memref_squeeze %dma_wait3A_44 : memref<1x157x128xi32, #tpu.memory_space<hbm>> -> memref<157x128xi32, #tpu.memory_space<hbm>>
      %dma_wait3A_46 = arith.constant 0 : i32
      %dma_wait3A_47 = arith.constant 0 : i32
      %dma_wait3A_48 = tpu.memref_slice %arg3[%arg1, %dma_wait3A_46, %dma_wait3A_47] : memref<16x157x128xi32, #tpu.memory_space<hbm>> -> memref<1x157x128xi32, #tpu.memory_space<hbm>>
      %dma_wait3A_49 = tpu.memref_squeeze %dma_wait3A_48 : memref<1x157x128xi32, #tpu.memory_space<hbm>> -> memref<157x128xi32, #tpu.memory_space<hbm>>
      tpu.wait_dma2 semaphore(%run_scoped3A_33 : memref<!tpu.dma_semaphore, #tpu.memory_space<semaphore_mem>>) src(%dma_wait3A_49 : memref<157x128xi32, #tpu.memory_space<hbm>>) dst(%arg6 : memref<157x128xi32, #tpu.memory_space<vmem>>)
      tpu.yield
    }) : () -> ()
    "tpu.region"() ({
      %run_scoped3A_33 = tpu.sem_alloc : memref<!tpu.dma_semaphore, #tpu.memory_space<semaphore_mem>>
      %dma_start3A_34 = arith.constant 0 : i32
      %dma_start3A_35 = arith.constant 0 : i32
      %dma_start3A_36 = tpu.memref_slice %arg4[%arg0, %arg1, %dma_start3A_34, %dma_start3A_35] : memref<2x16x157x128xi32, #tpu.memory_space<hbm>> -> memref<1x1x157x128xi32, #tpu.memory_space<hbm>>
      %dma_start3A_37 = tpu.memref_squeeze %dma_start3A_36 : memref<1x1x157x128xi32, #tpu.memory_space<hbm>> -> memref<157x128xi32, #tpu.memory_space<hbm>>
      %dma_start3A_38 = arith.constant 0 : i32
      %dma_start3A_39 = arith.constant 0 : i32
      %dma_start3A_40 = tpu.memref_slice %arg4[%arg0, %arg1, %dma_start3A_38, %dma_start3A_39] : memref<2x16x157x128xi32, #tpu.memory_space<hbm>> -> memref<1x1x157x128xi32, #tpu.memory_space<hbm>>
      %dma_start3A_41 = tpu.memref_squeeze %dma_start3A_40 : memref<1x1x157x128xi32, #tpu.memory_space<hbm>> -> memref<157x128xi32, #tpu.memory_space<hbm>>
      tpu.enqueue_dma source(%dma_start3A_41 : memref<157x128xi32, #tpu.memory_space<hbm>>) target(%arg7 : memref<157x128xi32, #tpu.memory_space<vmem>>) target_semaphore(%run_scoped3A_33 : memref<!tpu.dma_semaphore, #tpu.memory_space<semaphore_mem>>)
      %dma_wait3A_42 = arith.constant 0 : i32
      %dma_wait3A_43 = arith.constant 0 : i32
      %dma_wait3A_44 = tpu.memref_slice %arg4[%arg0, %arg1, %dma_wait3A_42, %dma_wait3A_43] : memref<2x16x157x128xi32, #tpu.memory_space<hbm>> -> memref<1x1x157x128xi32, #tpu.memory_space<hbm>>
      %dma_wait3A_45 = tpu.memref_squeeze %dma_wait3A_44 : memref<1x1x157x128xi32, #tpu.memory_space<hbm>> -> memref<157x128xi32, #tpu.memory_space<hbm>>
      %dma_wait3A_46 = arith.constant 0 : i32
      %dma_wait3A_47 = arith.constant 0 : i32
      %dma_wait3A_48 = tpu.memref_slice %arg4[%arg0, %arg1, %dma_wait3A_46, %dma_wait3A_47] : memref<2x16x157x128xi32, #tpu.memory_space<hbm>> -> memref<1x1x157x128xi32, #tpu.memory_space<hbm>>
      %dma_wait3A_49 = tpu.memref_squeeze %dma_wait3A_48 : memref<1x1x157x128xi32, #tpu.memory_space<hbm>> -> memref<157x128xi32, #tpu.memory_space<hbm>>
      tpu.wait_dma2 semaphore(%run_scoped3A_33 : memref<!tpu.dma_semaphore, #tpu.memory_space<semaphore_mem>>) src(%dma_wait3A_49 : memref<157x128xi32, #tpu.memory_space<hbm>>) dst(%arg7 : memref<157x128xi32, #tpu.memory_space<vmem>>)
      tpu.yield
    }) : () -> ()
    %barrier3A = arith.constant 0 : index
    tpu.barrier barrier_id(%barrier3A)
    %dma_start3A = arith.constant 0 : i32
    %dma_start3A_10 = arith.constant 0 : i32
    %dma_start3A_11 = tpu.memref_slice %arg6[%dma_start3A, %dma_start3A_10] : memref<157x128xi32, #tpu.memory_space<vmem>> -> memref<1x128xi32, #tpu.memory_space<vmem>>
    %dma_start3A_12 = tpu.memref_squeeze %dma_start3A_11 : memref<1x128xi32, #tpu.memory_space<vmem>> -> memref<128xi32, #tpu.memory_space<vmem>>
    %dma_start3A_13 = arith.constant 0 : i32
    %dma_start3A_14 = arith.constant 0 : i32
    %dma_start3A_15 = tpu.memref_slice %arg11[%dma_start3A_13, %dma_start3A_14] : memref<10016x32xf32, #tpu.memory_space<vmem_shared>> -> memref<10016x32xf32, #tpu.memory_space<vmem_shared>>
    tpu.enqueue_indirect_dma source(%dma_start3A_15 : memref<10016x32xf32, #tpu.memory_space<vmem_shared>>) target(%arg8 : memref<128x32xf32, #tpu.memory_space<vmem>>) offsets(%dma_start3A_12 : memref<128xi32, #tpu.memory_space<vmem>>) semaphore(%arg13 : memref<!tpu.dma_semaphore, #tpu.memory_space<semaphore_mem>>)
    %scan3A_16 = arith.constant 0 : i32
    %scan3A_17 = arith.constant 0 : i32
    %scan3A_18 = arith.constant 78 : i32
    %scan3A_19 = arith.addi %scan3A_17, %scan3A_18 : i32
    %scan3A_20 = arith.constant 1 : i32
    scf.for %scan3A_33 = %scan3A_17 to %scan3A_19 step %scan3A_20  : i32 {
      %mul3A_34 = arith.constant 2 : i32
      %mul3A_35 = arith.muli %mul3A_34, %scan3A_33 : i32
      %dma_wait3A_36 = arith.constant 0 : i32
      %dma_wait3A_37 = arith.constant 0 : i32
      %dma_wait3A_38 = tpu.memref_slice %arg6[%dma_wait3A_36, %dma_wait3A_37] : memref<157x128xi32, #tpu.memory_space<vmem>> -> memref<1x128xi32, #tpu.memory_space<vmem>>
      %dma_wait3A_39 = tpu.memref_squeeze %dma_wait3A_38 : memref<1x128xi32, #tpu.memory_space<vmem>> -> memref<128xi32, #tpu.memory_space<vmem>>
      %dma_wait3A_40 = arith.constant 0 : i32
      %dma_wait3A_41 = arith.constant 0 : i32
      %dma_wait3A_42 = tpu.memref_slice %arg11[%dma_wait3A_40, %dma_wait3A_41] : memref<10016x32xf32, #tpu.memory_space<vmem_shared>> -> memref<10016x32xf32, #tpu.memory_space<vmem_shared>>
      tpu.wait_indirect_dma semaphore(%arg13 : memref<!tpu.dma_semaphore, #tpu.memory_space<semaphore_mem>>) src(%dma_wait3A_42 : memref<10016x32xf32, #tpu.memory_space<vmem_shared>>) dst(%arg8 : memref<128x32xf32, #tpu.memory_space<vmem>>)
      %add3A = arith.constant 1 : i32
      %add3A_43 = arith.addi %mul3A_35, %add3A : i32
      %dma_start3A_44 = arith.constant 0 : i32
      %dma_start3A_45 = tpu.memref_slice %arg6[%add3A_43, %dma_start3A_44] : memref<157x128xi32, #tpu.memory_space<vmem>> -> memref<1x128xi32, #tpu.memory_space<vmem>>
      %dma_start3A_46 = tpu.memref_squeeze %dma_start3A_45 : memref<1x128xi32, #tpu.memory_space<vmem>> -> memref<128xi32, #tpu.memory_space<vmem>>
      %dma_start3A_47 = arith.constant 0 : i32
      %dma_start3A_48 = arith.constant 0 : i32
      %dma_start3A_49 = tpu.memref_slice %arg11[%dma_start3A_47, %dma_start3A_48] : memref<10016x32xf32, #tpu.memory_space<vmem_shared>> -> memref<10016x32xf32, #tpu.memory_space<vmem_shared>>
      tpu.enqueue_indirect_dma source(%dma_start3A_49 : memref<10016x32xf32, #tpu.memory_space<vmem_shared>>) target(%arg9 : memref<128x32xf32, #tpu.memory_space<vmem>>) offsets(%dma_start3A_46 : memref<128xi32, #tpu.memory_space<vmem>>) semaphore(%arg14 : memref<!tpu.dma_semaphore, #tpu.memory_space<semaphore_mem>>)
      "tpu.region"() ({
        %run_scoped3A_63 = tpu.sem_alloc : memref<!tpu.dma_semaphore, #tpu.memory_space<semaphore_mem>>
        %dma_start3A_64 = arith.constant 0 : i32
        %dma_start3A_65 = tpu.memref_slice %arg7[%mul3A_35, %dma_start3A_64] : memref<157x128xi32, #tpu.memory_space<vmem>> -> memref<1x128xi32, #tpu.memory_space<vmem>>
        %dma_start3A_66 = tpu.memref_squeeze %dma_start3A_65 : memref<1x128xi32, #tpu.memory_space<vmem>> -> memref<128xi32, #tpu.memory_space<vmem>>
        %dma_start3A_67 = arith.constant 0 : i32
        %dma_start3A_68 = arith.constant 0 : i32
        %dma_start3A_69 = tpu.memref_slice %arg12[%dma_start3A_67, %dma_start3A_68] : memref<12288x32xf32, #tpu.memory_space<vmem_shared>> -> memref<12288x32xf32, #tpu.memory_space<vmem_shared>>
        tpu.enqueue_indirect_dma source(%arg8 : memref<128x32xf32, #tpu.memory_space<vmem>>) target(%dma_start3A_69 : memref<12288x32xf32, #tpu.memory_space<vmem_shared>>) offsets(%dma_start3A_66 : memref<128xi32, #tpu.memory_space<vmem>>) semaphore(%run_scoped3A_63 : memref<!tpu.dma_semaphore, #tpu.memory_space<semaphore_mem>>) {add = true}
        %dma_wait3A_70 = arith.constant 0 : i32
        %dma_wait3A_71 = tpu.memref_slice %arg7[%mul3A_35, %dma_wait3A_70] : memref<157x128xi32, #tpu.memory_space<vmem>> -> memref<1x128xi32, #tpu.memory_space<vmem>>
        %dma_wait3A_72 = tpu.memref_squeeze %dma_wait3A_71 : memref<1x128xi32, #tpu.memory_space<vmem>> -> memref<128xi32, #tpu.memory_space<vmem>>
        %dma_wait3A_73 = arith.constant 0 : i32
        %dma_wait3A_74 = arith.constant 0 : i32
        %dma_wait3A_75 = tpu.memref_slice %arg12[%dma_wait3A_73, %dma_wait3A_74] : memref<12288x32xf32, #tpu.memory_space<vmem_shared>> -> memref<12288x32xf32, #tpu.memory_space<vmem_shared>>
        tpu.wait_indirect_dma semaphore(%run_scoped3A_63 : memref<!tpu.dma_semaphore, #tpu.memory_space<semaphore_mem>>) src(%arg8 : memref<128x32xf32, #tpu.memory_space<vmem>>) dst(%dma_wait3A_75 : memref<12288x32xf32, #tpu.memory_space<vmem_shared>>)
        tpu.yield
      }) : () -> ()
      %dma_wait3A_50 = arith.constant 0 : i32
      %dma_wait3A_51 = arith.constant 0 : i32
      %dma_wait3A_52 = tpu.memref_slice %arg6[%dma_wait3A_50, %dma_wait3A_51] : memref<157x128xi32, #tpu.memory_space<vmem>> -> memref<1x128xi32, #tpu.memory_space<vmem>>
      %dma_wait3A_53 = tpu.memref_squeeze %dma_wait3A_52 : memref<1x128xi32, #tpu.memory_space<vmem>> -> memref<128xi32, #tpu.memory_space<vmem>>
      %dma_wait3A_54 = arith.constant 0 : i32
      %dma_wait3A_55 = arith.constant 0 : i32
      %dma_wait3A_56 = tpu.memref_slice %arg11[%dma_wait3A_54, %dma_wait3A_55] : memref<10016x32xf32, #tpu.memory_space<vmem_shared>> -> memref<10016x32xf32, #tpu.memory_space<vmem_shared>>
      tpu.wait_indirect_dma semaphore(%arg14 : memref<!tpu.dma_semaphore, #tpu.memory_space<semaphore_mem>>) src(%dma_wait3A_56 : memref<10016x32xf32, #tpu.memory_space<vmem_shared>>) dst(%arg9 : memref<128x32xf32, #tpu.memory_space<vmem>>)
      %add3A_57 = arith.constant 2 : i32
      %add3A_58 = arith.addi %mul3A_35, %add3A_57 : i32
      %lt3A = arith.constant 157 : i32
      %lt3A_59 = arith.cmpi slt, %add3A_58, %lt3A : i32
      %convert_element_type3A = arith.extui %lt3A_59 : i1 to i32
      %cond3A = arith.constant 0 : i32
      %cond3A_60 = arith.cmpi ne, %convert_element_type3A, %cond3A : i32
      scf.if %cond3A_60 {
        %add3A_63 = arith.constant 2 : i32
        %add3A_64 = arith.addi %mul3A_35, %add3A_63 : i32
        %dma_start3A_65 = arith.constant 0 : i32
        %dma_start3A_66 = tpu.memref_slice %arg6[%add3A_64, %dma_start3A_65] : memref<157x128xi32, #tpu.memory_space<vmem>> -> memref<1x128xi32, #tpu.memory_space<vmem>>
        %dma_start3A_67 = tpu.memref_squeeze %dma_start3A_66 : memref<1x128xi32, #tpu.memory_space<vmem>> -> memref<128xi32, #tpu.memory_space<vmem>>
        %dma_start3A_68 = arith.constant 0 : i32
        %dma_start3A_69 = arith.constant 0 : i32
        %dma_start3A_70 = tpu.memref_slice %arg11[%dma_start3A_68, %dma_start3A_69] : memref<10016x32xf32, #tpu.memory_space<vmem_shared>> -> memref<10016x32xf32, #tpu.memory_space<vmem_shared>>
        tpu.enqueue_indirect_dma source(%dma_start3A_70 : memref<10016x32xf32, #tpu.memory_space<vmem_shared>>) target(%arg8 : memref<128x32xf32, #tpu.memory_space<vmem>>) offsets(%dma_start3A_67 : memref<128xi32, #tpu.memory_space<vmem>>) semaphore(%arg13 : memref<!tpu.dma_semaphore, #tpu.memory_space<semaphore_mem>>)
      } else {
      }
      %add3A_61 = arith.constant 1 : i32
      %add3A_62 = arith.addi %mul3A_35, %add3A_61 : i32
      "tpu.region"() ({
        %run_scoped3A_63 = tpu.sem_alloc : memref<!tpu.dma_semaphore, #tpu.memory_space<semaphore_mem>>
        %dma_start3A_64 = arith.constant 0 : i32
        %dma_start3A_65 = tpu.memref_slice %arg7[%add3A_62, %dma_start3A_64] : memref<157x128xi32, #tpu.memory_space<vmem>> -> memref<1x128xi32, #tpu.memory_space<vmem>>
        %dma_start3A_66 = tpu.memref_squeeze %dma_start3A_65 : memref<1x128xi32, #tpu.memory_space<vmem>> -> memref<128xi32, #tpu.memory_space<vmem>>
        %dma_start3A_67 = arith.constant 0 : i32
        %dma_start3A_68 = arith.constant 0 : i32
        %dma_start3A_69 = tpu.memref_slice %arg12[%dma_start3A_67, %dma_start3A_68] : memref<12288x32xf32, #tpu.memory_space<vmem_shared>> -> memref<12288x32xf32, #tpu.memory_space<vmem_shared>>
        tpu.enqueue_indirect_dma source(%arg9 : memref<128x32xf32, #tpu.memory_space<vmem>>) target(%dma_start3A_69 : memref<12288x32xf32, #tpu.memory_space<vmem_shared>>) offsets(%dma_start3A_66 : memref<128xi32, #tpu.memory_space<vmem>>) semaphore(%run_scoped3A_63 : memref<!tpu.dma_semaphore, #tpu.memory_space<semaphore_mem>>) {add = true}
        %dma_wait3A_70 = arith.constant 0 : i32
        %dma_wait3A_71 = tpu.memref_slice %arg7[%add3A_62, %dma_wait3A_70] : memref<157x128xi32, #tpu.memory_space<vmem>> -> memref<1x128xi32, #tpu.memory_space<vmem>>
        %dma_wait3A_72 = tpu.memref_squeeze %dma_wait3A_71 : memref<1x128xi32, #tpu.memory_space<vmem>> -> memref<128xi32, #tpu.memory_space<vmem>>
        %dma_wait3A_73 = arith.constant 0 : i32
        %dma_wait3A_74 = arith.constant 0 : i32
        %dma_wait3A_75 = tpu.memref_slice %arg12[%dma_wait3A_73, %dma_wait3A_74] : memref<12288x32xf32, #tpu.memory_space<vmem_shared>> -> memref<12288x32xf32, #tpu.memory_space<vmem_shared>>
        tpu.wait_indirect_dma semaphore(%run_scoped3A_63 : memref<!tpu.dma_semaphore, #tpu.memory_space<semaphore_mem>>) src(%arg9 : memref<128x32xf32, #tpu.memory_space<vmem>>) dst(%dma_wait3A_75 : memref<12288x32xf32, #tpu.memory_space<vmem_shared>>)
        tpu.yield
      }) : () -> ()
    }
    %scan3A_21 = arith.constant 78 : i32
    %dma_wait3A = arith.constant 0 : i32
    %dma_wait3A_22 = arith.constant 0 : i32
    %dma_wait3A_23 = tpu.memref_slice %arg6[%dma_wait3A, %dma_wait3A_22] : memref<157x128xi32, #tpu.memory_space<vmem>> -> memref<1x128xi32, #tpu.memory_space<vmem>>
    %dma_wait3A_24 = tpu.memref_squeeze %dma_wait3A_23 : memref<1x128xi32, #tpu.memory_space<vmem>> -> memref<128xi32, #tpu.memory_space<vmem>>
    %dma_wait3A_25 = arith.constant 0 : i32
    %dma_wait3A_26 = arith.constant 0 : i32
    %dma_wait3A_27 = tpu.memref_slice %arg11[%dma_wait3A_25, %dma_wait3A_26] : memref<10016x32xf32, #tpu.memory_space<vmem_shared>> -> memref<10016x32xf32, #tpu.memory_space<vmem_shared>>
    tpu.wait_indirect_dma semaphore(%arg13 : memref<!tpu.dma_semaphore, #tpu.memory_space<semaphore_mem>>) src(%dma_wait3A_27 : memref<10016x32xf32, #tpu.memory_space<vmem_shared>>) dst(%arg8 : memref<128x32xf32, #tpu.memory_space<vmem>>)
    %run_scoped3A = arith.constant 156 : i32
    "tpu.region"() ({
      %run_scoped3A_33 = tpu.sem_alloc : memref<!tpu.dma_semaphore, #tpu.memory_space<semaphore_mem>>
      %dma_start3A_34 = arith.constant 0 : i32
      %dma_start3A_35 = tpu.memref_slice %arg7[%run_scoped3A, %dma_start3A_34] : memref<157x128xi32, #tpu.memory_space<vmem>> -> memref<1x128xi32, #tpu.memory_space<vmem>>
      %dma_start3A_36 = tpu.memref_squeeze %dma_start3A_35 : memref<1x128xi32, #tpu.memory_space<vmem>> -> memref<128xi32, #tpu.memory_space<vmem>>
      %dma_start3A_37 = arith.constant 0 : i32
      %dma_start3A_38 = arith.constant 0 : i32
      %dma_start3A_39 = tpu.memref_slice %arg12[%dma_start3A_37, %dma_start3A_38] : memref<12288x32xf32, #tpu.memory_space<vmem_shared>> -> memref<12288x32xf32, #tpu.memory_space<vmem_shared>>
      tpu.enqueue_indirect_dma source(%arg8 : memref<128x32xf32, #tpu.memory_space<vmem>>) target(%dma_start3A_39 : memref<12288x32xf32, #tpu.memory_space<vmem_shared>>) offsets(%dma_start3A_36 : memref<128xi32, #tpu.memory_space<vmem>>) semaphore(%run_scoped3A_33 : memref<!tpu.dma_semaphore, #tpu.memory_space<semaphore_mem>>) {add = true}
      %dma_wait3A_40 = arith.constant 0 : i32
      %dma_wait3A_41 = tpu.memref_slice %arg7[%run_scoped3A, %dma_wait3A_40] : memref<157x128xi32, #tpu.memory_space<vmem>> -> memref<1x128xi32, #tpu.memory_space<vmem>>
      %dma_wait3A_42 = tpu.memref_squeeze %dma_wait3A_41 : memref<1x128xi32, #tpu.memory_space<vmem>> -> memref<128xi32, #tpu.memory_space<vmem>>
      %dma_wait3A_43 = arith.constant 0 : i32
      %dma_wait3A_44 = arith.constant 0 : i32
      %dma_wait3A_45 = tpu.memref_slice %arg12[%dma_wait3A_43, %dma_wait3A_44] : memref<12288x32xf32, #tpu.memory_space<vmem_shared>> -> memref<12288x32xf32, #tpu.memory_space<vmem_shared>>
      tpu.wait_indirect_dma semaphore(%run_scoped3A_33 : memref<!tpu.dma_semaphore, #tpu.memory_space<semaphore_mem>>) src(%arg8 : memref<128x32xf32, #tpu.memory_space<vmem>>) dst(%dma_wait3A_45 : memref<12288x32xf32, #tpu.memory_space<vmem_shared>>)
      tpu.yield
    }) : () -> ()
    %barrier3A_28 = arith.constant 0 : index
    tpu.barrier barrier_id(%barrier3A_28)
    %mul3A_29 = arith.constant 768 : i32
    %mul3A_30 = arith.muli %arg1, %mul3A_29 : i32
    "tpu.region"() ({
      %run_scoped3A_33 = tpu.sem_alloc : memref<!tpu.dma_semaphore, #tpu.memory_space<semaphore_mem>>
      %dma_start3A_34 = arith.constant 0 : i32
      %dma_start3A_35 = tpu.memref_slice %arg12[%mul3A_30, %dma_start3A_34] : memref<12288x32xf32, #tpu.memory_space<vmem_shared>> -> memref<768x32xf32, #tpu.memory_space<vmem_shared>>
      %dma_start3A_36 = arith.constant 0 : i32
      %dma_start3A_37 = tpu.memref_slice %arg12[%mul3A_30, %dma_start3A_36] : memref<12288x32xf32, #tpu.memory_space<vmem_shared>> -> memref<768x32xf32, #tpu.memory_space<vmem_shared>>
      tpu.enqueue_dma source(%dma_start3A_37 : memref<768x32xf32, #tpu.memory_space<vmem_shared>>) target(%arg10 : memref<768x32xf32, #tpu.memory_space<vmem>>) target_semaphore(%run_scoped3A_33 : memref<!tpu.dma_semaphore, #tpu.memory_space<semaphore_mem>>)
      %dma_wait3A_38 = arith.constant 0 : i32
      %dma_wait3A_39 = tpu.memref_slice %arg12[%mul3A_30, %dma_wait3A_38] : memref<12288x32xf32, #tpu.memory_space<vmem_shared>> -> memref<768x32xf32, #tpu.memory_space<vmem_shared>>
      %dma_wait3A_40 = arith.constant 0 : i32
      %dma_wait3A_41 = tpu.memref_slice %arg12[%mul3A_30, %dma_wait3A_40] : memref<12288x32xf32, #tpu.memory_space<vmem_shared>> -> memref<768x32xf32, #tpu.memory_space<vmem_shared>>
      tpu.wait_dma2 semaphore(%run_scoped3A_33 : memref<!tpu.dma_semaphore, #tpu.memory_space<semaphore_mem>>) src(%dma_wait3A_41 : memref<768x32xf32, #tpu.memory_space<vmem_shared>>) dst(%arg10 : memref<768x32xf32, #tpu.memory_space<vmem>>)
      tpu.yield
    }) : () -> ()
    %mul3A_31 = arith.constant 768 : i32
    %mul3A_32 = arith.muli %arg1, %mul3A_31 : i32
    "tpu.region"() ({
      %run_scoped3A_33 = tpu.sem_alloc : memref<!tpu.dma_semaphore, #tpu.memory_space<semaphore_mem>>
      %dma_start3A_34 = arith.constant 0 : i32
      %dma_start3A_35 = tpu.memref_slice %arg5[%arg0, %mul3A_32, %dma_start3A_34] : memref<2x12288x32xf32, #tpu.memory_space<hbm>> -> memref<1x768x32xf32, #tpu.memory_space<hbm>>
      %dma_start3A_36 = tpu.memref_squeeze %dma_start3A_35 : memref<1x768x32xf32, #tpu.memory_space<hbm>> -> memref<768x32xf32, #tpu.memory_space<hbm>>
      %dma_start3A_37 = arith.constant 0 : i32
      %dma_start3A_38 = tpu.memref_slice %arg5[%arg0, %mul3A_32, %dma_start3A_37] : memref<2x12288x32xf32, #tpu.memory_space<hbm>> -> memref<1x768x32xf32, #tpu.memory_space<hbm>>
      %dma_start3A_39 = tpu.memref_squeeze %dma_start3A_38 : memref<1x768x32xf32, #tpu.memory_space<hbm>> -> memref<768x32xf32, #tpu.memory_space<hbm>>
      tpu.enqueue_dma source(%arg10 : memref<768x32xf32, #tpu.memory_space<vmem>>) target(%dma_start3A_39 : memref<768x32xf32, #tpu.memory_space<hbm>>) target_semaphore(%run_scoped3A_33 : memref<!tpu.dma_semaphore, #tpu.memory_space<semaphore_mem>>)
      %dma_wait3A_40 = arith.constant 0 : i32
      %dma_wait3A_41 = tpu.memref_slice %arg5[%arg0, %mul3A_32, %dma_wait3A_40] : memref<2x12288x32xf32, #tpu.memory_space<hbm>> -> memref<1x768x32xf32, #tpu.memory_space<hbm>>
      %dma_wait3A_42 = tpu.memref_squeeze %dma_wait3A_41 : memref<1x768x32xf32, #tpu.memory_space<hbm>> -> memref<768x32xf32, #tpu.memory_space<hbm>>
      %dma_wait3A_43 = arith.constant 0 : i32
      %dma_wait3A_44 = tpu.memref_slice %arg5[%arg0, %mul3A_32, %dma_wait3A_43] : memref<2x12288x32xf32, #tpu.memory_space<hbm>> -> memref<1x768x32xf32, #tpu.memory_space<hbm>>
      %dma_wait3A_45 = tpu.memref_squeeze %dma_wait3A_44 : memref<1x768x32xf32, #tpu.memory_space<hbm>> -> memref<768x32xf32, #tpu.memory_space<hbm>>
      tpu.wait_dma2 semaphore(%run_scoped3A_33 : memref<!tpu.dma_semaphore, #tpu.memory_space<semaphore_mem>>) src(%arg10 : memref<768x32xf32, #tpu.memory_space<vmem>>) dst(%dma_wait3A_45 : memref<768x32xf32, #tpu.memory_space<hbm>>)
      tpu.yield
    }) : () -> ()
    return
  }
}

module attributes {stable_mosaic.version = 14 : i64} {
  func.func @_mm_body(%arg0: memref<2504x512xf32, #tpu.memory_space<vmem>>, %arg1: memref<512x128xf32, #tpu.memory_space<vmem>>, %arg2: memref<512x128xf32, #tpu.memory_space<vmem>>, %arg3: memref<2x2504x128xf32, #tpu.memory_space<vmem>>) attributes {dimension_semantics = [], scalar_prefetch = 0 : i64, scratch_operands = 0 : i64, tpu.core_type = #tpu.core_type<tc>} {
    %get3A = arith.constant 0 : index
    %get3A_0 = arith.constant 0 : index
    %get3A_1 = vector.load %arg0[%get3A, %get3A_0] : memref<2504x512xf32, #tpu.memory_space<vmem>>, vector<2504x512xf32>
    %get3A_2 = arith.constant 0 : index
    %get3A_3 = arith.constant 0 : index
    %get3A_4 = vector.load %arg1[%get3A_2, %get3A_3] : memref<512x128xf32, #tpu.memory_space<vmem>>, vector<512x128xf32>
    %dot_general3A = arith.constant dense<0.000000e+00> : vector<2504x128xf32>
    %dot_general3A_5 = tpu.matmul %get3A_1, %get3A_4, %dot_general3A {dimension_numbers = #tpu.dot_dimension_numbers<[1], [0], [0], [1], [0, 0, 1, 1], [], []>, transpose_lhs_hint = false} : vector<2504x512xf32>, vector<512x128xf32>, vector<2504x128xf32> -> vector<2504x128xf32>
    %swap3A = arith.constant 0 : index
    %swap3A_6 = arith.constant 0 : index
    %swap3A_7 = arith.constant 0 : index
    %swap3A_8 = vector.load %arg3[%swap3A, %swap3A_6, %swap3A_7] : memref<2x2504x128xf32, #tpu.memory_space<vmem>>, vector<1x2504x128xf32>
    %swap3A_9 = vector.shape_cast %swap3A_8 : vector<1x2504x128xf32> to vector<2504x128xf32>
    %swap3A_10 = vector.shape_cast %dot_general3A_5 : vector<2504x128xf32> to vector<1x2504x128xf32>
    tpu.vector_store %arg3[%swap3A, %swap3A_6, %swap3A_7], %swap3A_10 {strides = array<i32>} : memref<2x2504x128xf32, #tpu.memory_space<vmem>>, vector<1x2504x128xf32>,
    %get3A_11 = arith.constant 0 : index
    %get3A_12 = arith.constant 0 : index
    %get3A_13 = vector.load %arg2[%get3A_11, %get3A_12] : memref<512x128xf32, #tpu.memory_space<vmem>>, vector<512x128xf32>
    %dot_general3A_14 = arith.constant dense<0.000000e+00> : vector<2504x128xf32>
    %dot_general3A_15 = tpu.matmul %get3A_1, %get3A_13, %dot_general3A_14 {dimension_numbers = #tpu.dot_dimension_numbers<[1], [0], [0], [1], [0, 0, 1, 1], [], []>, transpose_lhs_hint = false} : vector<2504x512xf32>, vector<512x128xf32>, vector<2504x128xf32> -> vector<2504x128xf32>
    %swap3A_16 = arith.constant 1 : index
    %swap3A_17 = arith.constant 0 : index
    %swap3A_18 = arith.constant 0 : index
    %swap3A_19 = vector.load %arg3[%swap3A_16, %swap3A_17, %swap3A_18] : memref<2x2504x128xf32, #tpu.memory_space<vmem>>, vector<1x2504x128xf32>
    %swap3A_20 = vector.shape_cast %swap3A_19 : vector<1x2504x128xf32> to vector<2504x128xf32>
    %swap3A_21 = vector.shape_cast %dot_general3A_15 : vector<2504x128xf32> to vector<1x2504x128xf32>
    tpu.vector_store %arg3[%swap3A_16, %swap3A_17, %swap3A_18], %swap3A_21 {strides = array<i32>} : memref<2x2504x128xf32, #tpu.memory_space<vmem>>, vector<1x2504x128xf32>,
    return
  }
}

module attributes {stable_mosaic.version = 14 : i64} {
  func.func @_gscale_body(%arg0: memref<2x2504x128xf32, #tpu.memory_space<vmem>>, %arg1: memref<2x2504x128xf32, #tpu.memory_space<vmem>>, %arg2: memref<2x2504x128xf32, #tpu.memory_space<vmem>>) attributes {dimension_semantics = [], scalar_prefetch = 0 : i64, scratch_operands = 0 : i64, tpu.core_type = #tpu.core_type<tc>} {
    %get3A = arith.constant 0 : index
    %get3A_0 = arith.constant 0 : index
    %get3A_1 = arith.constant 0 : index
    %get3A_2 = vector.load %arg0[%get3A, %get3A_0, %get3A_1] : memref<2x2504x128xf32, #tpu.memory_space<vmem>>, vector<1x2504x128xf32>
    %get3A_3 = vector.shape_cast %get3A_2 : vector<1x2504x128xf32> to vector<2504x128xf32>
    %get3A_4 = arith.constant 0 : index
    %get3A_5 = arith.constant 0 : index
    %get3A_6 = arith.constant 0 : index
    %get3A_7 = vector.load %arg1[%get3A_4, %get3A_5, %get3A_6] : memref<2x2504x128xf32, #tpu.memory_space<vmem>>, vector<1x2504x128xf32>
    %get3A_8 = vector.shape_cast %get3A_7 : vector<1x2504x128xf32> to vector<2504x128xf32>
    %mul3A = arith.mulf %get3A_3, %get3A_8 : vector<2504x128xf32>
    %swap3A = arith.constant 0 : index
    %swap3A_9 = arith.constant 0 : index
    %swap3A_10 = arith.constant 0 : index
    %swap3A_11 = vector.load %arg2[%swap3A, %swap3A_9, %swap3A_10] : memref<2x2504x128xf32, #tpu.memory_space<vmem>>, vector<1x2504x128xf32>
    %swap3A_12 = vector.shape_cast %swap3A_11 : vector<1x2504x128xf32> to vector<2504x128xf32>
    %swap3A_13 = vector.shape_cast %mul3A : vector<2504x128xf32> to vector<1x2504x128xf32>
    tpu.vector_store %arg2[%swap3A, %swap3A_9, %swap3A_10], %swap3A_13 {strides = array<i32>} : memref<2x2504x128xf32, #tpu.memory_space<vmem>>, vector<1x2504x128xf32>,
    %get3A_14 = arith.constant 1 : index
    %get3A_15 = arith.constant 0 : index
    %get3A_16 = arith.constant 0 : index
    %get3A_17 = vector.load %arg0[%get3A_14, %get3A_15, %get3A_16] : memref<2x2504x128xf32, #tpu.memory_space<vmem>>, vector<1x2504x128xf32>
    %get3A_18 = vector.shape_cast %get3A_17 : vector<1x2504x128xf32> to vector<2504x128xf32>
    %get3A_19 = arith.constant 1 : index
    %get3A_20 = arith.constant 0 : index
    %get3A_21 = arith.constant 0 : index
    %get3A_22 = vector.load %arg1[%get3A_19, %get3A_20, %get3A_21] : memref<2x2504x128xf32, #tpu.memory_space<vmem>>, vector<1x2504x128xf32>
    %get3A_23 = vector.shape_cast %get3A_22 : vector<1x2504x128xf32> to vector<2504x128xf32>
    %mul3A_24 = arith.mulf %get3A_18, %get3A_23 : vector<2504x128xf32>
    %swap3A_25 = arith.constant 1 : index
    %swap3A_26 = arith.constant 0 : index
    %swap3A_27 = arith.constant 0 : index
    %swap3A_28 = vector.load %arg2[%swap3A_25, %swap3A_26, %swap3A_27] : memref<2x2504x128xf32, #tpu.memory_space<vmem>>, vector<1x2504x128xf32>
    %swap3A_29 = vector.shape_cast %swap3A_28 : vector<1x2504x128xf32> to vector<2504x128xf32>
    %swap3A_30 = vector.shape_cast %mul3A_24 : vector<2504x128xf32> to vector<1x2504x128xf32>
    tpu.vector_store %arg2[%swap3A_25, %swap3A_26, %swap3A_27], %swap3A_30 {strides = array<i32>} : memref<2x2504x128xf32, #tpu.memory_space<vmem>>, vector<1x2504x128xf32>,
    return
  }
}

module attributes {stable_mosaic.version = 14 : i64} {
  func.func @_mid_body(%arg0: i32, %arg1: memref<1x3072x128xf32, #tpu.memory_space<vmem>>, %arg2: memref<1x2504x128xf32, #tpu.memory_space<vmem>>, %arg3: memref<1x2504x128xf32, #tpu.memory_space<vmem>>, %arg4: memref<1x128xf32, #tpu.memory_space<vmem>>, %arg5: memref<1x128xf32, #tpu.memory_space<vmem>>, %arg6: memref<1x128xf32, #tpu.memory_space<vmem>>, %arg7: memref<128x128xf32, #tpu.memory_space<vmem>>, %arg8: memref<1x2504x128xf32, #tpu.memory_space<vmem>>) attributes {dimension_semantics = [#tpu.dimension_semantics<arbitrary>], iteration_bounds = array<i64: 2>, scalar_prefetch = 0 : i64, scratch_operands = 0 : i64, tpu.core_type = #tpu.core_type<tc>, window_params = [{transform_indices = @transform_0, window_bounds = array<i64: 1, 3072, 128>}, {transform_indices = @transform_1, window_bounds = array<i64: 1, 2504, 128>}, {transform_indices = @transform_2, window_bounds = array<i64: 1, 2504, 128>}, {pipeline_mode = #tpu.pipeline_mode<synchronous>, transform_indices = @transform_3, window_bounds = array<i64: 1, 128>}, {pipeline_mode = #tpu.pipeline_mode<synchronous>, transform_indices = @transform_4, window_bounds = array<i64: 1, 128>}, {pipeline_mode = #tpu.pipeline_mode<synchronous>, transform_indices = @transform_5, window_bounds = array<i64: 1, 128>}, {pipeline_mode = #tpu.pipeline_mode<synchronous>, transform_indices = @transform_6, window_bounds = array<i64: 128, 128>}, {transform_indices = @transform_7, window_bounds = array<i64: 1, 2504, 128>}]} {
    %get3A = arith.constant 0 : index
    %get3A_0 = arith.constant 0 : index
    %get3A_1 = arith.constant 0 : index
    %get3A_2 = vector.load %arg3[%get3A, %get3A_0, %get3A_1] : memref<1x2504x128xf32, #tpu.memory_space<vmem>>, vector<1x2504x128xf32>
    %get3A_3 = vector.shape_cast %get3A_2 : vector<1x2504x128xf32> to vector<2504x128xf32>
    %get3A_4 = arith.constant 0 : index
    %get3A_5 = arith.constant 0 : index
    %get3A_6 = arith.constant 0 : index
    %get3A_7 = vector.load %arg1[%get3A_4, %get3A_5, %get3A_6] : memref<1x3072x128xf32, #tpu.memory_space<vmem>>, vector<1x2504x128xf32>
    %get3A_8 = vector.shape_cast %get3A_7 : vector<1x2504x128xf32> to vector<2504x128xf32>
    %get3A_9 = arith.constant 0 : index
    %get3A_10 = arith.constant 0 : index
    %get3A_11 = arith.constant 0 : index
    %get3A_12 = vector.load %arg2[%get3A_9, %get3A_10, %get3A_11] : memref<1x2504x128xf32, #tpu.memory_space<vmem>>, vector<1x2504x128xf32>
    %get3A_13 = vector.shape_cast %get3A_12 : vector<1x2504x128xf32> to vector<2504x128xf32>
    %add3A = arith.addf %get3A_8, %get3A_13 : vector<2504x128xf32>
    %mul3A = arith.mulf %get3A_3, %add3A : vector<2504x128xf32>
    %get3A_14 = arith.constant 0 : index
    %get3A_15 = arith.constant 0 : index
    %get3A_16 = vector.load %arg4[%get3A_14, %get3A_15] : memref<1x128xf32, #tpu.memory_space<vmem>>, vector<1x128xf32>
    %add3A_17 = vector.broadcast %get3A_16 : vector<1x128xf32> to vector<2504x128xf32>
    %add3A_18 = arith.addf %mul3A, %add3A_17 : vector<2504x128xf32>
    %slice3A = vector.extract_strided_slice %add3A_18 {offsets = [0, 0], sizes = [2500, 128], strides = [1, 1]} : vector<2504x128xf32> to vector<2500x128xf32>
    %reduce_sum3A = arith.constant dense<0.000000e+00> : vector<128xf32>
    %reduce_sum3A_19 = vector.multi_reduction <add>, %slice3A, %reduce_sum3A [0] : vector<2500x128xf32> to vector<128xf32>
    %broadcast_in_dim3A = vector.shape_cast %reduce_sum3A_19 : vector<128xf32> to vector<1x128xf32>
    %div3A = arith.constant 2.500000e+03 : f32
    %div3A_20 = vector.broadcast %div3A : f32 to vector<1x128xf32>
    %div3A_21 = arith.divf %broadcast_in_dim3A, %div3A_20 : vector<1x128xf32>
    %slice3A_22 = vector.extract_strided_slice %div3A_21 {offsets = [0, 0], sizes = [1, 32], strides = [1, 1]} : vector<1x128xf32> to vector<1x32xf32>
    %slice3A_23 = vector.extract_strided_slice %div3A_21 {offsets = [0, 32], sizes = [1, 32], strides = [1, 1]} : vector<1x128xf32> to vector<1x32xf32>
    %add3A_24 = arith.addf %slice3A_22, %slice3A_23 : vector<1x32xf32>
    %slice3A_25 = vector.extract_strided_slice %div3A_21 {offsets = [0, 64], sizes = [1, 32], strides = [1, 1]} : vector<1x128xf32> to vector<1x32xf32>
    %add3A_26 = arith.addf %add3A_24, %slice3A_25 : vector<1x32xf32>
    %slice3A_27 = vector.extract_strided_slice %div3A_21 {offsets = [0, 96], sizes = [1, 32], strides = [1, 1]} : vector<1x128xf32> to vector<1x32xf32>
    %add3A_28 = arith.addf %add3A_26, %slice3A_27 : vector<1x32xf32>
    %mul3A_29 = arith.constant 2.500000e-01 : f32
    %mul3A_30 = vector.broadcast %mul3A_29 : f32 to vector<1x32xf32>
    %mul3A_31 = arith.mulf %add3A_28, %mul3A_30 : vector<1x32xf32>
    %concatenate3A = tpu.concatenate %mul3A_31, %mul3A_31, %mul3A_31, %mul3A_31 in 1 : vector<1x32xf32>, vector<1x32xf32>, vector<1x32xf32>, vector<1x32xf32> -> vector<1x128xf32>
    %sub3A = vector.broadcast %concatenate3A : vector<1x128xf32> to vector<2504x128xf32>
    %sub3A_32 = arith.subf %add3A_18, %sub3A : vector<2504x128xf32>
    %slice3A_33 = vector.extract_strided_slice %sub3A_32 {offsets = [0, 0], sizes = [2500, 128], strides = [1, 1]} : vector<2504x128xf32> to vector<2500x128xf32>
    %integer_pow3A = arith.mulf %slice3A_33, %slice3A_33 : vector<2500x128xf32>
    %reduce_sum3A_34 = arith.constant dense<0.000000e+00> : vector<128xf32>
    %reduce_sum3A_35 = vector.multi_reduction <add>, %integer_pow3A, %reduce_sum3A_34 [0] : vector<2500x128xf32> to vector<128xf32>
    %broadcast_in_dim3A_36 = vector.shape_cast %reduce_sum3A_35 : vector<128xf32> to vector<1x128xf32>
    %div3A_37 = arith.constant 2.500000e+03 : f32
    %div3A_38 = vector.broadcast %div3A_37 : f32 to vector<1x128xf32>
    %div3A_39 = arith.divf %broadcast_in_dim3A_36, %div3A_38 : vector<1x128xf32>
    %slice3A_40 = vector.extract_strided_slice %div3A_39 {offsets = [0, 0], sizes = [1, 32], strides = [1, 1]} : vector<1x128xf32> to vector<1x32xf32>
    %slice3A_41 = vector.extract_strided_slice %div3A_39 {offsets = [0, 32], sizes = [1, 32], strides = [1, 1]} : vector<1x128xf32> to vector<1x32xf32>
    %add3A_42 = arith.addf %slice3A_40, %slice3A_41 : vector<1x32xf32>
    %slice3A_43 = vector.extract_strided_slice %div3A_39 {offsets = [0, 64], sizes = [1, 32], strides = [1, 1]} : vector<1x128xf32> to vector<1x32xf32>
    %add3A_44 = arith.addf %add3A_42, %slice3A_43 : vector<1x32xf32>
    %slice3A_45 = vector.extract_strided_slice %div3A_39 {offsets = [0, 96], sizes = [1, 32], strides = [1, 1]} : vector<1x128xf32> to vector<1x32xf32>
    %add3A_46 = arith.addf %add3A_44, %slice3A_45 : vector<1x32xf32>
    %mul3A_47 = arith.constant 2.500000e-01 : f32
    %mul3A_48 = vector.broadcast %mul3A_47 : f32 to vector<1x32xf32>
    %mul3A_49 = arith.mulf %add3A_46, %mul3A_48 : vector<1x32xf32>
    %concatenate3A_50 = tpu.concatenate %mul3A_49, %mul3A_49, %mul3A_49, %mul3A_49 in 1 : vector<1x32xf32>, vector<1x32xf32>, vector<1x32xf32>, vector<1x32xf32> -> vector<1x128xf32>
    %add3A_51 = arith.constant 9.99999974E-6 : f32
    %add3A_52 = vector.broadcast %add3A_51 : f32 to vector<1x128xf32>
    %add3A_53 = arith.addf %concatenate3A_50, %add3A_52 : vector<1x128xf32>
    %rsqrt3A = math.rsqrt %add3A_53 : vector<1x128xf32>
    %mul3A_54 = vector.broadcast %rsqrt3A : vector<1x128xf32> to vector<2504x128xf32>
    %mul3A_55 = arith.mulf %sub3A_32, %mul3A_54 : vector<2504x128xf32>
    %get3A_56 = arith.constant 0 : index
    %get3A_57 = arith.constant 0 : index
    %get3A_58 = vector.load %arg5[%get3A_56, %get3A_57] : memref<1x128xf32, #tpu.memory_space<vmem>>, vector<1x128xf32>
    %mul3A_59 = vector.broadcast %get3A_58 : vector<1x128xf32> to vector<2504x128xf32>
    %mul3A_60 = arith.mulf %mul3A_55, %mul3A_59 : vector<2504x128xf32>
    %get3A_61 = arith.constant 0 : index
    %get3A_62 = arith.constant 0 : index
    %get3A_63 = vector.load %arg6[%get3A_61, %get3A_62] : memref<1x128xf32, #tpu.memory_space<vmem>>, vector<1x128xf32>
    %add3A_64 = vector.broadcast %get3A_63 : vector<1x128xf32> to vector<2504x128xf32>
    %add3A_65 = arith.addf %mul3A_60, %add3A_64 : vector<2504x128xf32>
    %max3A = arith.constant 0.000000e+00 : f32
    %max3A_66 = vector.broadcast %max3A : f32 to vector<2504x128xf32>
    %max3A_67 = arith.maximumf %add3A_65, %max3A_66 : vector<2504x128xf32>
    %get3A_68 = arith.constant 0 : index
    %get3A_69 = arith.constant 0 : index
    %get3A_70 = vector.load %arg7[%get3A_68, %get3A_69] : memref<128x128xf32, #tpu.memory_space<vmem>>, vector<128x128xf32>
    %dot_general3A = arith.constant dense<0.000000e+00> : vector<2504x128xf32>
    %dot_general3A_71 = tpu.matmul %max3A_67, %get3A_70, %dot_general3A {dimension_numbers = #tpu.dot_dimension_numbers<[1], [0], [0], [1], [0, 0, 1, 1], [], []>, transpose_lhs_hint = false} : vector<2504x128xf32>, vector<128x128xf32>, vector<2504x128xf32> -> vector<2504x128xf32>
    %mul3A_72 = arith.mulf %dot_general3A_71, %get3A_3 : vector<2504x128xf32>
    %swap3A = arith.constant 0 : index
    %swap3A_73 = arith.constant 0 : index
    %swap3A_74 = arith.constant 0 : index
    %swap3A_75 = vector.load %arg8[%swap3A, %swap3A_73, %swap3A_74] : memref<1x2504x128xf32, #tpu.memory_space<vmem>>, vector<1x2504x128xf32>
    %swap3A_76 = vector.shape_cast %swap3A_75 : vector<1x2504x128xf32> to vector<2504x128xf32>
    %swap3A_77 = vector.shape_cast %mul3A_72 : vector<2504x128xf32> to vector<1x2504x128xf32>
    tpu.vector_store %arg8[%swap3A, %swap3A_73, %swap3A_74], %swap3A_77 {strides = array<i32>} : memref<1x2504x128xf32, #tpu.memory_space<vmem>>, vector<1x2504x128xf32>,
    return
  }
  func.func @transform_0(%arg0: i32) -> (i32, i32, i32) {
    %c0_i32 = arith.constant 0 : i32
    %c0_i32_0 = arith.constant 0 : i32
    %c0_i32_1 = arith.constant 0 : i32
    return %arg0, %c0_i32, %c0_i32_0 : i32, i32, i32
  }
  func.func @transform_1(%arg0: i32) -> (i32, i32, i32) {
    %c0_i32 = arith.constant 0 : i32
    %c0_i32_0 = arith.constant 0 : i32
    %c0_i32_1 = arith.constant 0 : i32
    return %arg0, %c0_i32, %c0_i32_0 : i32, i32, i32
  }
  func.func @transform_2(%arg0: i32) -> (i32, i32, i32) {
    %c0_i32 = arith.constant 0 : i32
    %c0_i32_0 = arith.constant 0 : i32
    %c0_i32_1 = arith.constant 0 : i32
    return %arg0, %c0_i32, %c0_i32_0 : i32, i32, i32
  }
  func.func @transform_3(%arg0: i32) -> (i32, i32) {
    %c0_i32 = arith.constant 0 : i32
    %c0_i32_0 = arith.constant 0 : i32
    %c0_i32_1 = arith.constant 0 : i32
    return %c0_i32, %c0_i32_0 : i32, i32
  }
  func.func @transform_4(%arg0: i32) -> (i32, i32) {
    %c0_i32 = arith.constant 0 : i32
    %c0_i32_0 = arith.constant 0 : i32
    %c0_i32_1 = arith.constant 0 : i32
    return %c0_i32, %c0_i32_0 : i32, i32
  }
  func.func @transform_5(%arg0: i32) -> (i32, i32) {
    %c0_i32 = arith.constant 0 : i32
    %c0_i32_0 = arith.constant 0 : i32
    %c0_i32_1 = arith.constant 0 : i32
    return %c0_i32, %c0_i32_0 : i32, i32
  }
  func.func @transform_6(%arg0: i32) -> (i32, i32) {
    %c0_i32 = arith.constant 0 : i32
    %c0_i32_0 = arith.constant 0 : i32
    %c0_i32_1 = arith.constant 0 : i32
    return %c0_i32, %c0_i32_0 : i32, i32
  }
  func.func @transform_7(%arg0: i32) -> (i32, i32, i32) {
    %c0_i32 = arith.constant 0 : i32
    %c0_i32_0 = arith.constant 0 : i32
    %c0_i32_1 = arith.constant 0 : i32
    return %arg0, %c0_i32, %c0_i32_0 : i32, i32, i32
  }
}

module attributes {stable_mosaic.version = 14 : i64} {
  func.func @_fin_body(%arg0: i32, %arg1: memref<1x3072x128xf32, #tpu.memory_space<vmem>>, %arg2: memref<1x2504x128xf32, #tpu.memory_space<vmem>>, %arg3: memref<1x2504x128xf32, #tpu.memory_space<vmem>>, %arg4: memref<1x128xf32, #tpu.memory_space<vmem>>, %arg5: memref<1x128xf32, #tpu.memory_space<vmem>>, %arg6: memref<1x128xf32, #tpu.memory_space<vmem>>, %arg7: memref<4x2500xi32, #tpu.memory_space<vmem>>, %arg8: memref<32x32xf32, #tpu.memory_space<vmem>>, %arg9: memref<1x32xf32, #tpu.memory_space<vmem>>, %arg10: memref<32x32xf32, #tpu.memory_space<vmem>>, %arg11: memref<1x32xf32, #tpu.memory_space<vmem>>, %arg12: memref<1x64x32xf32, #tpu.memory_space<vmem>>) attributes {dimension_semantics = [#tpu.dimension_semantics<arbitrary>], iteration_bounds = array<i64: 2>, scalar_prefetch = 0 : i64, scratch_operands = 0 : i64, tpu.core_type = #tpu.core_type<tc>, window_params = [{transform_indices = @transform_0, window_bounds = array<i64: 1, 3072, 128>}, {transform_indices = @transform_1, window_bounds = array<i64: 1, 2504, 128>}, {transform_indices = @transform_2, window_bounds = array<i64: 1, 2504, 128>}, {pipeline_mode = #tpu.pipeline_mode<synchronous>, transform_indices = @transform_3, window_bounds = array<i64: 1, 128>}, {pipeline_mode = #tpu.pipeline_mode<synchronous>, transform_indices = @transform_4, window_bounds = array<i64: 1, 128>}, {pipeline_mode = #tpu.pipeline_mode<synchronous>, transform_indices = @transform_5, window_bounds = array<i64: 1, 128>}, {pipeline_mode = #tpu.pipeline_mode<synchronous>, transform_indices = @transform_6, window_bounds = array<i64: 4, 2500>}, {pipeline_mode = #tpu.pipeline_mode<synchronous>, transform_indices = @transform_7, window_bounds = array<i64: 32, 32>}, {pipeline_mode = #tpu.pipeline_mode<synchronous>, transform_indices = @transform_8, window_bounds = array<i64: 1, 32>}, {pipeline_mode = #tpu.pipeline_mode<synchronous>, transform_indices = @transform_9, window_bounds = array<i64: 32, 32>}, {pipeline_mode = #tpu.pipeline_mode<synchronous>, transform_indices = @transform_10, window_bounds = array<i64: 1, 32>}, {transform_indices = @transform_11, window_bounds = array<i64: 1, 64, 32>}]} {
    %get3A = arith.constant 0 : index
    %get3A_0 = arith.constant 0 : index
    %get3A_1 = arith.constant 0 : index
    %get3A_2 = vector.load %arg3[%get3A, %get3A_0, %get3A_1] : memref<1x2504x128xf32, #tpu.memory_space<vmem>>, vector<1x2500x128xf32>
    %get3A_3 = vector.shape_cast %get3A_2 : vector<1x2500x128xf32> to vector<2500x128xf32>
    %get3A_4 = arith.constant 0 : index
    %get3A_5 = arith.constant 0 : index
    %get3A_6 = arith.constant 0 : index
    %get3A_7 = vector.load %arg1[%get3A_4, %get3A_5, %get3A_6] : memref<1x3072x128xf32, #tpu.memory_space<vmem>>, vector<1x2500x128xf32>
    %get3A_8 = vector.shape_cast %get3A_7 : vector<1x2500x128xf32> to vector<2500x128xf32>
    %get3A_9 = arith.constant 0 : index
    %get3A_10 = arith.constant 0 : index
    %get3A_11 = arith.constant 0 : index
    %get3A_12 = vector.load %arg2[%get3A_9, %get3A_10, %get3A_11] : memref<1x2504x128xf32, #tpu.memory_space<vmem>>, vector<1x2500x128xf32>
    %get3A_13 = vector.shape_cast %get3A_12 : vector<1x2500x128xf32> to vector<2500x128xf32>
    %add3A = arith.addf %get3A_8, %get3A_13 : vector<2500x128xf32>
    %mul3A = arith.mulf %get3A_3, %add3A : vector<2500x128xf32>
    %get3A_14 = arith.constant 0 : index
    %get3A_15 = arith.constant 0 : index
    %get3A_16 = vector.load %arg4[%get3A_14, %get3A_15] : memref<1x128xf32, #tpu.memory_space<vmem>>, vector<1x128xf32>
    %add3A_17 = vector.broadcast %get3A_16 : vector<1x128xf32> to vector<2500x128xf32>
    %add3A_18 = arith.addf %mul3A, %add3A_17 : vector<2500x128xf32>
    %reduce_sum3A = arith.constant dense<0.000000e+00> : vector<128xf32>
    %reduce_sum3A_19 = vector.multi_reduction <add>, %add3A_18, %reduce_sum3A [0] : vector<2500x128xf32> to vector<128xf32>
    %broadcast_in_dim3A = vector.shape_cast %reduce_sum3A_19 : vector<128xf32> to vector<1x128xf32>
    %div3A = arith.constant 2.500000e+03 : f32
    %div3A_20 = vector.broadcast %div3A : f32 to vector<1x128xf32>
    %div3A_21 = arith.divf %broadcast_in_dim3A, %div3A_20 : vector<1x128xf32>
    %slice3A = vector.extract_strided_slice %div3A_21 {offsets = [0, 0], sizes = [1, 32], strides = [1, 1]} : vector<1x128xf32> to vector<1x32xf32>
    %slice3A_22 = vector.extract_strided_slice %div3A_21 {offsets = [0, 32], sizes = [1, 32], strides = [1, 1]} : vector<1x128xf32> to vector<1x32xf32>
    %add3A_23 = arith.addf %slice3A, %slice3A_22 : vector<1x32xf32>
    %slice3A_24 = vector.extract_strided_slice %div3A_21 {offsets = [0, 64], sizes = [1, 32], strides = [1, 1]} : vector<1x128xf32> to vector<1x32xf32>
    %add3A_25 = arith.addf %add3A_23, %slice3A_24 : vector<1x32xf32>
    %slice3A_26 = vector.extract_strided_slice %div3A_21 {offsets = [0, 96], sizes = [1, 32], strides = [1, 1]} : vector<1x128xf32> to vector<1x32xf32>
    %add3A_27 = arith.addf %add3A_25, %slice3A_26 : vector<1x32xf32>
    %mul3A_28 = arith.constant 2.500000e-01 : f32
    %mul3A_29 = vector.broadcast %mul3A_28 : f32 to vector<1x32xf32>
    %mul3A_30 = arith.mulf %add3A_27, %mul3A_29 : vector<1x32xf32>
    %concatenate3A = tpu.concatenate %mul3A_30, %mul3A_30, %mul3A_30, %mul3A_30 in 1 : vector<1x32xf32>, vector<1x32xf32>, vector<1x32xf32>, vector<1x32xf32> -> vector<1x128xf32>
    %sub3A = vector.broadcast %concatenate3A : vector<1x128xf32> to vector<2500x128xf32>
    %sub3A_31 = arith.subf %add3A_18, %sub3A : vector<2500x128xf32>
    %integer_pow3A = arith.mulf %sub3A_31, %sub3A_31 : vector<2500x128xf32>
    %reduce_sum3A_32 = arith.constant dense<0.000000e+00> : vector<128xf32>
    %reduce_sum3A_33 = vector.multi_reduction <add>, %integer_pow3A, %reduce_sum3A_32 [0] : vector<2500x128xf32> to vector<128xf32>
    %broadcast_in_dim3A_34 = vector.shape_cast %reduce_sum3A_33 : vector<128xf32> to vector<1x128xf32>
    %div3A_35 = arith.constant 2.500000e+03 : f32
    %div3A_36 = vector.broadcast %div3A_35 : f32 to vector<1x128xf32>
    %div3A_37 = arith.divf %broadcast_in_dim3A_34, %div3A_36 : vector<1x128xf32>
    %slice3A_38 = vector.extract_strided_slice %div3A_37 {offsets = [0, 0], sizes = [1, 32], strides = [1, 1]} : vector<1x128xf32> to vector<1x32xf32>
    %slice3A_39 = vector.extract_strided_slice %div3A_37 {offsets = [0, 32], sizes = [1, 32], strides = [1, 1]} : vector<1x128xf32> to vector<1x32xf32>
    %add3A_40 = arith.addf %slice3A_38, %slice3A_39 : vector<1x32xf32>
    %slice3A_41 = vector.extract_strided_slice %div3A_37 {offsets = [0, 64], sizes = [1, 32], strides = [1, 1]} : vector<1x128xf32> to vector<1x32xf32>
    %add3A_42 = arith.addf %add3A_40, %slice3A_41 : vector<1x32xf32>
    %slice3A_43 = vector.extract_strided_slice %div3A_37 {offsets = [0, 96], sizes = [1, 32], strides = [1, 1]} : vector<1x128xf32> to vector<1x32xf32>
    %add3A_44 = arith.addf %add3A_42, %slice3A_43 : vector<1x32xf32>
    %mul3A_45 = arith.constant 2.500000e-01 : f32
    %mul3A_46 = vector.broadcast %mul3A_45 : f32 to vector<1x32xf32>
    %mul3A_47 = arith.mulf %add3A_44, %mul3A_46 : vector<1x32xf32>
    %concatenate3A_48 = tpu.concatenate %mul3A_47, %mul3A_47, %mul3A_47, %mul3A_47 in 1 : vector<1x32xf32>, vector<1x32xf32>, vector<1x32xf32>, vector<1x32xf32> -> vector<1x128xf32>
    %add3A_49 = arith.constant 9.99999974E-6 : f32
    %add3A_50 = vector.broadcast %add3A_49 : f32 to vector<1x128xf32>
    %add3A_51 = arith.addf %concatenate3A_48, %add3A_50 : vector<1x128xf32>
    %rsqrt3A = math.rsqrt %add3A_51 : vector<1x128xf32>
    %mul3A_52 = vector.broadcast %rsqrt3A : vector<1x128xf32> to vector<2500x128xf32>
    %mul3A_53 = arith.mulf %sub3A_31, %mul3A_52 : vector<2500x128xf32>
    %get3A_54 = arith.constant 0 : index
    %get3A_55 = arith.constant 0 : index
    %get3A_56 = vector.load %arg5[%get3A_54, %get3A_55] : memref<1x128xf32, #tpu.memory_space<vmem>>, vector<1x128xf32>
    %mul3A_57 = vector.broadcast %get3A_56 : vector<1x128xf32> to vector<2500x128xf32>
    %mul3A_58 = arith.mulf %mul3A_53, %mul3A_57 : vector<2500x128xf32>
    %get3A_59 = arith.constant 0 : index
    %get3A_60 = arith.constant 0 : index
    %get3A_61 = vector.load %arg6[%get3A_59, %get3A_60] : memref<1x128xf32, #tpu.memory_space<vmem>>, vector<1x128xf32>
    %add3A_62 = vector.broadcast %get3A_61 : vector<1x128xf32> to vector<2500x128xf32>
    %add3A_63 = arith.addf %mul3A_58, %add3A_62 : vector<2500x128xf32>
    %max3A = arith.constant 0.000000e+00 : f32
    %max3A_64 = vector.broadcast %max3A : f32 to vector<2500x128xf32>
    %max3A_65 = arith.maximumf %add3A_63, %max3A_64 : vector<2500x128xf32>
    %get3A_66 = arith.constant 0 : index
    %get3A_67 = arith.constant 0 : index
    %get3A_68 = vector.load %arg7[%get3A_66, %get3A_67] : memref<4x2500xi32, #tpu.memory_space<vmem>>, vector<4x2500xi32>
    %iota3A = tpu.iota {dimensions = array<i32: 0>} : vector<64x2500xi32>
    %broadcast_in_dim3A_69 = arith.constant 0.000000e+00 : f32
    %broadcast_in_dim3A_70 = vector.broadcast %broadcast_in_dim3A_69 : f32 to vector<64x32xf32>
    %slice3A_71 = vector.extract_strided_slice %get3A_68 {offsets = [0, 0], sizes = [1, 2500], strides = [1, 1]} : vector<4x2500xi32> to vector<1x2500xi32>
    %eq3A = vector.broadcast %slice3A_71 : vector<1x2500xi32> to vector<64x2500xi32>
    %eq3A_72 = arith.cmpi eq, %iota3A, %eq3A : vector<64x2500xi32>
    %convert_element_type3A = arith.extui %eq3A_72 : vector<64x2500xi1> to vector<64x2500xi32>
    %convert_element_type3A_73 = arith.sitofp %convert_element_type3A : vector<64x2500xi32> to vector<64x2500xf32>
    %slice3A_74 = vector.extract_strided_slice %max3A_65 {offsets = [0, 0], sizes = [2500, 32], strides = [1, 1]} : vector<2500x128xf32> to vector<2500x32xf32>
    %dot_general3A = arith.constant dense<0.000000e+00> : vector<64x32xf32>
    %dot_general3A_75 = tpu.matmul %convert_element_type3A_73, %slice3A_74, %dot_general3A {dimension_numbers = #tpu.dot_dimension_numbers<[1], [0], [0], [1], [0, 0, 1, 1], [], []>, transpose_lhs_hint = false} : vector<64x2500xf32>, vector<2500x32xf32>, vector<64x32xf32> -> vector<64x32xf32>
    %add3A_76 = arith.addf %broadcast_in_dim3A_70, %dot_general3A_75 : vector<64x32xf32>
    %slice3A_77 = vector.extract_strided_slice %get3A_68 {offsets = [1, 0], sizes = [1, 2500], strides = [1, 1]} : vector<4x2500xi32> to vector<1x2500xi32>
    %eq3A_78 = vector.broadcast %slice3A_77 : vector<1x2500xi32> to vector<64x2500xi32>
    %eq3A_79 = arith.cmpi eq, %iota3A, %eq3A_78 : vector<64x2500xi32>
    %convert_element_type3A_80 = arith.extui %eq3A_79 : vector<64x2500xi1> to vector<64x2500xi32>
    %convert_element_type3A_81 = arith.sitofp %convert_element_type3A_80 : vector<64x2500xi32> to vector<64x2500xf32>
    %slice3A_82 = vector.extract_strided_slice %max3A_65 {offsets = [0, 32], sizes = [2500, 32], strides = [1, 1]} : vector<2500x128xf32> to vector<2500x32xf32>
    %dot_general3A_83 = arith.constant dense<0.000000e+00> : vector<64x32xf32>
    %dot_general3A_84 = tpu.matmul %convert_element_type3A_81, %slice3A_82, %dot_general3A_83 {dimension_numbers = #tpu.dot_dimension_numbers<[1], [0], [0], [1], [0, 0, 1, 1], [], []>, transpose_lhs_hint = false} : vector<64x2500xf32>, vector<2500x32xf32>, vector<64x32xf32> -> vector<64x32xf32>
    %add3A_85 = arith.addf %add3A_76, %dot_general3A_84 : vector<64x32xf32>
    %slice3A_86 = vector.extract_strided_slice %get3A_68 {offsets = [2, 0], sizes = [1, 2500], strides = [1, 1]} : vector<4x2500xi32> to vector<1x2500xi32>
    %eq3A_87 = vector.broadcast %slice3A_86 : vector<1x2500xi32> to vector<64x2500xi32>
    %eq3A_88 = arith.cmpi eq, %iota3A, %eq3A_87 : vector<64x2500xi32>
    %convert_element_type3A_89 = arith.extui %eq3A_88 : vector<64x2500xi1> to vector<64x2500xi32>
    %convert_element_type3A_90 = arith.sitofp %convert_element_type3A_89 : vector<64x2500xi32> to vector<64x2500xf32>
    %slice3A_91 = vector.extract_strided_slice %max3A_65 {offsets = [0, 64], sizes = [2500, 32], strides = [1, 1]} : vector<2500x128xf32> to vector<2500x32xf32>
    %dot_general3A_92 = arith.constant dense<0.000000e+00> : vector<64x32xf32>
    %dot_general3A_93 = tpu.matmul %convert_element_type3A_90, %slice3A_91, %dot_general3A_92 {dimension_numbers = #tpu.dot_dimension_numbers<[1], [0], [0], [1], [0, 0, 1, 1], [], []>, transpose_lhs_hint = false} : vector<64x2500xf32>, vector<2500x32xf32>, vector<64x32xf32> -> vector<64x32xf32>
    %add3A_94 = arith.addf %add3A_85, %dot_general3A_93 : vector<64x32xf32>
    %slice3A_95 = vector.extract_strided_slice %get3A_68 {offsets = [3, 0], sizes = [1, 2500], strides = [1, 1]} : vector<4x2500xi32> to vector<1x2500xi32>
    %eq3A_96 = vector.broadcast %slice3A_95 : vector<1x2500xi32> to vector<64x2500xi32>
    %eq3A_97 = arith.cmpi eq, %iota3A, %eq3A_96 : vector<64x2500xi32>
    %convert_element_type3A_98 = arith.extui %eq3A_97 : vector<64x2500xi1> to vector<64x2500xi32>
    %convert_element_type3A_99 = arith.sitofp %convert_element_type3A_98 : vector<64x2500xi32> to vector<64x2500xf32>
    %slice3A_100 = vector.extract_strided_slice %max3A_65 {offsets = [0, 96], sizes = [2500, 32], strides = [1, 1]} : vector<2500x128xf32> to vector<2500x32xf32>
    %dot_general3A_101 = arith.constant dense<0.000000e+00> : vector<64x32xf32>
    %dot_general3A_102 = tpu.matmul %convert_element_type3A_99, %slice3A_100, %dot_general3A_101 {dimension_numbers = #tpu.dot_dimension_numbers<[1], [0], [0], [1], [0, 0, 1, 1], [], []>, transpose_lhs_hint = false} : vector<64x2500xf32>, vector<2500x32xf32>, vector<64x32xf32> -> vector<64x32xf32>
    %add3A_103 = arith.addf %add3A_94, %dot_general3A_102 : vector<64x32xf32>
    %get3A_104 = arith.constant 0 : index
    %get3A_105 = arith.constant 0 : index
    %get3A_106 = vector.load %arg8[%get3A_104, %get3A_105] : memref<32x32xf32, #tpu.memory_space<vmem>>, vector<32x32xf32>
    %dot_general3A_107 = arith.constant dense<0.000000e+00> : vector<64x32xf32>
    %dot_general3A_108 = tpu.matmul %add3A_103, %get3A_106, %dot_general3A_107 {dimension_numbers = #tpu.dot_dimension_numbers<[1], [0], [0], [1], [0, 0, 1, 1], [], []>, transpose_lhs_hint = false} : vector<64x32xf32>, vector<32x32xf32>, vector<64x32xf32> -> vector<64x32xf32>
    %get3A_109 = arith.constant 0 : index
    %get3A_110 = arith.constant 0 : index
    %get3A_111 = vector.load %arg9[%get3A_109, %get3A_110] : memref<1x32xf32, #tpu.memory_space<vmem>>, vector<1x32xf32>
    %add3A_112 = vector.broadcast %get3A_111 : vector<1x32xf32> to vector<64x32xf32>
    %add3A_113 = arith.addf %dot_general3A_108, %add3A_112 : vector<64x32xf32>
    %max3A_114 = arith.constant 0.000000e+00 : f32
    %max3A_115 = vector.broadcast %max3A_114 : f32 to vector<64x32xf32>
    %max3A_116 = arith.maximumf %add3A_113, %max3A_115 : vector<64x32xf32>
    %get3A_117 = arith.constant 0 : index
    %get3A_118 = arith.constant 0 : index
    %get3A_119 = vector.load %arg10[%get3A_117, %get3A_118] : memref<32x32xf32, #tpu.memory_space<vmem>>, vector<32x32xf32>
    %dot_general3A_120 = arith.constant dense<0.000000e+00> : vector<64x32xf32>
    %dot_general3A_121 = tpu.matmul %max3A_116, %get3A_119, %dot_general3A_120 {dimension_numbers = #tpu.dot_dimension_numbers<[1], [0], [0], [1], [0, 0, 1, 1], [], []>, transpose_lhs_hint = false} : vector<64x32xf32>, vector<32x32xf32>, vector<64x32xf32> -> vector<64x32xf32>
    %get3A_122 = arith.constant 0 : index
    %get3A_123 = arith.constant 0 : index
    %get3A_124 = vector.load %arg11[%get3A_122, %get3A_123] : memref<1x32xf32, #tpu.memory_space<vmem>>, vector<1x32xf32>
    %add3A_125 = vector.broadcast %get3A_124 : vector<1x32xf32> to vector<64x32xf32>
    %add3A_126 = arith.addf %dot_general3A_121, %add3A_125 : vector<64x32xf32>
    %swap3A = arith.constant 0 : index
    %swap3A_127 = arith.constant 0 : index
    %swap3A_128 = arith.constant 0 : index
    %swap3A_129 = vector.load %arg12[%swap3A, %swap3A_127, %swap3A_128] : memref<1x64x32xf32, #tpu.memory_space<vmem>>, vector<1x64x32xf32>
    %swap3A_130 = vector.shape_cast %swap3A_129 : vector<1x64x32xf32> to vector<64x32xf32>
    %swap3A_131 = vector.shape_cast %add3A_126 : vector<64x32xf32> to vector<1x64x32xf32>
    tpu.vector_store %arg12[%swap3A, %swap3A_127, %swap3A_128], %swap3A_131 {strides = array<i32>} : memref<1x64x32xf32, #tpu.memory_space<vmem>>, vector<1x64x32xf32>,
    return
  }
  func.func @transform_0(%arg0: i32) -> (i32, i32, i32) {
    %c0_i32 = arith.constant 0 : i32
    %c0_i32_0 = arith.constant 0 : i32
    %c0_i32_1 = arith.constant 0 : i32
    return %arg0, %c0_i32, %c0_i32_0 : i32, i32, i32
  }
  func.func @transform_1(%arg0: i32) -> (i32, i32, i32) {
    %c0_i32 = arith.constant 0 : i32
    %c0_i32_0 = arith.constant 0 : i32
    %c0_i32_1 = arith.constant 0 : i32
    return %arg0, %c0_i32, %c0_i32_0 : i32, i32, i32
  }
  func.func @transform_2(%arg0: i32) -> (i32, i32, i32) {
    %c0_i32 = arith.constant 0 : i32
    %c0_i32_0 = arith.constant 0 : i32
    %c0_i32_1 = arith.constant 0 : i32
    return %arg0, %c0_i32, %c0_i32_0 : i32, i32, i32
  }
  func.func @transform_3(%arg0: i32) -> (i32, i32) {
    %c0_i32 = arith.constant 0 : i32
    %c0_i32_0 = arith.constant 0 : i32
    %c0_i32_1 = arith.constant 0 : i32
    return %c0_i32, %c0_i32_0 : i32, i32
  }
  func.func @transform_4(%arg0: i32) -> (i32, i32) {
    %c0_i32 = arith.constant 0 : i32
    %c0_i32_0 = arith.constant 0 : i32
    %c0_i32_1 = arith.constant 0 : i32
    return %c0_i32, %c0_i32_0 : i32, i32
  }
  func.func @transform_5(%arg0: i32) -> (i32, i32) {
    %c0_i32 = arith.constant 0 : i32
    %c0_i32_0 = arith.constant 0 : i32
    %c0_i32_1 = arith.constant 0 : i32
    return %c0_i32, %c0_i32_0 : i32, i32
  }
  func.func @transform_6(%arg0: i32) -> (i32, i32) {
    %c0_i32 = arith.constant 0 : i32
    %c0_i32_0 = arith.constant 0 : i32
    %c0_i32_1 = arith.constant 0 : i32
    return %c0_i32, %c0_i32_0 : i32, i32
  }
  func.func @transform_7(%arg0: i32) -> (i32, i32) {
    %c0_i32 = arith.constant 0 : i32
    %c0_i32_0 = arith.constant 0 : i32
    %c0_i32_1 = arith.constant 0 : i32
    return %c0_i32, %c0_i32_0 : i32, i32
  }
  func.func @transform_8(%arg0: i32) -> (i32, i32) {
    %c0_i32 = arith.constant 0 : i32
    %c0_i32_0 = arith.constant 0 : i32
    %c0_i32_1 = arith.constant 0 : i32
    return %c0_i32, %c0_i32_0 : i32, i32
  }
  func.func @transform_9(%arg0: i32) -> (i32, i32) {
    %c0_i32 = arith.constant 0 : i32
    %c0_i32_0 = arith.constant 0 : i32
    %c0_i32_1 = arith.constant 0 : i32
    return %c0_i32, %c0_i32_0 : i32, i32
  }
  func.func @transform_10(%arg0: i32) -> (i32, i32) {
    %c0_i32 = arith.constant 0 : i32
    %c0_i32_0 = arith.constant 0 : i32
    %c0_i32_1 = arith.constant 0 : i32
    return %c0_i32, %c0_i32_0 : i32, i32
  }
  func.func @transform_11(%arg0: i32) -> (i32, i32, i32) {
    %c0_i32 = arith.constant 0 : i32
    %c0_i32_0 = arith.constant 0 : i32
    %c0_i32_1 = arith.constant 0 : i32
    return %arg0, %c0_i32, %c0_i32_0 : i32, i32, i32
  }
}

</mosaic_0001>

<sc_bundles>
// kernel: kernel.11.cloned.1.call-start
scs
__scs_entry_jumppad:
0x0: {  	(pc) =	sbr.rel $0x88, $3  }
0x1: {  	(tag) =	ssettag $0x0;
	lr =	simm.s32 $0x1  }
0x2: {  	[smem:$0x3F8E] =	sst lr;
	_ =	strace $0xD0000000  }
0x3: {  	_ = 	snop  }
0x4: {  	_ = 	snop  }
0x5: {  	_ = 	snop  }
0x6: {  	_ = 	snop  }
0x7: {  	_ = 	snop  }
__scs_overlays_trampoline_lowered:
0x8: {  	[smem:$0x3F9D] =	sst s0  }
0x9: {  	[smem:$0x3F9E] =	sst s1  }
0xa: {  	[smem:$0x3F9F] =	sst s2  }
0xb: {  	[smem:$0x3FA0] =	sst s3  }
0xc: {  	[smem:$0x3FA1] =	sst s4  }
0xd: {  	[smem:$0x3FA2] =	sst s5  }
0xe: {  	[smem:$0x3FA3] =	sst s6  }
0xf: {  	[smem:$0x3FA4] =	sst s7  }
0x10: {  	[smem:$0x3FA5] =	sst s8  }
0x11: {  	[smem:$0x3FA6] =	sst s9;
	s0 =	simm.s32 @!p0 $0x0  }
0x12: {  	s1 =	sld [smem:$0x3F8C];
	s0 =	simm.s32 @p0 $0x1  }
0x13: {  	[smem:$0x3FA7] =	sst s0;
	s0 =	simm.s32 @!p1 $0x0  }
0x14: {  	s2 =	sld [smem:$0x3F8B];
	s0 =	simm.s32 @p1 $0x1  }
0x15: {  	[smem:$0x3FA8] =	sst s0;
	s0 =	simm.s32 @!p2 $0x0  }
0x16: {  	s3 =	sld [smem:$0x3FDB];
	s0 =	simm.s32 @p2 $0x1  }
0x17: {  	s4 =	simm.s32 $0x1BF5;
	[smem:$0x3FAA] =	sst s0  }
0x18: {  	s0 =	sld [smem:$0x3F8D];
	_ =	swait.ge [sflag:s4], $0x0  }
0x19: {  	s7 =	sld [smem:$0x3F8E]  }
0x1a: {  	s8 =	sadd.s32 $0xFFFFE003, lr  }
0x1b: {  	s9 =	sadd.s32 $0xFFFFFEF7, lr;
	s5 =	simm.s32 $0xFFFFFFFF;
	p2 =	slt.u32 s8, $0xFFFFF086  }
0x1c: {  	p1 =	slt.u32 s9, $0xF7A;
	s5 =	simm.s32 @!p2 $0x0  }
0x1d: {  	s5 =	simm.s32 @p1 $0x1;
	p0 =	seq.s32 s7, s2  }
0x1e: {  	s7 =	smul.u32 @!p0 $0xF7A, s2;
	p2 =	seq.s32 @!p0 s5, $0x0  }
0x1f: {  	s9 =	smul.u32 $0xF7A, s1;
	s8 =	simm.s32 @!p0 $0x1BF5;
	p2 =	por !p2, p0  }
0x20: {  	[sflag:s8] =	ssyncset.s32 @!p0 $0xFFFFF086;
	s6 =	sadd.s32 @!p0 s3, s7;
	s7 =	simm.s32 @!p0 $0x108  }
0x21: {  	s3 =	sadd.s32 s3, s9;
	s6 =	sadd.s32 @!p0 $0x88, s6;
	s7 =	simm.s32 @p2 $0x1082  }
0x22: {  	[simem:s7], [sflag:s8] =	dma.local @!p0 [hbm:s6], $0xF7A  }
0x23: {  	s9 =	sor.u32 $0xD0000000, s2;
	s6 =	simm.s32 $0x108;
	_ =	swait.ge @!p0 [sflag:s8], $0x0  }
0x24: {  	s3 =	sadd.s32 $0x88, s3;
	s6 =	simm.s32 @!p1 $0x1082;
	[sflag:s4] =	ssyncset.s32 $0xFFFFF086  }
0x25: {  	[simem:s6], [sflag:s4] =	dma.local [hbm:s3], $0xF7A  }
0x26: {  	[smem:$0x3F8E] =	sst s1;
	(tag) =	ssettag s2;
	_ =	strace s9  }
0x27: {  	s1 =	sld [smem:$0x3F9E]  }
0x28: {  	s2 =	sld [smem:$0x3F9F]  }
0x29: {  	s4 =	sld [smem:$0x3FA1]  }
0x2a: {  	p0 =	seq.s32 s5, $0x0;
	s5 =	sld [smem:$0x3FA2]  }
0x2b: {  	s6 =	sld [smem:$0x3FA3]  }
0x2c: {  	s7 =	sld [smem:$0x3FA4]  }
0x2d: {  	s3 =	simm.s32 $0x108;
	s8 =	sld [smem:$0x3FA5]  }
0x2e: {  	s3 =	simm.s32 @!p0 $0x1082;
	s9 =	sld [smem:$0x3FA6]  }
0x2f: {  	lr =	sadd.s32 s0, s3;
	s0 =	sld [smem:$0x3F9D]  }
0x30: {  	s3 =	sld [smem:$0x3FA0]  }
0x31: {  	[smem:$0x3FA9] =	sst s10  }
0x32: {  	s10 =	sld [smem:$0x3FA7];
	_ =	sdelay $0x3  }
0x33: {  	p0 =	seq.s32 s10, $0x1;
	s10 =	sld [smem:$0x3FA9];
	_ =	sdelay $0x3  }
0x34: {  	[smem:$0x3FA9] =	sst s10  }
0x35: {  	s10 =	sld [smem:$0x3FA8];
	_ =	sdelay $0x3  }
0x36: {  	p1 =	seq.s32 s10, $0x1;
	s10 =	sld [smem:$0x3FA9];
	_ =	sdelay $0x3  }
0x37: {  	[smem:$0x3FA9] =	sst s10  }
0x38: {  	s10 =	sld [smem:$0x3FAA]  }
0x39: {  	_ = 	snop;
	(pc) =	sbr.ind lr, $3  }
0x3a: {  	_ = 	snop  }
0x3b: {  	_ = 	snop  }
0x3c: {  	p2 =	seq.s32 s10, $0x1;
	s10 =	sld [smem:$0x3FA9]  }
0x3d: {  	_ =	shalt  }
0x3e: {  	_ =	shalt  }
0x3f: {  	_ =	shalt  }
0x40: {  	_ =	shalt  }
0x41: {  	_ =	shalt  }
0x42: {  	_ =	shalt  }
0x43: {  	_ =	shalt  }
0x44: {  	_ =	shalt  }
0x45: {  	_ =	shalt  }
0x46: {  	_ =	shalt  }
0x47: {  	_ =	shalt  }
0x48: {  	_ =	shalt  }
0x49: {  	_ =	shalt  }
0x4a: {  	_ =	shalt  }
0x4b: {  	_ =	shalt  }
0x4c: {  	_ =	shalt  }
0x4d: {  	_ =	shalt  }
0x4e: {  	_ =	shalt  }
0x4f: {  	_ =	shalt  }
0x50: {  	_ =	shalt  }
0x51: {  	_ =	shalt  }
0x52: {  	_ =	shalt  }
0x53: {  	_ =	shalt  }
0x54: {  	_ =	shalt  }
0x55: {  	_ =	shalt  }
0x56: {  	_ =	shalt  }
0x57: {  	_ =	shalt  }
0x58: {  	_ =	shalt  }
0x59: {  	_ =	shalt  }
0x5a: {  	_ =	shalt  }
0x5b: {  	_ =	shalt  }
0x5c: {  	_ =	shalt  }
0x5d: {  	_ =	shalt  }
0x5e: {  	_ =	shalt  }
0x5f: {  	_ =	shalt  }
0x60: {  	_ =	shalt  }
0x61: {  	_ =	shalt  }
0x62: {  	_ =	shalt  }
0x63: {  	_ =	shalt  }
0x64: {  	_ =	shalt  }
0x65: {  	_ =	shalt  }
0x66: {  	_ =	shalt  }
0x67: {  	_ =	shalt  }
0x68: {  	_ =	shalt  }
0x69: {  	_ =	shalt  }
0x6a: {  	_ =	shalt  }
0x6b: {  	_ =	shalt  }
0x6c: {  	_ =	shalt  }
0x6d: {  	_ =	shalt  }
0x6e: {  	_ =	shalt  }
0x6f: {  	_ =	shalt  }
0x70: {  	_ =	shalt  }
0x71: {  	_ =	shalt  }
0x72: {  	_ =	shalt  }
0x73: {  	_ =	shalt  }
0x74: {  	_ =	shalt  }
0x75: {  	_ =	shalt  }
0x76: {  	_ =	shalt  }
0x77: {  	_ =	shalt  }
0x78: {  	_ =	shalt  }
0x79: {  	_ =	shalt  }
0x7a: {  	_ =	shalt  }
0x7b: {  	_ =	shalt  }
0x7c: {  	_ =	shalt  }
0x7d: {  	_ =	shalt  }
0x7e: {  	_ =	shalt  }
0x7f: {  	_ =	shalt  }
0x80: {  	_ =	shalt  }
0x81: {  	_ =	shalt  }
0x82: {  	_ =	shalt  }
0x83: {  	_ =	shalt  }
0x84: {  	_ =	shalt  }
0x85: {  	_ =	shalt  }
0x86: {  	_ =	shalt  }
0x87: {  	_ =	shalt  }
.Lfunc_end0:
.L_simem_size_0:
called_computation_lowered:
.L_overlay_start_0:
0x88: {  	s2 =	sld [smem:$0x3FD9]  }
0x89: {  	s3 =	sld [smem:$0x3FFE];
	_ =	sdelay $0x1  }
0x8a: {  	s1 =	srdreg.scid  }
0x8b: {  	s0 =	sand.u32 $0x1, s1  }
0x8c: {  	s16 =	sshll.u32 s0, $0xA;
	s2 =	sadd.s32 s3, s2  }
0x8d: {  	s2 =	sadd.s32 s2, s16  }
0x8e: {  	[smem:$0x3FB5] =	sst s2  }
0x8f: {  	_ = 	snop  }
0x90: {  	(tm) =	ssettm $0x1  }
0x91: {  	s17 =	sld [smem:$0x3FFB];
	_ =	sdelay $0x3  }
0x92: {  	_ =	strace s17  }
0x93: {  	s2 =	sld [smem:$0x3FFC];
	_ =	sdelay $0x3  }
0x94: {  	_ =	strace s2  }
0x95: {  	s2 =	sld [smem:$0x3FFD];
	_ =	sdelay $0x3  }
0x96: {  	_ =	strace s2  }
0x97: {  	_ =	strace $0x8FFFFFFF  }
0x98: {  	s18 =	sld [smem:$0x3FDB];
	_ =	sdelay $0x1  }
0x99: {  	s19 =	simm.s32 $_scs_section_size  }
0x9a: {  	s4 =	simm.s32 $_size__tile_overlayer_lowered;
	s5 =	simm.s32 $_tile_overlayer_lowered  }
0x9b: {  	s22 =	simm.s32 $0x1BFF;
	s21 =	sshll.u32 s5, $0x1;
	s2 =	sadd.s32 s19, s18  }
0x9c: {  	s6 =	simm.s32 $0x0;
	s20 =	sshll.u32 s4, $0x1;
	s4 =	sadd.s32 s21, s2  }
0x9d: {  	[timem:s6], [sflag:s22] =	dma.local [hbm:s4], s20  }
0x9e: {  	_ =	swait.ge [sflag:s22], s20  }
0x9f: {  	s3 =	ssub.s32 $0x0, s20;
	[sflag:s22] =	ssyncset.done $0x0  }
0xa0: {  	[sflag:s22] =	ssyncadd.s32 s3;
	_ =	sdelay $0x1  }
0xa1: {  	s23 =	simm.s32 $0x1B8B  }
0xa2: {  	_ =	swait.ge [sflag:s23], $0x1  }
0xa3: {  	[sflag:s23] =	ssyncset.done $0x0  }
0xa4: {  	s25 =	simm.s32 $0x1B8E;
	s24 =	sld [smem:$0x3FFE];
	[sflag:s23] =	ssyncadd.s32 $0xFFFFFFFF  }
0xa5: {  	s26 =	simm.s32 $execute0_lowered;
	[smem:$0x3FD2] =	sst s25  }
0xa6: {  	s4 =	sshll.u32 s26, $0x1;
	_ =	strace $0x80000046;
	[dreg:$0x1] =	wrdreg $0xFFFFFFFF  }
0xa7: {  	s28 =	simm.s32 $_size_execute0_lowered;
	s2 =	sadd.s32 s2, s4;
	[dreg:$0x0] =	wrdreg $0x0  }
0xa8: {  	s4 =	sshll.u32 s28, $0x1;
	[dreg:$0x2] =	wrdreg s2  }
0xa9: {  	[dreg:$0x3] =	wrdreg s4  }
0xaa: {  	[dreg:$0x4] =	wrdreg $0xC0  }
0xab: {  	_ =	task [dreg:s6], $0x5FFFF  }
0xac: {  	[dreg:$0x1] =	wrdreg $0xFFFFFFFF  }
0xad: {  	[dreg:$0x0] =	wrdreg $0x60  }
0xae: {  	[dreg:$0x2] =	wrdreg s24  }
0xaf: {  	[dreg:$0x3] =	wrdreg $0x53800  }
0xb0: {  	[dreg:$0x4] =	wrdreg $0x9  }
0xb1: {  	_ =	task.clear_ibuf [dreg:s6], $0x5FFFF;
	_ =	strace $0x90000046  }
0xb2: {  	s29 =	simm.s32 $0x9;
	_ =	strace $0x80000048  }
0xb3: {  	_ =	swait.ge [sflag:s29], $0x1  }
0xb4: {  	[sflag:s29] =	ssyncadd.s32 $0xFFFFFFFF  }
0xb5: {  	_ =	strace $0x90000048  }
0xb6: {  	_ =	sfence  }
0xb7: {  	s30 =	sld [smem:$0x0];
	_ =	sdelay $0x2  }
0xb8: {  	s31 =	sshll.u32 s1, $0xD;
	s1 =	sshrl.u32 s1, $0x2  }
0xb9: {  	s3 =	sand.u32 $0x4000, s31;
	s1 =	sadd.s32 s1, s30  }
0xba: {  	s0 =	sor.u32 s3, s0;
	s1 =	sshll.u32 s1, $0x11  }
0xbb: {  	s0 =	sor.u32 s1, s0  }
0xbc: {  	s0 =	sadd.s32 $0x8F2B, s0  }
0xbd: {  	[sflag:s0] =	ssyncadd.remote.s32 $0x1  }
0xbe: {  	_ =	sfence.sel $0xFFFF  }
0xbf: {  	[dreg:$0x0] =	wrdreg $0xFFFFFFFF;
	(pc) =	sbr.abs _section_cstart, $3  }
0xc0: {  	[dreg:$0x1] =	wrdreg $0xFFFFFFFF  }
0xc1: {  	_ =	task.clear_ibuf [dreg:s6], $0x2FFFF;
	_ =	strace $0x9FFFFFFF  }
0xc2: {  	(tm) =	ssettm $0x7FFFFFFF  }
0xc3: {  	_ =	shalt  }
tec
execute0_lowered:
.L_overlay_start_1:
0x0: {  	(tag) =	ssettag $0x1  }
0x1: {  	s4 =	rddreg [dreg:$0x0];
	s0 =	srdreg.scid  }
0x2: {  	s2 =	rddreg [dreg:$0x1];
	s1 =	stileid.u32;
	s3 =	simm.s32 $0x0  }
0x3: {  	s10 =	simm.s32 $0x80;
	s11 =	simm.s32 $0x5000;
	s7 =	smul.u32 $0x5000, s1  }
0x4: {  	s12 =	simm.s32 $0x1;
	s13 =	simm.s32 $0x100;
	s8 =	smul.u32 $0x600, s1  }
0x5: {  	s5 =	sand.u32 $0x1, s0;
	s0 =	rddreg [dreg:$0x2];
	s30 =	smul.u32 $0xC00, s1  }
0x6: {  	s14 =	simm.s32 $0x0;
	[smem:$0x7FF] =	sst s3;
	s6 =	smul.u32 $0x50000, s5  }
0x7: {  	_ =	strace $0x80000047;
	s29 =	sshll.u32 s5, $0x7;
	s5 =	ssub.s32 $0x2, s5  }
0x8: {  	s31 =	sshrl.u32 s5, $0x1;
	s6 =	sadd.s32 s7, s6;
	s7 =	sor.u32 s29, s8  }
0x9: {  	s8 =	sshrl.u32 s30, $0x2;
	s6 =	sshrl.u32 s6, $0x3;
	s7 =	sshrl.u32 s7, $0x3  }
0xa: {  	s9 =	ssub.s32 s5, s31;
	s6 =	sadd.s32 s6, s4;
	s7 =	sadd.s32 s7, s4  }
0xb: {  	s4 =	sadd.s32 s8, s2;
	s8 =	simm.s32 $0x5080;
	s5 =	sadd.s32 $0x5600, s6  }
0xc: {  	v0 =	vimm.f32 $1.000000000e+00;
	v1 =	vimm.f32 $0.0e+00;
	s6 =	sadd.s32 $0x19600, s7;
	s7 =	smax.u32 s9, $0x1;
	s9 =	simm.s32 $0x2  }
.LBB2_1:
0xd: {  	[tilespmem:$0x5000] =	vst v0  }
0xe: {  	[tilespmem:$0x5010] =	vst v0  }
0xf: {  	[tilespmem:$0x5020] =	vst v0  }
0x10: {  	[tilespmem:$0x5030] =	vst v0  }
0x11: {  	[tilespmem:$0x5040] =	vst v0  }
0x12: {  	[tilespmem:$0x5050] =	vst v0  }
0x13: {  	[tilespmem:$0x5060] =	vst v0  }
0x14: {  	[tilespmem:$0x5070] =	vst v0  }
0x15: {  	[tilespmem:$0x5080] =	vst v1  }
0x16: {  	[tilespmem:$0x5090] =	vst v1  }
0x17: {  	[tilespmem:$0x50A0] =	vst v1  }
0x18: {  	[tilespmem:$0x50B0] =	vst v1  }
0x19: {  	[tilespmem:$0x50C0] =	vst v1  }
0x1a: {  	[tilespmem:$0x50D0] =	vst v1  }
0x1b: {  	[tilespmem:$0x50E0] =	vst v1  }
0x1c: {  	[tilespmem:$0x50F0] =	vst v1  }
0x1d: {  	[tilespmem:$0x5100] =	vst v1  }
0x1e: {  	[tilespmem:$0x5110] =	vst v1  }
0x1f: {  	[tilespmem:$0x5120] =	vst v1  }
0x20: {  	[tilespmem:$0x5130] =	vst v1  }
0x21: {  	[tilespmem:$0x5140] =	vst v1  }
0x22: {  	[tilespmem:$0x5150] =	vst v1  }
0x23: {  	[tilespmem:$0x5160] =	vst v1  }
0x24: {  	[tilespmem:$0x5170] =	vst v1  }
0x25: {  	[tilespmem:$0x5180] =	vst v1  }
0x26: {  	[tilespmem:$0x5190] =	vst v1  }
0x27: {  	[tilespmem:$0x51A0] =	vst v1  }
0x28: {  	[tilespmem:$0x51B0] =	vst v1  }
0x29: {  	[tilespmem:$0x51C0] =	vst v1  }
0x2a: {  	[tilespmem:$0x51D0] =	vst v1  }
0x2b: {  	[tilespmem:$0x51E0] =	vst v1  }
0x2c: {  	[tilespmem:$0x51F0] =	vst v1  }
0x2d: {  	[tilespmem:$0x5200] =	vst v1  }
0x2e: {  	[tilespmem:$0x5210] =	vst v1  }
0x2f: {  	[tilespmem:$0x5220] =	vst v1  }
0x30: {  	[tilespmem:$0x5230] =	vst v1  }
0x31: {  	[tilespmem:$0x5240] =	vst v1  }
0x32: {  	[tilespmem:$0x5250] =	vst v1  }
0x33: {  	[tilespmem:$0x5260] =	vst v1  }
0x34: {  	[tilespmem:$0x5270] =	vst v1  }
0x35: {  	[tilespmem:$0x5280] =	vst v1  }
0x36: {  	[tilespmem:$0x5290] =	vst v1  }
0x37: {  	[tilespmem:$0x52A0] =	vst v1  }
0x38: {  	[tilespmem:$0x52B0] =	vst v1  }
0x39: {  	[tilespmem:$0x52C0] =	vst v1  }
0x3a: {  	[tilespmem:$0x52D0] =	vst v1  }
0x3b: {  	[tilespmem:$0x52E0] =	vst v1  }
0x3c: {  	[tilespmem:$0x52F0] =	vst v1  }
0x3d: {  	[tilespmem:$0x5300] =	vst v1  }
0x3e: {  	[tilespmem:$0x5310] =	vst v1  }
0x3f: {  	[tilespmem:$0x5320] =	vst v1  }
0x40: {  	[tilespmem:$0x5330] =	vst v1  }
0x41: {  	[tilespmem:$0x5340] =	vst v1  }
0x42: {  	[tilespmem:$0x5350] =	vst v1  }
0x43: {  	[tilespmem:$0x5360] =	vst v1  }
0x44: {  	[tilespmem:$0x5370] =	vst v1  }
0x45: {  	[spmem:s4] =	stream.linear.scatter [tilespmem:s8], [sflag:$0x2], $0x300, $0x38;
	[tilespmem:$0x5680] =	vst v63  }
0x46: {  	_ =	swait.ge [sflag:s9], $0x300  }
0x47: {  	[sflag:s9] =	ssyncset.done $0x0  }
0x48: {  	[sflag:s9] =	ssyncadd.s32 $0xFFFFFD00  }
0x49: {  	[tilespmem:s3], [sflag:$0x2] =	stream.linear.gather [hbm4b:s5+s3], $0x4E80, $0x38;
	[tilespmem:$0x5680] =	vst v63  }
0x4a: {  	_ =	swait.ge [sflag:s9], $0x4E80  }
0x4b: {  	[sflag:s9] =	ssyncset.done $0x0  }
0x4c: {  	p0 =	por $0x1, $0x1;
	[sflag:s9] =	ssyncadd.s32 $0xFFFFB180  }
0x4d: {  	s17 =	simm.s32 @!p0 $0x1;
	[bflag:$0x0] =	sbarrier.arrive $0xFFFF  }
0x4e: {  	[spmem:s2] =	stream.indirect.scatter.add.f32 [tilespmem:s11], [sflag:$0x1], $0x1, s3, s10, $0xb8;
	[tilespmem:$0x5680] =	vst v63  }
0x4f: {  	_ =	swait.ge @!p0 [sflag:s17], $0x80  }
0x50: {  	s15 =	simm.s32 $0x1;
	s16 =	simm.s32 $0x0;
	[sflag:s17] =	ssyncset.done @!p0 $0x0  }
.LBB2_2:
0x51: {  	[sflag:s17] =	ssyncadd.s32 @!p0 $0xFFFFFF80  }
0x52: {  	s16 =	sadd.s32 $0x80, s16;
	s17 =	smov.u32 s15;
	s15 =	sadd.s32 $0x1, s15  }
0x53: {  	p1 =	sne.s32 s15, $0x9D  }
0x54: {  	[spmem:s2] =	stream.indirect.scatter.add.f32 [tilespmem:s11], [sflag:$0x1], $0x1, s16, s10, $0xb8;
	[tilespmem:$0x5680] =	vst v63  }
.Ltmp0:
0x55: {  	_ = 	snop;
	(pc) =	sbr.rel @p1 .LBB2_2-.Ltmp0, $4  }
0x56: {  	p0 =	slt.u32 s17, $0x8  }
0x57: {  	s17 =	simm.s32 @!p0 $0x1  }
0x58: {  	_ =	swait.ge @!p0 [sflag:s17], $0x80  }
0x59: {  	[sflag:s17] =	ssyncset.done @!p0 $0x0  }
0x5a: {  	[sflag:s17] =	ssyncadd.s32 @!p0 $0xFFFFFF80  }
0x5b: {  	_ =	swait.ge [sflag:s12], $0x80  }
0x5c: {  	[sflag:s12] =	ssyncset.done $0x0  }
0x5d: {  	[sflag:s12] =	ssyncadd.s32 $0xFFFFFF80  }
0x5e: {  	_ =	swait.ge [sflag:s12], $0x80  }
0x5f: {  	[sflag:s12] =	ssyncset.done $0x0  }
0x60: {  	[sflag:s12] =	ssyncadd.s32 $0xFFFFFF80  }
0x61: {  	_ =	swait.ge [sflag:s12], $0x80  }
0x62: {  	[sflag:s12] =	ssyncset.done $0x0  }
0x63: {  	[sflag:s12] =	ssyncadd.s32 $0xFFFFFF80  }
0x64: {  	_ =	swait.ge [sflag:s12], $0x80  }
0x65: {  	[sflag:s12] =	ssyncset.done $0x0  }
0x66: {  	[sflag:s12] =	ssyncadd.s32 $0xFFFFFF80  }
0x67: {  	_ =	swait.ge [sflag:s12], $0x80  }
0x68: {  	[sflag:s12] =	ssyncset.done $0x0  }
0x69: {  	[sflag:s12] =	ssyncadd.s32 $0xFFFFFF80  }
0x6a: {  	_ =	swait.ge [sflag:s12], $0x80  }
0x6b: {  	[sflag:s12] =	ssyncset.done $0x0  }
0x6c: {  	[sflag:s12] =	ssyncadd.s32 $0xFFFFFF80  }
0x6d: {  	_ =	swait.ge [sflag:s12], $0x80  }
0x6e: {  	[sflag:s12] =	ssyncset.done $0x0  }
0x6f: {  	[sflag:s12] =	ssyncadd.s32 $0xFFFFFF80  }
0x70: {  	_ =	swait.ge [sflag:s12], $0x80  }
0x71: {  	[sflag:s12] =	ssyncset.done $0x0  }
0x72: {  	[sflag:s12] =	ssyncadd.s32 $0xFFFFFF80  }
0x73: {  	[bflag:$0x0] =	sbarrier.arrive $0xFFFF  }
0x74: {  	[tilespmem:s8], [sflag:$0x2] =	stream.linear.gather [spmem:s4], $0x300, $0x38;
	[tilespmem:$0x5680] =	vst v63  }
0x75: {  	s14 =	sadd.s32 $0x1, s14;
	_ =	swait.ge [sflag:s9], $0x300  }
0x76: {  	p0 =	sne.s32 s14, s7;
	[sflag:s9] =	ssyncset.done $0x0  }
.Ltmp1:
0x77: {  	[sflag:s9] =	ssyncadd.s32 $0xFFFFFD00;
	(pc) =	sbr.rel @p0 .LBB2_1-.Ltmp1, $4  }
0x78: {  	[hbm4b:s6+s10] =	stream.strided.scatter [tilespmem:s8], [sflag:$0x2], $0x300, s13, s10, $0x38;
	[tilespmem:$0x5680] =	vst v63  }
0x79: {  	_ =	swait.ge [sflag:s9], $0x300  }
0x7a: {  	[sflag:s9] =	ssyncset.done $0x0  }
0x7b: {  	[sflag:s9] =	ssyncadd.s32 $0xFFFFFD00  }
0x7c: {  	_ =	sfence.sel $0x180000  }
0x7d: {  	[bflag:$0x0] =	sbarrier.arrive $0xFFFF  }
0x7e: {  	p0 =	sne.s32 s1, $0x0;
	_ =	strace $0x90000047  }
0x7f: {  	s0 =	sadd.s32 @!p0 $0x100000, s0;
	[bflag:$0x2] =	sbarrier.arrive $0xFFFF  }
0x80: {  	[sflag:s0] =	ssyncadd.tile.s32 @!p0 $0x1;
	_ =	shalt  }
.Lfunc_end2:
_tile_overlayer_lowered:
.L_overlay_start_2:
0x81: {  	(tag) =	ssettag $0x2  }
0x82: {  	s0 =	rddreg [dreg:$0x0];
	s2 =	stileid.u32  }
0x83: {  	s1 =	rddreg [dreg:$0x1];
	p0 =	sne.s32 s2, $0x0  }
0x84: {  	s3 =	rddreg [dreg:$0x2];
	[bflag:$0x3] =	sbarrier.arrive $0xFFFF;
	s2 =	simm.s32 @!p0 $0x1C02  }
0x85: {  	[timem:s3], [sflag:s2] =	dma.local @!p0 [hbm:s0], s1  }
0x86: {  	s0 =	simm.s32 @!p0 $0x2  }
0x87: {  	_ =	swait.ge @!p0 [sflag:s0], s1  }
0x88: {  	s1 =	ssub.s32 @!p0 $0x0, s1;
	[sflag:s0] =	ssyncset.done @!p0 $0x0  }
0x89: {  	[sflag:s0] =	ssyncadd.s32 @!p0 s1  }
0x8a: {  	[bflag:$0x3] =	sbarrier.arrive $0xFFFF  }
0x8b: {  	_ =	shalt  }

// kernel: kernel.14.cloned.1.call-start
scs
__scs_entry_jumppad:
0x0: {  	(pc) =	sbr.rel $0x88, $3  }
0x1: {  	(tag) =	ssettag $0x0;
	lr =	simm.s32 $0x1  }
0x2: {  	[smem:$0x3F8E] =	sst lr;
	_ =	strace $0xD0000000  }
0x3: {  	_ = 	snop  }
0x4: {  	_ = 	snop  }
0x5: {  	_ = 	snop  }
0x6: {  	_ = 	snop  }
0x7: {  	_ = 	snop  }
__scs_overlays_trampoline_lowered:
0x8: {  	[smem:$0x3F9D] =	sst s0  }
0x9: {  	[smem:$0x3F9E] =	sst s1  }
0xa: {  	[smem:$0x3F9F] =	sst s2  }
0xb: {  	[smem:$0x3FA0] =	sst s3  }
0xc: {  	[smem:$0x3FA1] =	sst s4  }
0xd: {  	[smem:$0x3FA2] =	sst s5  }
0xe: {  	[smem:$0x3FA3] =	sst s6  }
0xf: {  	[smem:$0x3FA4] =	sst s7  }
0x10: {  	[smem:$0x3FA5] =	sst s8  }
0x11: {  	[smem:$0x3FA6] =	sst s9;
	s0 =	simm.s32 @!p0 $0x0  }
0x12: {  	s1 =	sld [smem:$0x3F8C];
	s0 =	simm.s32 @p0 $0x1  }
0x13: {  	[smem:$0x3FA7] =	sst s0;
	s0 =	simm.s32 @!p1 $0x0  }
0x14: {  	s2 =	sld [smem:$0x3F8B];
	s0 =	simm.s32 @p1 $0x1  }
0x15: {  	[smem:$0x3FA8] =	sst s0;
	s0 =	simm.s32 @!p2 $0x0  }
0x16: {  	s3 =	sld [smem:$0x3FDB];
	s0 =	simm.s32 @p2 $0x1  }
0x17: {  	s4 =	simm.s32 $0x1BF5;
	[smem:$0x3FAA] =	sst s0  }
0x18: {  	s0 =	sld [smem:$0x3F8D];
	_ =	swait.ge [sflag:s4], $0x0  }
0x19: {  	s7 =	sld [smem:$0x3F8E]  }
0x1a: {  	s8 =	sadd.s32 $0xFFFFE003, lr  }
0x1b: {  	s9 =	sadd.s32 $0xFFFFFEF7, lr;
	s5 =	simm.s32 $0xFFFFFFFF;
	p2 =	slt.u32 s8, $0xFFFFF086  }
0x1c: {  	p1 =	slt.u32 s9, $0xF7A;
	s5 =	simm.s32 @!p2 $0x0  }
0x1d: {  	s5 =	simm.s32 @p1 $0x1;
	p0 =	seq.s32 s7, s2  }
0x1e: {  	s7 =	smul.u32 @!p0 $0xF7A, s2;
	p2 =	seq.s32 @!p0 s5, $0x0  }
0x1f: {  	s9 =	smul.u32 $0xF7A, s1;
	s8 =	simm.s32 @!p0 $0x1BF5;
	p2 =	por !p2, p0  }
0x20: {  	[sflag:s8] =	ssyncset.s32 @!p0 $0xFFFFF086;
	s6 =	sadd.s32 @!p0 s3, s7;
	s7 =	simm.s32 @!p0 $0x108  }
0x21: {  	s3 =	sadd.s32 s3, s9;
	s6 =	sadd.s32 @!p0 $0x88, s6;
	s7 =	simm.s32 @p2 $0x1082  }
0x22: {  	[simem:s7], [sflag:s8] =	dma.local @!p0 [hbm:s6], $0xF7A  }
0x23: {  	s9 =	sor.u32 $0xD0000000, s2;
	s6 =	simm.s32 $0x108;
	_ =	swait.ge @!p0 [sflag:s8], $0x0  }
0x24: {  	s3 =	sadd.s32 $0x88, s3;
	s6 =	simm.s32 @!p1 $0x1082;
	[sflag:s4] =	ssyncset.s32 $0xFFFFF086  }
0x25: {  	[simem:s6], [sflag:s4] =	dma.local [hbm:s3], $0xF7A  }
0x26: {  	[smem:$0x3F8E] =	sst s1;
	(tag) =	ssettag s2;
	_ =	strace s9  }
0x27: {  	s1 =	sld [smem:$0x3F9E]  }
0x28: {  	s2 =	sld [smem:$0x3F9F]  }
0x29: {  	s4 =	sld [smem:$0x3FA1]  }
0x2a: {  	p0 =	seq.s32 s5, $0x0;
	s5 =	sld [smem:$0x3FA2]  }
0x2b: {  	s6 =	sld [smem:$0x3FA3]  }
0x2c: {  	s7 =	sld [smem:$0x3FA4]  }
0x2d: {  	s3 =	simm.s32 $0x108;
	s8 =	sld [smem:$0x3FA5]  }
0x2e: {  	s3 =	simm.s32 @!p0 $0x1082;
	s9 =	sld [smem:$0x3FA6]  }
0x2f: {  	lr =	sadd.s32 s0, s3;
	s0 =	sld [smem:$0x3F9D]  }
0x30: {  	s3 =	sld [smem:$0x3FA0]  }
0x31: {  	[smem:$0x3FA9] =	sst s10  }
0x32: {  	s10 =	sld [smem:$0x3FA7];
	_ =	sdelay $0x3  }
0x33: {  	p0 =	seq.s32 s10, $0x1;
	s10 =	sld [smem:$0x3FA9];
	_ =	sdelay $0x3  }
0x34: {  	[smem:$0x3FA9] =	sst s10  }
0x35: {  	s10 =	sld [smem:$0x3FA8];
	_ =	sdelay $0x3  }
0x36: {  	p1 =	seq.s32 s10, $0x1;
	s10 =	sld [smem:$0x3FA9];
	_ =	sdelay $0x3  }
0x37: {  	[smem:$0x3FA9] =	sst s10  }
0x38: {  	s10 =	sld [smem:$0x3FAA]  }
0x39: {  	_ = 	snop;
	(pc) =	sbr.ind lr, $3  }
0x3a: {  	_ = 	snop  }
0x3b: {  	_ = 	snop  }
0x3c: {  	p2 =	seq.s32 s10, $0x1;
	s10 =	sld [smem:$0x3FA9]  }
0x3d: {  	_ =	shalt  }
0x3e: {  	_ =	shalt  }
0x3f: {  	_ =	shalt  }
0x40: {  	_ =	shalt  }
0x41: {  	_ =	shalt  }
0x42: {  	_ =	shalt  }
0x43: {  	_ =	shalt  }
0x44: {  	_ =	shalt  }
0x45: {  	_ =	shalt  }
0x46: {  	_ =	shalt  }
0x47: {  	_ =	shalt  }
0x48: {  	_ =	shalt  }
0x49: {  	_ =	shalt  }
0x4a: {  	_ =	shalt  }
0x4b: {  	_ =	shalt  }
0x4c: {  	_ =	shalt  }
0x4d: {  	_ =	shalt  }
0x4e: {  	_ =	shalt  }
0x4f: {  	_ =	shalt  }
0x50: {  	_ =	shalt  }
0x51: {  	_ =	shalt  }
0x52: {  	_ =	shalt  }
0x53: {  	_ =	shalt  }
0x54: {  	_ =	shalt  }
0x55: {  	_ =	shalt  }
0x56: {  	_ =	shalt  }
0x57: {  	_ =	shalt  }
0x58: {  	_ =	shalt  }
0x59: {  	_ =	shalt  }
0x5a: {  	_ =	shalt  }
0x5b: {  	_ =	shalt  }
0x5c: {  	_ =	shalt  }
0x5d: {  	_ =	shalt  }
0x5e: {  	_ =	shalt  }
0x5f: {  	_ =	shalt  }
0x60: {  	_ =	shalt  }
0x61: {  	_ =	shalt  }
0x62: {  	_ =	shalt  }
0x63: {  	_ =	shalt  }
0x64: {  	_ =	shalt  }
0x65: {  	_ =	shalt  }
0x66: {  	_ =	shalt  }
0x67: {  	_ =	shalt  }
0x68: {  	_ =	shalt  }
0x69: {  	_ =	shalt  }
0x6a: {  	_ =	shalt  }
0x6b: {  	_ =	shalt  }
0x6c: {  	_ =	shalt  }
0x6d: {  	_ =	shalt  }
0x6e: {  	_ =	shalt  }
0x6f: {  	_ =	shalt  }
0x70: {  	_ =	shalt  }
0x71: {  	_ =	shalt  }
0x72: {  	_ =	shalt  }
0x73: {  	_ =	shalt  }
0x74: {  	_ =	shalt  }
0x75: {  	_ =	shalt  }
0x76: {  	_ =	shalt  }
0x77: {  	_ =	shalt  }
0x78: {  	_ =	shalt  }
0x79: {  	_ =	shalt  }
0x7a: {  	_ =	shalt  }
0x7b: {  	_ =	shalt  }
0x7c: {  	_ =	shalt  }
0x7d: {  	_ =	shalt  }
0x7e: {  	_ =	shalt  }
0x7f: {  	_ =	shalt  }
0x80: {  	_ =	shalt  }
0x81: {  	_ =	shalt  }
0x82: {  	_ =	shalt  }
0x83: {  	_ =	shalt  }
0x84: {  	_ =	shalt  }
0x85: {  	_ =	shalt  }
0x86: {  	_ =	shalt  }
0x87: {  	_ =	shalt  }
.Lfunc_end0:
.L_simem_size_0:
called_computation.1_lowered:
.L_overlay_start_0:
0x88: {  	s2 =	sld [smem:$0x3FD9]  }
0x89: {  	s3 =	sld [smem:$0x3FFE];
	_ =	sdelay $0x1  }
0x8a: {  	s1 =	srdreg.scid  }
0x8b: {  	s0 =	sand.u32 $0x1, s1  }
0x8c: {  	s16 =	sshll.u32 s0, $0xA;
	s2 =	sadd.s32 s3, s2  }
0x8d: {  	s2 =	sadd.s32 s2, s16  }
0x8e: {  	[smem:$0x3FB5] =	sst s2  }
0x8f: {  	_ = 	snop  }
0x90: {  	(tm) =	ssettm $0x1  }
0x91: {  	s17 =	sld [smem:$0x3FFB];
	_ =	sdelay $0x3  }
0x92: {  	_ =	strace s17  }
0x93: {  	s2 =	sld [smem:$0x3FFC];
	_ =	sdelay $0x3  }
0x94: {  	_ =	strace s2  }
0x95: {  	s2 =	sld [smem:$0x3FFD];
	_ =	sdelay $0x3  }
0x96: {  	_ =	strace s2  }
0x97: {  	_ =	strace $0x8FFFFFFF  }
0x98: {  	s18 =	sld [smem:$0x3FDB];
	_ =	sdelay $0x1  }
0x99: {  	s19 =	simm.s32 $_scs_section_size  }
0x9a: {  	s4 =	simm.s32 $_size__tile_overlayer_lowered;
	s5 =	simm.s32 $_tile_overlayer_lowered  }
0x9b: {  	s22 =	simm.s32 $0x1BFF;
	s21 =	sshll.u32 s5, $0x1;
	s2 =	sadd.s32 s19, s18  }
0x9c: {  	s6 =	simm.s32 $0x0;
	s20 =	sshll.u32 s4, $0x1;
	s4 =	sadd.s32 s21, s2  }
0x9d: {  	[timem:s6], [sflag:s22] =	dma.local [hbm:s4], s20  }
0x9e: {  	_ =	swait.ge [sflag:s22], s20  }
0x9f: {  	s3 =	ssub.s32 $0x0, s20;
	[sflag:s22] =	ssyncset.done $0x0  }
0xa0: {  	[sflag:s22] =	ssyncadd.s32 s3;
	_ =	sdelay $0x1  }
0xa1: {  	s23 =	simm.s32 $0x1B8B  }
0xa2: {  	_ =	swait.ge [sflag:s23], $0x1  }
0xa3: {  	[sflag:s23] =	ssyncset.done $0x0  }
0xa4: {  	s25 =	simm.s32 $0x1B8E;
	s24 =	sld [smem:$0x3FFE];
	[sflag:s23] =	ssyncadd.s32 $0xFFFFFFFF  }
0xa5: {  	s26 =	simm.s32 $execute0_lowered;
	[smem:$0x3FD2] =	sst s25  }
0xa6: {  	s4 =	sshll.u32 s26, $0x1;
	_ =	strace $0x80000049;
	[dreg:$0x1] =	wrdreg $0xFFFFFFFF  }
0xa7: {  	s28 =	simm.s32 $_size_execute0_lowered;
	s2 =	sadd.s32 s2, s4;
	[dreg:$0x0] =	wrdreg $0x0  }
0xa8: {  	s4 =	sshll.u32 s28, $0x1;
	[dreg:$0x2] =	wrdreg s2  }
0xa9: {  	[dreg:$0x3] =	wrdreg s4  }
0xaa: {  	[dreg:$0x4] =	wrdreg $0xC0  }
0xab: {  	_ =	task [dreg:s6], $0x5FFFF  }
0xac: {  	[dreg:$0x1] =	wrdreg $0xFFFFFFFF  }
0xad: {  	[dreg:$0x0] =	wrdreg $0x60  }
0xae: {  	[dreg:$0x2] =	wrdreg s24  }
0xaf: {  	[dreg:$0x3] =	wrdreg $0x16B400  }
0xb0: {  	[dreg:$0x4] =	wrdreg $0x11D000  }
0xb1: {  	[dreg:$0x5] =	wrdreg $0x9  }
0xb2: {  	_ =	task.clear_ibuf [dreg:s6], $0x6FFFF;
	_ =	strace $0x90000049  }
0xb3: {  	s29 =	simm.s32 $0x9;
	_ =	strace $0x8000004B  }
0xb4: {  	_ =	swait.ge [sflag:s29], $0x1  }
0xb5: {  	[sflag:s29] =	ssyncadd.s32 $0xFFFFFFFF  }
0xb6: {  	_ =	strace $0x9000004B  }
0xb7: {  	_ =	sfence  }
0xb8: {  	s30 =	sld [smem:$0x0];
	_ =	sdelay $0x2  }
0xb9: {  	s31 =	sshll.u32 s1, $0xD;
	s1 =	sshrl.u32 s1, $0x2  }
0xba: {  	s3 =	sand.u32 $0x4000, s31;
	s1 =	sadd.s32 s1, s30  }
0xbb: {  	s0 =	sor.u32 s3, s0;
	s1 =	sshll.u32 s1, $0x11  }
0xbc: {  	s0 =	sor.u32 s1, s0  }
0xbd: {  	s0 =	sadd.s32 $0x8F2B, s0  }
0xbe: {  	[sflag:s0] =	ssyncadd.remote.s32 $0x1  }
0xbf: {  	_ =	sfence.sel $0xFFFF  }
0xc0: {  	[dreg:$0x0] =	wrdreg $0xFFFFFFFF;
	(pc) =	sbr.abs _section_cstart, $3  }
0xc1: {  	[dreg:$0x1] =	wrdreg $0xFFFFFFFF  }
0xc2: {  	_ =	task.clear_ibuf [dreg:s6], $0x2FFFF;
	_ =	strace $0x9FFFFFFF  }
0xc3: {  	(tm) =	ssettm $0x7FFFFFFF  }
tec
execute0_lowered:
.L_overlay_start_1:
0x0: {  	(tag) =	ssettag $0x1  }
0x1: {  	s5 =	rddreg [dreg:$0x0]  }
0x2: {  	s2 =	rddreg [dreg:$0x1]  }
0x3: {  	s0 =	srdreg.scid;
	s3 =	rddreg [dreg:$0x2]  }
0x4: {  	s1 =	rddreg [dreg:$0x3];
	s6 =	sand.u32 $0x1, s0  }
0x5: {  	s0 =	stileid.u32;
	s7 =	smul.u32 $0x4E400, s6  }
0x6: {  	s4 =	simm.s32 $0x0;
	s15 =	simm.s32 $0x4E80;
	s8 =	smul.u32 $0x4E40, s0  }
0x7: {  	s16 =	simm.s32 $0x80;
	s17 =	simm.s32 $0x9D00;
	s9 =	smul.u32 $0x4E80, s0  }
0x8: {  	s18 =	simm.s32 $0x1;
	s19 =	simm.s32 $0xAD00;
	s10 =	smul.u32 $0x4E800, s6  }
0x9: {  	s20 =	simm.s32 $0x2;
	s21 =	simm.s32 $0x9C80;
	s11 =	smul.u32 $0x6000, s0  }
0xa: {  	s22 =	simm.s32 $0x0;
	[smem:$0x7FF] =	sst s4;
	s12 =	smul.u32 $0x60000, s6  }
0xb: {  	_ =	strace $0x8000004A;
	s6 =	ssub.s32 $0x2, s6;
	s31 =	sshll.u32 s0, $0x6  }
0xc: {  	s29 =	sshrl.u32 s6, $0x1;
	s7 =	sadd.s32 s8, s7;
	s13 =	sshrl.u32 s9, $0x3  }
0xd: {  	s9 =	sadd.s32 s9, s10;
	s28 =	sadd.s32 s11, s12;
	s30 =	ssub.s32 s6, s29  }
0xe: {  	s14 =	sadd.s32 s8, s3;
	s12 =	simm.s32 $0x3;
	s7 =	sshrl.u32 s7, $0x3  }
0xf: {  	s13 =	sadd.s32 s13, s5;
	s9 =	sshrl.u32 s9, $0x3;
	s10 =	sshrl.u32 s28, $0x3  }
0x10: {  	s14 =	sshrl.u32 s14, $0x3;
	s7 =	sadd.s32 s7, s5;
	s9 =	sadd.s32 s9, s5  }
0x11: {  	s10 =	sadd.s32 s10, s5;
	s5 =	sadd.s32 s11, s2;
	s11 =	simm.s32 $0xBD00  }
0x12: {  	s6 =	sadd.s32 $0x5600, s7;
	s7 =	sadd.s32 $0x2DC00, s13;
	s8 =	sadd.s32 $0x1A200, s9  }
0x13: {  	v0 =	vimm.f32 $0.0e+00;
	s9 =	sadd.s32 $0x37A00, s10;
	s10 =	smax.u32 s30, $0x1;
	s13 =	sor.u32 $0x1C03, s31  }
.LBB2_1:
0x14: {  	s23 =	simm.s32 $0x80;
	s24 =	simm.s32 $0x0  }
.LBB2_2:
0x15: {  	p0 =	sne.s32 s23, $0x17F80;
	[tilespmem:s24+$0xBD00] =	vst v0;
	s25 =	smov.u32 s23;
	s23 =	sadd.s32 $0x80, s23  }
.Ltmp0:
0x16: {  	[tilespmem:s24+$0xBD10] =	vst v0;
	(pc) =	sbr.rel @p0 .LBB2_2-.Ltmp0, $2  }
0x17: {  	_ =	sdelay $0x2  }
0x18: {  	s24 =	sshra.s32 s25, $0x2  }
0x19: {  	[tilespmem:s24+$0xBD00] =	vst v0  }
0x1a: {  	[tilespmem:s24+$0xBD10] =	vst v0  }
0x1b: {  	[spmem:s5] =	stream.linear.scatter [tilespmem:s11], [sflag:$0x3], $0x6000, $0x38;
	[tilespmem:$0x1CB40] =	vst v63  }
0x1c: {  	_ =	swait.ge [sflag:s12], $0x6000  }
0x1d: {  	[sflag:s12] =	ssyncset.done $0x0  }
0x1e: {  	[sflag:s12] =	ssyncadd.s32 $0xFFFFA000  }
0x1f: {  	[spmem:s14], [sflag:s13] =	dma.local [hbm:s6], $0x9C8  }
0x20: {  	_ =	swait.ge [sflag:s12], $0x9C8  }
0x21: {  	[sflag:s12] =	ssyncset.done $0x0  }
0x22: {  	s23 =	simm.s32 $0x0;
	[sflag:s12] =	ssyncadd.s32 $0xFFFFF638  }
0x23: {  	[tilespmem:s23], [sflag:$0x3] =	stream.linear.gather [hbm4b:s7+s23], $0x4E80, $0x38;
	[tilespmem:$0x1CB40] =	vst v63  }
0x24: {  	_ =	swait.ge [sflag:s12], $0x4E80  }
0x25: {  	[sflag:s12] =	ssyncset.done $0x0  }
0x26: {  	[sflag:s12] =	ssyncadd.s32 $0xFFFFB180  }
0x27: {  	[tilespmem:s15], [sflag:$0x3] =	stream.linear.gather [hbm4b:s8+s23], $0x4E80, $0x38;
	[tilespmem:$0x1CB40] =	vst v63  }
0x28: {  	_ =	swait.ge [sflag:s12], $0x4E80  }
0x29: {  	[sflag:s12] =	ssyncset.done $0x0  }
0x2a: {  	[sflag:s12] =	ssyncadd.s32 $0xFFFFB180  }
0x2b: {  	[bflag:$0x0] =	sbarrier.arrive $0xFFFF  }
0x2c: {  	[tilespmem:s17], [sflag:$0x1] =	stream.indirect.gather [spmem:s3], $0x20, s23, s16, $0xb8;
	[tilespmem:$0x1CB40] =	vst v63  }
0x2d: {  	_ =	swait.ge [sflag:s18], $0x1000  }
0x2e: {  	[sflag:s18] =	ssyncset.done $0x0  }
0x2f: {  	s28 =	simm.s32 $0x80;
	[sflag:s18] =	ssyncadd.s32 $0xFFFFF000  }
0x30: {  	[tilespmem:s19], [sflag:$0x2] =	stream.indirect.gather [spmem:s3], $0x20, s28, s16, $0xb8;
	[tilespmem:$0x1CB40] =	vst v63  }
0x31: {  	s29 =	simm.s32 $0x4E80  }
0x32: {  	[spmem:s2] =	stream.indirect.scatter.add.f32 [tilespmem:s17], [sflag:$0x3], $0x20, s29, s16, $0xb8;
	[tilespmem:$0x1CB40] =	vst v63  }
0x33: {  	_ =	swait.ge [sflag:s12], $0x1000  }
0x34: {  	[sflag:s12] =	ssyncset.done $0x0  }
0x35: {  	[sflag:s12] =	ssyncadd.s32 $0xFFFFF000  }
0x36: {  	_ =	swait.ge [sflag:s20], $0x1000  }
0x37: {  	[sflag:s20] =	ssyncset.done $0x0  }
0x38: {  	s30 =	simm.s32 $0x100;
	[sflag:s20] =	ssyncadd.s32 $0xFFFFF000  }
0x39: {  	[tilespmem:s17], [sflag:$0x1] =	stream.indirect.gather [spmem:s3], $0x20, s30, s16, $0xb8;
	[tilespmem:$0x1CB40] =	vst v63  }
0x3a: {  	s31 =	simm.s32 $0x4F00  }
0x3b: {  	[spmem:s2] =	stream.indirect.scatter.add.f32 [tilespmem:s19], [sflag:$0x3], $0x20, s31, s16, $0xb8;
	[tilespmem:$0x1CB40] =	vst v63  }
0x3c: {  	_ =	swait.ge [sflag:s12], $0x1000  }
0x3d: {  	s23 =	simm.s32 $0x400;
	[sflag:s12] =	ssyncset.done $0x0  }
.LBB2_4:
0x3e: {  	p0 =	sne.s32 s23, $0x13400  }
0x3f: {  	[sflag:s12] =	ssyncadd.s32 $0xFFFFF000;
	s24 =	smov.u32 s23;
	s23 =	sadd.s32 $0x400, s23  }
0x40: {  	_ = 	snop  }
0x41: {  	_ =	swait.ge [sflag:s18], $0x1000  }
0x42: {  	s24 =	sshra.s32 s24, $0x2;
	[sflag:s18] =	ssyncset.done $0x0  }
0x43: {  	s25 =	sadd.s32 $0x80, s24;
	[sflag:s18] =	ssyncadd.s32 $0xFFFFF000  }
0x44: {  	[tilespmem:s19], [sflag:$0x2] =	stream.indirect.gather [spmem:s3], $0x20, s25, s16, $0xb8;
	[tilespmem:$0x1CB40] =	vst v63  }
0x45: {  	s25 =	sadd.s32 $0x4E80, s24  }
0x46: {  	[spmem:s2] =	stream.indirect.scatter.add.f32 [tilespmem:s17], [sflag:$0x3], $0x20, s25, s16, $0xb8;
	[tilespmem:$0x1CB40] =	vst v63  }
0x47: {  	_ =	swait.ge [sflag:s12], $0x1000  }
0x48: {  	[sflag:s12] =	ssyncset.done $0x0  }
0x49: {  	[sflag:s12] =	ssyncadd.s32 $0xFFFFF000  }
0x4a: {  	_ =	swait.ge [sflag:s20], $0x1000  }
0x4b: {  	[sflag:s20] =	ssyncset.done $0x0  }
0x4c: {  	s25 =	sadd.s32 $0x100, s24;
	[sflag:s20] =	ssyncadd.s32 $0xFFFFF000  }
0x4d: {  	[tilespmem:s17], [sflag:$0x1] =	stream.indirect.gather [spmem:s3], $0x20, s25, s16, $0xb8;
	[tilespmem:$0x1CB40] =	vst v63  }
.Ltmp1:
0x4e: {  	_ = 	snop;
	(pc) =	sbr.rel @p0 .LBB2_4-.Ltmp1, $4  }
0x4f: {  	s24 =	sadd.s32 $0x4F00, s24  }
0x50: {  	[spmem:s2] =	stream.indirect.scatter.add.f32 [tilespmem:s19], [sflag:$0x3], $0x20, s24, s16, $0xb8;
	[tilespmem:$0x1CB40] =	vst v63  }
0x51: {  	_ =	swait.ge [sflag:s12], $0x1000  }
0x52: {  	[sflag:s12] =	ssyncset.done $0x0  }
0x53: {  	[sflag:s12] =	ssyncadd.s32 $0xFFFFF000  }
0x54: {  	_ =	swait.ge [sflag:s18], $0x1000  }
0x55: {  	[sflag:s18] =	ssyncset.done $0x0  }
0x56: {  	[sflag:s18] =	ssyncadd.s32 $0xFFFFF000  }
0x57: {  	[spmem:s2] =	stream.indirect.scatter.add.f32 [tilespmem:s17], [sflag:$0x3], $0x20, s21, s16, $0xb8;
	[tilespmem:$0x1CB40] =	vst v63  }
0x58: {  	_ =	swait.ge [sflag:s12], $0x1000  }
0x59: {  	[sflag:s12] =	ssyncset.done $0x0  }
0x5a: {  	[sflag:s12] =	ssyncadd.s32 $0xFFFFF000  }
0x5b: {  	[bflag:$0x0] =	sbarrier.arrive $0xFFFF  }
0x5c: {  	[tilespmem:s11], [sflag:$0x3] =	stream.linear.gather [spmem:s5], $0x6000, $0x38;
	[tilespmem:$0x1CB40] =	vst v63  }
0x5d: {  	s22 =	sadd.s32 $0x1, s22;
	_ =	swait.ge [sflag:s12], $0x6000  }
0x5e: {  	p0 =	sne.s32 s22, s10;
	[sflag:s12] =	ssyncset.done $0x0  }
.Ltmp2:
0x5f: {  	[sflag:s12] =	ssyncadd.s32 $0xFFFFA000;
	(pc) =	sbr.rel @p0 .LBB2_1-.Ltmp2, $4  }
0x60: {  	[hbm4b:s9+s4] =	stream.linear.scatter [tilespmem:s11], [sflag:$0x3], $0x6000, $0x38;
	[tilespmem:$0x1CB40] =	vst v63  }
0x61: {  	_ =	swait.ge [sflag:s12], $0x6000  }
0x62: {  	[sflag:s12] =	ssyncset.done $0x0  }
0x63: {  	[sflag:s12] =	ssyncadd.s32 $0xFFFFA000  }
0x64: {  	_ =	sfence.sel $0x180000  }
0x65: {  	[bflag:$0x0] =	sbarrier.arrive $0xFFFF  }
0x66: {  	p0 =	sne.s32 s0, $0x0;
	_ =	strace $0x9000004A  }
0x67: {  	s0 =	sadd.s32 @!p0 $0x100000, s1;
	[bflag:$0x2] =	sbarrier.arrive $0xFFFF  }
0x68: {  	[sflag:s0] =	ssyncadd.tile.s32 @!p0 $0x1;
	_ =	shalt  }
.Lfunc_end2:
_tile_overlayer_lowered:
.L_overlay_start_2:
0x69: {  	(tag) =	ssettag $0x2  }
0x6a: {  	s0 =	rddreg [dreg:$0x0];
	s2 =	stileid.u32  }
0x6b: {  	s1 =	rddreg [dreg:$0x1];
	p0 =	sne.s32 s2, $0x0  }
0x6c: {  	s3 =	rddreg [dreg:$0x2];
	[bflag:$0x3] =	sbarrier.arrive $0xFFFF;
	s2 =	simm.s32 @!p0 $0x1C03  }
0x6d: {  	[timem:s3], [sflag:s2] =	dma.local @!p0 [hbm:s0], s1  }
0x6e: {  	s0 =	simm.s32 @!p0 $0x3  }
0x6f: {  	_ =	swait.ge @!p0 [sflag:s0], s1  }
0x70: {  	s1 =	ssub.s32 @!p0 $0x0, s1;
	[sflag:s0] =	ssyncset.done @!p0 $0x0  }
0x71: {  	[sflag:s0] =	ssyncadd.s32 @!p0 s1  }
0x72: {  	[bflag:$0x3] =	sbarrier.arrive $0xFFFF  }
0x73: {  	_ =	shalt  }

// kernel: kernel.17.cloned.1.call-start
scs
__scs_entry_jumppad:
0x0: {  	(pc) =	sbr.rel $0x88, $3  }
0x1: {  	(tag) =	ssettag $0x0;
	lr =	simm.s32 $0x1  }
0x2: {  	[smem:$0x3F8E] =	sst lr;
	_ =	strace $0xD0000000  }
0x3: {  	_ = 	snop  }
0x4: {  	_ = 	snop  }
0x5: {  	_ = 	snop  }
0x6: {  	_ = 	snop  }
0x7: {  	_ = 	snop  }
__scs_overlays_trampoline_lowered:
0x8: {  	[smem:$0x3F9D] =	sst s0  }
0x9: {  	[smem:$0x3F9E] =	sst s1  }
0xa: {  	[smem:$0x3F9F] =	sst s2  }
0xb: {  	[smem:$0x3FA0] =	sst s3  }
0xc: {  	[smem:$0x3FA1] =	sst s4  }
0xd: {  	[smem:$0x3FA2] =	sst s5  }
0xe: {  	[smem:$0x3FA3] =	sst s6  }
0xf: {  	[smem:$0x3FA4] =	sst s7  }
0x10: {  	[smem:$0x3FA5] =	sst s8  }
0x11: {  	[smem:$0x3FA6] =	sst s9;
	s0 =	simm.s32 @!p0 $0x0  }
0x12: {  	s1 =	sld [smem:$0x3F8C];
	s0 =	simm.s32 @p0 $0x1  }
0x13: {  	[smem:$0x3FA7] =	sst s0;
	s0 =	simm.s32 @!p1 $0x0  }
0x14: {  	s2 =	sld [smem:$0x3F8B];
	s0 =	simm.s32 @p1 $0x1  }
0x15: {  	[smem:$0x3FA8] =	sst s0;
	s0 =	simm.s32 @!p2 $0x0  }
0x16: {  	s3 =	sld [smem:$0x3FDB];
	s0 =	simm.s32 @p2 $0x1  }
0x17: {  	s4 =	simm.s32 $0x1BF5;
	[smem:$0x3FAA] =	sst s0  }
0x18: {  	s0 =	sld [smem:$0x3F8D];
	_ =	swait.ge [sflag:s4], $0x0  }
0x19: {  	s7 =	sld [smem:$0x3F8E]  }
0x1a: {  	s8 =	sadd.s32 $0xFFFFE003, lr  }
0x1b: {  	s9 =	sadd.s32 $0xFFFFFEF7, lr;
	s5 =	simm.s32 $0xFFFFFFFF;
	p2 =	slt.u32 s8, $0xFFFFF086  }
0x1c: {  	p1 =	slt.u32 s9, $0xF7A;
	s5 =	simm.s32 @!p2 $0x0  }
0x1d: {  	s5 =	simm.s32 @p1 $0x1;
	p0 =	seq.s32 s7, s2  }
0x1e: {  	s7 =	smul.u32 @!p0 $0xF7A, s2;
	p2 =	seq.s32 @!p0 s5, $0x0  }
0x1f: {  	s9 =	smul.u32 $0xF7A, s1;
	s8 =	simm.s32 @!p0 $0x1BF5;
	p2 =	por !p2, p0  }
0x20: {  	[sflag:s8] =	ssyncset.s32 @!p0 $0xFFFFF086;
	s6 =	sadd.s32 @!p0 s3, s7;
	s7 =	simm.s32 @!p0 $0x108  }
0x21: {  	s3 =	sadd.s32 s3, s9;
	s6 =	sadd.s32 @!p0 $0x88, s6;
	s7 =	simm.s32 @p2 $0x1082  }
0x22: {  	[simem:s7], [sflag:s8] =	dma.local @!p0 [hbm:s6], $0xF7A  }
0x23: {  	s9 =	sor.u32 $0xD0000000, s2;
	s6 =	simm.s32 $0x108;
	_ =	swait.ge @!p0 [sflag:s8], $0x0  }
0x24: {  	s3 =	sadd.s32 $0x88, s3;
	s6 =	simm.s32 @!p1 $0x1082;
	[sflag:s4] =	ssyncset.s32 $0xFFFFF086  }
0x25: {  	[simem:s6], [sflag:s4] =	dma.local [hbm:s3], $0xF7A  }
0x26: {  	[smem:$0x3F8E] =	sst s1;
	(tag) =	ssettag s2;
	_ =	strace s9  }
0x27: {  	s1 =	sld [smem:$0x3F9E]  }
0x28: {  	s2 =	sld [smem:$0x3F9F]  }
0x29: {  	s4 =	sld [smem:$0x3FA1]  }
0x2a: {  	p0 =	seq.s32 s5, $0x0;
	s5 =	sld [smem:$0x3FA2]  }
0x2b: {  	s6 =	sld [smem:$0x3FA3]  }
0x2c: {  	s7 =	sld [smem:$0x3FA4]  }
0x2d: {  	s3 =	simm.s32 $0x108;
	s8 =	sld [smem:$0x3FA5]  }
0x2e: {  	s3 =	simm.s32 @!p0 $0x1082;
	s9 =	sld [smem:$0x3FA6]  }
0x2f: {  	lr =	sadd.s32 s0, s3;
	s0 =	sld [smem:$0x3F9D]  }
0x30: {  	s3 =	sld [smem:$0x3FA0]  }
0x31: {  	[smem:$0x3FA9] =	sst s10  }
0x32: {  	s10 =	sld [smem:$0x3FA7];
	_ =	sdelay $0x3  }
0x33: {  	p0 =	seq.s32 s10, $0x1;
	s10 =	sld [smem:$0x3FA9];
	_ =	sdelay $0x3  }
0x34: {  	[smem:$0x3FA9] =	sst s10  }
0x35: {  	s10 =	sld [smem:$0x3FA8];
	_ =	sdelay $0x3  }
0x36: {  	p1 =	seq.s32 s10, $0x1;
	s10 =	sld [smem:$0x3FA9];
	_ =	sdelay $0x3  }
0x37: {  	[smem:$0x3FA9] =	sst s10  }
0x38: {  	s10 =	sld [smem:$0x3FAA]  }
0x39: {  	_ = 	snop;
	(pc) =	sbr.ind lr, $3  }
0x3a: {  	_ = 	snop  }
0x3b: {  	_ = 	snop  }
0x3c: {  	p2 =	seq.s32 s10, $0x1;
	s10 =	sld [smem:$0x3FA9]  }
0x3d: {  	_ =	shalt  }
0x3e: {  	_ =	shalt  }
0x3f: {  	_ =	shalt  }
0x40: {  	_ =	shalt  }
0x41: {  	_ =	shalt  }
0x42: {  	_ =	shalt  }
0x43: {  	_ =	shalt  }
0x44: {  	_ =	shalt  }
0x45: {  	_ =	shalt  }
0x46: {  	_ =	shalt  }
0x47: {  	_ =	shalt  }
0x48: {  	_ =	shalt  }
0x49: {  	_ =	shalt  }
0x4a: {  	_ =	shalt  }
0x4b: {  	_ =	shalt  }
0x4c: {  	_ =	shalt  }
0x4d: {  	_ =	shalt  }
0x4e: {  	_ =	shalt  }
0x4f: {  	_ =	shalt  }
0x50: {  	_ =	shalt  }
0x51: {  	_ =	shalt  }
0x52: {  	_ =	shalt  }
0x53: {  	_ =	shalt  }
0x54: {  	_ =	shalt  }
0x55: {  	_ =	shalt  }
0x56: {  	_ =	shalt  }
0x57: {  	_ =	shalt  }
0x58: {  	_ =	shalt  }
0x59: {  	_ =	shalt  }
0x5a: {  	_ =	shalt  }
0x5b: {  	_ =	shalt  }
0x5c: {  	_ =	shalt  }
0x5d: {  	_ =	shalt  }
0x5e: {  	_ =	shalt  }
0x5f: {  	_ =	shalt  }
0x60: {  	_ =	shalt  }
0x61: {  	_ =	shalt  }
0x62: {  	_ =	shalt  }
0x63: {  	_ =	shalt  }
0x64: {  	_ =	shalt  }
0x65: {  	_ =	shalt  }
0x66: {  	_ =	shalt  }
0x67: {  	_ =	shalt  }
0x68: {  	_ =	shalt  }
0x69: {  	_ =	shalt  }
0x6a: {  	_ =	shalt  }
0x6b: {  	_ =	shalt  }
0x6c: {  	_ =	shalt  }
0x6d: {  	_ =	shalt  }
0x6e: {  	_ =	shalt  }
0x6f: {  	_ =	shalt  }
0x70: {  	_ =	shalt  }
0x71: {  	_ =	shalt  }
0x72: {  	_ =	shalt  }
0x73: {  	_ =	shalt  }
0x74: {  	_ =	shalt  }
0x75: {  	_ =	shalt  }
0x76: {  	_ =	shalt  }
0x77: {  	_ =	shalt  }
0x78: {  	_ =	shalt  }
0x79: {  	_ =	shalt  }
0x7a: {  	_ =	shalt  }
0x7b: {  	_ =	shalt  }
0x7c: {  	_ =	shalt  }
0x7d: {  	_ =	shalt  }
0x7e: {  	_ =	shalt  }
0x7f: {  	_ =	shalt  }
0x80: {  	_ =	shalt  }
0x81: {  	_ =	shalt  }
0x82: {  	_ =	shalt  }
0x83: {  	_ =	shalt  }
0x84: {  	_ =	shalt  }
0x85: {  	_ =	shalt  }
0x86: {  	_ =	shalt  }
0x87: {  	_ =	shalt  }
.Lfunc_end0:
.L_simem_size_0:
called_computation.2_lowered:
.L_overlay_start_0:
0x88: {  	s2 =	sld [smem:$0x3FD9]  }
0x89: {  	s3 =	sld [smem:$0x3FFE];
	_ =	sdelay $0x1  }
0x8a: {  	s1 =	srdreg.scid  }
0x8b: {  	s0 =	sand.u32 $0x1, s1  }
0x8c: {  	s16 =	sshll.u32 s0, $0xA;
	s2 =	sadd.s32 s3, s2  }
0x8d: {  	s2 =	sadd.s32 s2, s16  }
0x8e: {  	[smem:$0x3FB5] =	sst s2  }
0x8f: {  	_ = 	snop  }
0x90: {  	(tm) =	ssettm $0x1  }
0x91: {  	s17 =	sld [smem:$0x3FFB];
	_ =	sdelay $0x3  }
0x92: {  	_ =	strace s17  }
0x93: {  	s2 =	sld [smem:$0x3FFC];
	_ =	sdelay $0x3  }
0x94: {  	_ =	strace s2  }
0x95: {  	s2 =	sld [smem:$0x3FFD];
	_ =	sdelay $0x3  }
0x96: {  	_ =	strace s2  }
0x97: {  	_ =	strace $0x8FFFFFFF  }
0x98: {  	s18 =	sld [smem:$0x3FDB];
	_ =	sdelay $0x1  }
0x99: {  	s19 =	simm.s32 $_scs_section_size  }
0x9a: {  	s4 =	simm.s32 $_size__tile_overlayer_lowered;
	s5 =	simm.s32 $_tile_overlayer_lowered  }
0x9b: {  	s22 =	simm.s32 $0x1BFF;
	s21 =	sshll.u32 s5, $0x1;
	s2 =	sadd.s32 s19, s18  }
0x9c: {  	s6 =	simm.s32 $0x0;
	s20 =	sshll.u32 s4, $0x1;
	s4 =	sadd.s32 s21, s2  }
0x9d: {  	[timem:s6], [sflag:s22] =	dma.local [hbm:s4], s20  }
0x9e: {  	_ =	swait.ge [sflag:s22], s20  }
0x9f: {  	s3 =	ssub.s32 $0x0, s20;
	[sflag:s22] =	ssyncset.done $0x0  }
0xa0: {  	[sflag:s22] =	ssyncadd.s32 s3;
	_ =	sdelay $0x1  }
0xa1: {  	s23 =	simm.s32 $0x1B8B  }
0xa2: {  	_ =	swait.ge [sflag:s23], $0x1  }
0xa3: {  	[sflag:s23] =	ssyncset.done $0x0  }
0xa4: {  	s25 =	simm.s32 $0x1B8E;
	s24 =	sld [smem:$0x3FFE];
	[sflag:s23] =	ssyncadd.s32 $0xFFFFFFFF  }
0xa5: {  	s26 =	simm.s32 $execute0_lowered;
	[smem:$0x3FD2] =	sst s25  }
0xa6: {  	s4 =	sshll.u32 s26, $0x1;
	_ =	strace $0x8000004C;
	[dreg:$0x1] =	wrdreg $0xFFFFFFFF  }
0xa7: {  	s28 =	simm.s32 $_size_execute0_lowered;
	s2 =	sadd.s32 s2, s4;
	[dreg:$0x0] =	wrdreg $0x0  }
0xa8: {  	s4 =	sshll.u32 s28, $0x1;
	[dreg:$0x2] =	wrdreg s2  }
0xa9: {  	[dreg:$0x3] =	wrdreg s4  }
0xaa: {  	[dreg:$0x4] =	wrdreg $0xC0  }
0xab: {  	_ =	task [dreg:s6], $0x5FFFF  }
0xac: {  	[dreg:$0x1] =	wrdreg $0xFFFFFFFF  }
0xad: {  	[dreg:$0x0] =	wrdreg $0x60  }
0xae: {  	[dreg:$0x2] =	wrdreg s24  }
0xaf: {  	[dreg:$0x3] =	wrdreg $0x16B400  }
0xb0: {  	[dreg:$0x4] =	wrdreg $0x11D000  }
0xb1: {  	[dreg:$0x5] =	wrdreg $0x9  }
0xb2: {  	_ =	task.clear_ibuf [dreg:s6], $0x6FFFF;
	_ =	strace $0x9000004C  }
0xb3: {  	s29 =	simm.s32 $0x9;
	_ =	strace $0x8000004E  }
0xb4: {  	_ =	swait.ge [sflag:s29], $0x1  }
0xb5: {  	[sflag:s29] =	ssyncadd.s32 $0xFFFFFFFF  }
0xb6: {  	_ =	strace $0x9000004E  }
0xb7: {  	_ =	sfence  }
0xb8: {  	s30 =	sld [smem:$0x0];
	_ =	sdelay $0x2  }
0xb9: {  	s31 =	sshll.u32 s1, $0xD;
	s1 =	sshrl.u32 s1, $0x2  }
0xba: {  	s3 =	sand.u32 $0x4000, s31;
	s1 =	sadd.s32 s1, s30  }
0xbb: {  	s0 =	sor.u32 s3, s0;
	s1 =	sshll.u32 s1, $0x11  }
0xbc: {  	s0 =	sor.u32 s1, s0  }
0xbd: {  	s0 =	sadd.s32 $0x8F2B, s0  }
0xbe: {  	[sflag:s0] =	ssyncadd.remote.s32 $0x1  }
0xbf: {  	_ =	sfence.sel $0xFFFF  }
0xc0: {  	[dreg:$0x0] =	wrdreg $0xFFFFFFFF;
	(pc) =	sbr.abs _section_cstart, $3  }
0xc1: {  	[dreg:$0x1] =	wrdreg $0xFFFFFFFF  }
0xc2: {  	_ =	task.clear_ibuf [dreg:s6], $0x2FFFF;
	_ =	strace $0x9FFFFFFF  }
0xc3: {  	(tm) =	ssettm $0x7FFFFFFF  }
tec
execute0_lowered:
.L_overlay_start_1:
0x0: {  	(tag) =	ssettag $0x1  }
0x1: {  	s5 =	rddreg [dreg:$0x0]  }
0x2: {  	s2 =	rddreg [dreg:$0x1]  }
0x3: {  	s0 =	srdreg.scid;
	s3 =	rddreg [dreg:$0x2]  }
0x4: {  	s1 =	rddreg [dreg:$0x3];
	s6 =	sand.u32 $0x1, s0  }
0x5: {  	s0 =	stileid.u32;
	s7 =	smul.u32 $0x4E400, s6  }
0x6: {  	s4 =	simm.s32 $0x0;
	s15 =	simm.s32 $0x4E80;
	s8 =	smul.u32 $0x4E40, s0  }
0x7: {  	s16 =	simm.s32 $0x80;
	s17 =	simm.s32 $0x9D00;
	s9 =	smul.u32 $0x4E80, s0  }
0x8: {  	s18 =	simm.s32 $0x1;
	s19 =	simm.s32 $0xAD00;
	s10 =	smul.u32 $0x4E800, s6  }
0x9: {  	s20 =	simm.s32 $0x2;
	s21 =	simm.s32 $0x9C80;
	s11 =	smul.u32 $0x6000, s0  }
0xa: {  	s22 =	simm.s32 $0x0;
	[smem:$0x7FF] =	sst s4;
	s12 =	smul.u32 $0x60000, s6  }
0xb: {  	_ =	strace $0x8000004D;
	s6 =	ssub.s32 $0x2, s6;
	s31 =	sshll.u32 s0, $0x6  }
0xc: {  	s29 =	sshrl.u32 s6, $0x1;
	s7 =	sadd.s32 s8, s7;
	s13 =	sshrl.u32 s9, $0x3  }
0xd: {  	s9 =	sadd.s32 s9, s10;
	s28 =	sadd.s32 s11, s12;
	s30 =	ssub.s32 s6, s29  }
0xe: {  	s14 =	sadd.s32 s8, s3;
	s12 =	simm.s32 $0x3;
	s7 =	sshrl.u32 s7, $0x3  }
0xf: {  	s13 =	sadd.s32 s13, s5;
	s9 =	sshrl.u32 s9, $0x3;
	s10 =	sshrl.u32 s28, $0x3  }
0x10: {  	s14 =	sshrl.u32 s14, $0x3;
	s7 =	sadd.s32 s7, s5;
	s9 =	sadd.s32 s9, s5  }
0x11: {  	s10 =	sadd.s32 s10, s5;
	s5 =	sadd.s32 s11, s2;
	s11 =	simm.s32 $0xBD00  }
0x12: {  	s6 =	sadd.s32 $0x5600, s7;
	s7 =	sadd.s32 $0x2DC00, s13;
	s8 =	sadd.s32 $0x1A200, s9  }
0x13: {  	v0 =	vimm.f32 $0.0e+00;
	s9 =	sadd.s32 $0x37A00, s10;
	s10 =	smax.u32 s30, $0x1;
	s13 =	sor.u32 $0x1C03, s31  }
.LBB2_1:
0x14: {  	s23 =	simm.s32 $0x80;
	s24 =	simm.s32 $0x0  }
.LBB2_2:
0x15: {  	p0 =	sne.s32 s23, $0x17F80;
	[tilespmem:s24+$0xBD00] =	vst v0;
	s25 =	smov.u32 s23;
	s23 =	sadd.s32 $0x80, s23  }
.Ltmp0:
0x16: {  	[tilespmem:s24+$0xBD10] =	vst v0;
	(pc) =	sbr.rel @p0 .LBB2_2-.Ltmp0, $2  }
0x17: {  	_ =	sdelay $0x2  }
0x18: {  	s24 =	sshra.s32 s25, $0x2  }
0x19: {  	[tilespmem:s24+$0xBD00] =	vst v0  }
0x1a: {  	[tilespmem:s24+$0xBD10] =	vst v0  }
0x1b: {  	[spmem:s5] =	stream.linear.scatter [tilespmem:s11], [sflag:$0x3], $0x6000, $0x38;
	[tilespmem:$0x1CB40] =	vst v63  }
0x1c: {  	_ =	swait.ge [sflag:s12], $0x6000  }
0x1d: {  	[sflag:s12] =	ssyncset.done $0x0  }
0x1e: {  	[sflag:s12] =	ssyncadd.s32 $0xFFFFA000  }
0x1f: {  	[spmem:s14], [sflag:s13] =	dma.local [hbm:s6], $0x9C8  }
0x20: {  	_ =	swait.ge [sflag:s12], $0x9C8  }
0x21: {  	[sflag:s12] =	ssyncset.done $0x0  }
0x22: {  	s23 =	simm.s32 $0x0;
	[sflag:s12] =	ssyncadd.s32 $0xFFFFF638  }
0x23: {  	[tilespmem:s23], [sflag:$0x3] =	stream.linear.gather [hbm4b:s7+s23], $0x4E80, $0x38;
	[tilespmem:$0x1CB40] =	vst v63  }
0x24: {  	_ =	swait.ge [sflag:s12], $0x4E80  }
0x25: {  	[sflag:s12] =	ssyncset.done $0x0  }
0x26: {  	[sflag:s12] =	ssyncadd.s32 $0xFFFFB180  }
0x27: {  	[tilespmem:s15], [sflag:$0x3] =	stream.linear.gather [hbm4b:s8+s23], $0x4E80, $0x38;
	[tilespmem:$0x1CB40] =	vst v63  }
0x28: {  	_ =	swait.ge [sflag:s12], $0x4E80  }
0x29: {  	[sflag:s12] =	ssyncset.done $0x0  }
0x2a: {  	[sflag:s12] =	ssyncadd.s32 $0xFFFFB180  }
0x2b: {  	[bflag:$0x0] =	sbarrier.arrive $0xFFFF  }
0x2c: {  	[tilespmem:s17], [sflag:$0x1] =	stream.indirect.gather [spmem:s3], $0x20, s23, s16, $0xb8;
	[tilespmem:$0x1CB40] =	vst v63  }
0x2d: {  	_ =	swait.ge [sflag:s18], $0x1000  }
0x2e: {  	[sflag:s18] =	ssyncset.done $0x0  }
0x2f: {  	s28 =	simm.s32 $0x80;
	[sflag:s18] =	ssyncadd.s32 $0xFFFFF000  }
0x30: {  	[tilespmem:s19], [sflag:$0x2] =	stream.indirect.gather [spmem:s3], $0x20, s28, s16, $0xb8;
	[tilespmem:$0x1CB40] =	vst v63  }
0x31: {  	s29 =	simm.s32 $0x4E80  }
0x32: {  	[spmem:s2] =	stream.indirect.scatter.add.f32 [tilespmem:s17], [sflag:$0x3], $0x20, s29, s16, $0xb8;
	[tilespmem:$0x1CB40] =	vst v63  }
0x33: {  	_ =	swait.ge [sflag:s12], $0x1000  }
0x34: {  	[sflag:s12] =	ssyncset.done $0x0  }
0x35: {  	[sflag:s12] =	ssyncadd.s32 $0xFFFFF000  }
0x36: {  	_ =	swait.ge [sflag:s20], $0x1000  }
0x37: {  	[sflag:s20] =	ssyncset.done $0x0  }
0x38: {  	s30 =	simm.s32 $0x100;
	[sflag:s20] =	ssyncadd.s32 $0xFFFFF000  }
0x39: {  	[tilespmem:s17], [sflag:$0x1] =	stream.indirect.gather [spmem:s3], $0x20, s30, s16, $0xb8;
	[tilespmem:$0x1CB40] =	vst v63  }
0x3a: {  	s31 =	simm.s32 $0x4F00  }
0x3b: {  	[spmem:s2] =	stream.indirect.scatter.add.f32 [tilespmem:s19], [sflag:$0x3], $0x20, s31, s16, $0xb8;
	[tilespmem:$0x1CB40] =	vst v63  }
0x3c: {  	_ =	swait.ge [sflag:s12], $0x1000  }
0x3d: {  	s23 =	simm.s32 $0x400;
	[sflag:s12] =	ssyncset.done $0x0  }
.LBB2_4:
0x3e: {  	p0 =	sne.s32 s23, $0x13400  }
0x3f: {  	[sflag:s12] =	ssyncadd.s32 $0xFFFFF000;
	s24 =	smov.u32 s23;
	s23 =	sadd.s32 $0x400, s23  }
0x40: {  	_ = 	snop  }
0x41: {  	_ =	swait.ge [sflag:s18], $0x1000  }
0x42: {  	s24 =	sshra.s32 s24, $0x2;
	[sflag:s18] =	ssyncset.done $0x0  }
0x43: {  	s25 =	sadd.s32 $0x80, s24;
	[sflag:s18] =	ssyncadd.s32 $0xFFFFF000  }
0x44: {  	[tilespmem:s19], [sflag:$0x2] =	stream.indirect.gather [spmem:s3], $0x20, s25, s16, $0xb8;
	[tilespmem:$0x1CB40] =	vst v63  }
0x45: {  	s25 =	sadd.s32 $0x4E80, s24  }
0x46: {  	[spmem:s2] =	stream.indirect.scatter.add.f32 [tilespmem:s17], [sflag:$0x3], $0x20, s25, s16, $0xb8;
	[tilespmem:$0x1CB40] =	vst v63  }
0x47: {  	_ =	swait.ge [sflag:s12], $0x1000  }
0x48: {  	[sflag:s12] =	ssyncset.done $0x0  }
0x49: {  	[sflag:s12] =	ssyncadd.s32 $0xFFFFF000  }
0x4a: {  	_ =	swait.ge [sflag:s20], $0x1000  }
0x4b: {  	[sflag:s20] =	ssyncset.done $0x0  }
0x4c: {  	s25 =	sadd.s32 $0x100, s24;
	[sflag:s20] =	ssyncadd.s32 $0xFFFFF000  }
0x4d: {  	[tilespmem:s17], [sflag:$0x1] =	stream.indirect.gather [spmem:s3], $0x20, s25, s16, $0xb8;
	[tilespmem:$0x1CB40] =	vst v63  }
.Ltmp1:
0x4e: {  	_ = 	snop;
	(pc) =	sbr.rel @p0 .LBB2_4-.Ltmp1, $4  }
0x4f: {  	s24 =	sadd.s32 $0x4F00, s24  }
0x50: {  	[spmem:s2] =	stream.indirect.scatter.add.f32 [tilespmem:s19], [sflag:$0x3], $0x20, s24, s16, $0xb8;
	[tilespmem:$0x1CB40] =	vst v63  }
0x51: {  	_ =	swait.ge [sflag:s12], $0x1000  }
0x52: {  	[sflag:s12] =	ssyncset.done $0x0  }
0x53: {  	[sflag:s12] =	ssyncadd.s32 $0xFFFFF000  }
0x54: {  	_ =	swait.ge [sflag:s18], $0x1000  }
0x55: {  	[sflag:s18] =	ssyncset.done $0x0  }
0x56: {  	[sflag:s18] =	ssyncadd.s32 $0xFFFFF000  }
0x57: {  	[spmem:s2] =	stream.indirect.scatter.add.f32 [tilespmem:s17], [sflag:$0x3], $0x20, s21, s16, $0xb8;
	[tilespmem:$0x1CB40] =	vst v63  }
0x58: {  	_ =	swait.ge [sflag:s12], $0x1000  }
0x59: {  	[sflag:s12] =	ssyncset.done $0x0  }
0x5a: {  	[sflag:s12] =	ssyncadd.s32 $0xFFFFF000  }
0x5b: {  	[bflag:$0x0] =	sbarrier.arrive $0xFFFF  }
0x5c: {  	[tilespmem:s11], [sflag:$0x3] =	stream.linear.gather [spmem:s5], $0x6000, $0x38;
	[tilespmem:$0x1CB40] =	vst v63  }
0x5d: {  	s22 =	sadd.s32 $0x1, s22;
	_ =	swait.ge [sflag:s12], $0x6000  }
0x5e: {  	p0 =	sne.s32 s22, s10;
	[sflag:s12] =	ssyncset.done $0x0  }
.Ltmp2:
0x5f: {  	[sflag:s12] =	ssyncadd.s32 $0xFFFFA000;
	(pc) =	sbr.rel @p0 .LBB2_1-.Ltmp2, $4  }
0x60: {  	[hbm4b:s9+s4] =	stream.linear.scatter [tilespmem:s11], [sflag:$0x3], $0x6000, $0x38;
	[tilespmem:$0x1CB40] =	vst v63  }
0x61: {  	_ =	swait.ge [sflag:s12], $0x6000  }
0x62: {  	[sflag:s12] =	ssyncset.done $0x0  }
0x63: {  	[sflag:s12] =	ssyncadd.s32 $0xFFFFA000  }
0x64: {  	_ =	sfence.sel $0x180000  }
0x65: {  	[bflag:$0x0] =	sbarrier.arrive $0xFFFF  }
0x66: {  	p0 =	sne.s32 s0, $0x0;
	_ =	strace $0x9000004D  }
0x67: {  	s0 =	sadd.s32 @!p0 $0x100000, s1;
	[bflag:$0x2] =	sbarrier.arrive $0xFFFF  }
0x68: {  	[sflag:s0] =	ssyncadd.tile.s32 @!p0 $0x1;
	_ =	shalt  }
.Lfunc_end2:
_tile_overlayer_lowered:
.L_overlay_start_2:
0x69: {  	(tag) =	ssettag $0x2  }
0x6a: {  	s0 =	rddreg [dreg:$0x0];
	s2 =	stileid.u32  }
0x6b: {  	s1 =	rddreg [dreg:$0x1];
	p0 =	sne.s32 s2, $0x0  }
0x6c: {  	s3 =	rddreg [dreg:$0x2];
	[bflag:$0x3] =	sbarrier.arrive $0xFFFF;
	s2 =	simm.s32 @!p0 $0x1C03  }
0x6d: {  	[timem:s3], [sflag:s2] =	dma.local @!p0 [hbm:s0], s1  }
0x6e: {  	s0 =	simm.s32 @!p0 $0x3  }
0x6f: {  	_ =	swait.ge @!p0 [sflag:s0], s1  }
0x70: {  	s1 =	ssub.s32 @!p0 $0x0, s1;
	[sflag:s0] =	ssyncset.done @!p0 $0x0  }
0x71: {  	[sflag:s0] =	ssyncadd.s32 @!p0 s1  }
0x72: {  	[bflag:$0x3] =	sbarrier.arrive $0xFFFF  }
0x73: {  	_ =	shalt  }

// kernel: kernel.20.cloned.1.call-start
scs
__scs_entry_jumppad:
0x0: {  	(pc) =	sbr.rel $0x88, $3  }
0x1: {  	(tag) =	ssettag $0x0;
	lr =	simm.s32 $0x1  }
0x2: {  	[smem:$0x3F8E] =	sst lr;
	_ =	strace $0xD0000000  }
0x3: {  	_ = 	snop  }
0x4: {  	_ = 	snop  }
0x5: {  	_ = 	snop  }
0x6: {  	_ = 	snop  }
0x7: {  	_ = 	snop  }
__scs_overlays_trampoline_lowered:
0x8: {  	[smem:$0x3F9D] =	sst s0  }
0x9: {  	[smem:$0x3F9E] =	sst s1  }
0xa: {  	[smem:$0x3F9F] =	sst s2  }
0xb: {  	[smem:$0x3FA0] =	sst s3  }
0xc: {  	[smem:$0x3FA1] =	sst s4  }
0xd: {  	[smem:$0x3FA2] =	sst s5  }
0xe: {  	[smem:$0x3FA3] =	sst s6  }
0xf: {  	[smem:$0x3FA4] =	sst s7  }
0x10: {  	[smem:$0x3FA5] =	sst s8  }
0x11: {  	[smem:$0x3FA6] =	sst s9;
	s0 =	simm.s32 @!p0 $0x0  }
0x12: {  	s1 =	sld [smem:$0x3F8C];
	s0 =	simm.s32 @p0 $0x1  }
0x13: {  	[smem:$0x3FA7] =	sst s0;
	s0 =	simm.s32 @!p1 $0x0  }
0x14: {  	s2 =	sld [smem:$0x3F8B];
	s0 =	simm.s32 @p1 $0x1  }
0x15: {  	[smem:$0x3FA8] =	sst s0;
	s0 =	simm.s32 @!p2 $0x0  }
0x16: {  	s3 =	sld [smem:$0x3FDB];
	s0 =	simm.s32 @p2 $0x1  }
0x17: {  	s4 =	simm.s32 $0x1BF5;
	[smem:$0x3FAA] =	sst s0  }
0x18: {  	s0 =	sld [smem:$0x3F8D];
	_ =	swait.ge [sflag:s4], $0x0  }
0x19: {  	s7 =	sld [smem:$0x3F8E]  }
0x1a: {  	s8 =	sadd.s32 $0xFFFFE003, lr  }
0x1b: {  	s9 =	sadd.s32 $0xFFFFFEF7, lr;
	s5 =	simm.s32 $0xFFFFFFFF;
	p2 =	slt.u32 s8, $0xFFFFF086  }
0x1c: {  	p1 =	slt.u32 s9, $0xF7A;
	s5 =	simm.s32 @!p2 $0x0  }
0x1d: {  	s5 =	simm.s32 @p1 $0x1;
	p0 =	seq.s32 s7, s2  }
0x1e: {  	s7 =	smul.u32 @!p0 $0xF7A, s2;
	p2 =	seq.s32 @!p0 s5, $0x0  }
0x1f: {  	s9 =	smul.u32 $0xF7A, s1;
	s8 =	simm.s32 @!p0 $0x1BF5;
	p2 =	por !p2, p0  }
0x20: {  	[sflag:s8] =	ssyncset.s32 @!p0 $0xFFFFF086;
	s6 =	sadd.s32 @!p0 s3, s7;
	s7 =	simm.s32 @!p0 $0x108  }
0x21: {  	s3 =	sadd.s32 s3, s9;
	s6 =	sadd.s32 @!p0 $0x88, s6;
	s7 =	simm.s32 @p2 $0x1082  }
0x22: {  	[simem:s7], [sflag:s8] =	dma.local @!p0 [hbm:s6], $0xF7A  }
0x23: {  	s9 =	sor.u32 $0xD0000000, s2;
	s6 =	simm.s32 $0x108;
	_ =	swait.ge @!p0 [sflag:s8], $0x0  }
0x24: {  	s3 =	sadd.s32 $0x88, s3;
	s6 =	simm.s32 @!p1 $0x1082;
	[sflag:s4] =	ssyncset.s32 $0xFFFFF086  }
0x25: {  	[simem:s6], [sflag:s4] =	dma.local [hbm:s3], $0xF7A  }
0x26: {  	[smem:$0x3F8E] =	sst s1;
	(tag) =	ssettag s2;
	_ =	strace s9  }
0x27: {  	s1 =	sld [smem:$0x3F9E]  }
0x28: {  	s2 =	sld [smem:$0x3F9F]  }
0x29: {  	s4 =	sld [smem:$0x3FA1]  }
0x2a: {  	p0 =	seq.s32 s5, $0x0;
	s5 =	sld [smem:$0x3FA2]  }
0x2b: {  	s6 =	sld [smem:$0x3FA3]  }
0x2c: {  	s7 =	sld [smem:$0x3FA4]  }
0x2d: {  	s3 =	simm.s32 $0x108;
	s8 =	sld [smem:$0x3FA5]  }
0x2e: {  	s3 =	simm.s32 @!p0 $0x1082;
	s9 =	sld [smem:$0x3FA6]  }
0x2f: {  	lr =	sadd.s32 s0, s3;
	s0 =	sld [smem:$0x3F9D]  }
0x30: {  	s3 =	sld [smem:$0x3FA0]  }
0x31: {  	[smem:$0x3FA9] =	sst s10  }
0x32: {  	s10 =	sld [smem:$0x3FA7];
	_ =	sdelay $0x3  }
0x33: {  	p0 =	seq.s32 s10, $0x1;
	s10 =	sld [smem:$0x3FA9];
	_ =	sdelay $0x3  }
0x34: {  	[smem:$0x3FA9] =	sst s10  }
0x35: {  	s10 =	sld [smem:$0x3FA8];
	_ =	sdelay $0x3  }
0x36: {  	p1 =	seq.s32 s10, $0x1;
	s10 =	sld [smem:$0x3FA9];
	_ =	sdelay $0x3  }
0x37: {  	[smem:$0x3FA9] =	sst s10  }
0x38: {  	s10 =	sld [smem:$0x3FAA]  }
0x39: {  	_ = 	snop;
	(pc) =	sbr.ind lr, $3  }
0x3a: {  	_ = 	snop  }
0x3b: {  	_ = 	snop  }
0x3c: {  	p2 =	seq.s32 s10, $0x1;
	s10 =	sld [smem:$0x3FA9]  }
0x3d: {  	_ =	shalt  }
0x3e: {  	_ =	shalt  }
0x3f: {  	_ =	shalt  }
0x40: {  	_ =	shalt  }
0x41: {  	_ =	shalt  }
0x42: {  	_ =	shalt  }
0x43: {  	_ =	shalt  }
0x44: {  	_ =	shalt  }
0x45: {  	_ =	shalt  }
0x46: {  	_ =	shalt  }
0x47: {  	_ =	shalt  }
0x48: {  	_ =	shalt  }
0x49: {  	_ =	shalt  }
0x4a: {  	_ =	shalt  }
0x4b: {  	_ =	shalt  }
0x4c: {  	_ =	shalt  }
0x4d: {  	_ =	shalt  }
0x4e: {  	_ =	shalt  }
0x4f: {  	_ =	shalt  }
0x50: {  	_ =	shalt  }
0x51: {  	_ =	shalt  }
0x52: {  	_ =	shalt  }
0x53: {  	_ =	shalt  }
0x54: {  	_ =	shalt  }
0x55: {  	_ =	shalt  }
0x56: {  	_ =	shalt  }
0x57: {  	_ =	shalt  }
0x58: {  	_ =	shalt  }
0x59: {  	_ =	shalt  }
0x5a: {  	_ =	shalt  }
0x5b: {  	_ =	shalt  }
0x5c: {  	_ =	shalt  }
0x5d: {  	_ =	shalt  }
0x5e: {  	_ =	shalt  }
0x5f: {  	_ =	shalt  }
0x60: {  	_ =	shalt  }
0x61: {  	_ =	shalt  }
0x62: {  	_ =	shalt  }
0x63: {  	_ =	shalt  }
0x64: {  	_ =	shalt  }
0x65: {  	_ =	shalt  }
0x66: {  	_ =	shalt  }
0x67: {  	_ =	shalt  }
0x68: {  	_ =	shalt  }
0x69: {  	_ =	shalt  }
0x6a: {  	_ =	shalt  }
0x6b: {  	_ =	shalt  }
0x6c: {  	_ =	shalt  }
0x6d: {  	_ =	shalt  }
0x6e: {  	_ =	shalt  }
0x6f: {  	_ =	shalt  }
0x70: {  	_ =	shalt  }
0x71: {  	_ =	shalt  }
0x72: {  	_ =	shalt  }
0x73: {  	_ =	shalt  }
0x74: {  	_ =	shalt  }
0x75: {  	_ =	shalt  }
0x76: {  	_ =	shalt  }
0x77: {  	_ =	shalt  }
0x78: {  	_ =	shalt  }
0x79: {  	_ =	shalt  }
0x7a: {  	_ =	shalt  }
0x7b: {  	_ =	shalt  }
0x7c: {  	_ =	shalt  }
0x7d: {  	_ =	shalt  }
0x7e: {  	_ =	shalt  }
0x7f: {  	_ =	shalt  }
0x80: {  	_ =	shalt  }
0x81: {  	_ =	shalt  }
0x82: {  	_ =	shalt  }
0x83: {  	_ =	shalt  }
0x84: {  	_ =	shalt  }
0x85: {  	_ =	shalt  }
0x86: {  	_ =	shalt  }
0x87: {  	_ =	shalt  }
.Lfunc_end0:
.L_simem_size_0:
called_computation.3_lowered:
.L_overlay_start_0:
0x88: {  	s2 =	sld [smem:$0x3FD9]  }
0x89: {  	s3 =	sld [smem:$0x3FFE];
	_ =	sdelay $0x1  }
0x8a: {  	s1 =	srdreg.scid  }
0x8b: {  	s0 =	sand.u32 $0x1, s1  }
0x8c: {  	s16 =	sshll.u32 s0, $0xA;
	s2 =	sadd.s32 s3, s2  }
0x8d: {  	s2 =	sadd.s32 s2, s16  }
0x8e: {  	[smem:$0x3FB5] =	sst s2  }
0x8f: {  	_ = 	snop  }
0x90: {  	(tm) =	ssettm $0x1  }
0x91: {  	s17 =	sld [smem:$0x3FFB];
	_ =	sdelay $0x3  }
0x92: {  	_ =	strace s17  }
0x93: {  	s2 =	sld [smem:$0x3FFC];
	_ =	sdelay $0x3  }
0x94: {  	_ =	strace s2  }
0x95: {  	s2 =	sld [smem:$0x3FFD];
	_ =	sdelay $0x3  }
0x96: {  	_ =	strace s2  }
0x97: {  	_ =	strace $0x8FFFFFFF  }
0x98: {  	s18 =	sld [smem:$0x3FDB];
	_ =	sdelay $0x1  }
0x99: {  	s19 =	simm.s32 $_scs_section_size  }
0x9a: {  	s4 =	simm.s32 $_size__tile_overlayer_lowered;
	s5 =	simm.s32 $_tile_overlayer_lowered  }
0x9b: {  	s22 =	simm.s32 $0x1BFF;
	s21 =	sshll.u32 s5, $0x1;
	s2 =	sadd.s32 s19, s18  }
0x9c: {  	s6 =	simm.s32 $0x0;
	s20 =	sshll.u32 s4, $0x1;
	s4 =	sadd.s32 s21, s2  }
0x9d: {  	[timem:s6], [sflag:s22] =	dma.local [hbm:s4], s20  }
0x9e: {  	_ =	swait.ge [sflag:s22], s20  }
0x9f: {  	s3 =	ssub.s32 $0x0, s20;
	[sflag:s22] =	ssyncset.done $0x0  }
0xa0: {  	[sflag:s22] =	ssyncadd.s32 s3;
	_ =	sdelay $0x1  }
0xa1: {  	s23 =	simm.s32 $0x1B8B  }
0xa2: {  	_ =	swait.ge [sflag:s23], $0x1  }
0xa3: {  	[sflag:s23] =	ssyncset.done $0x0  }
0xa4: {  	s25 =	simm.s32 $0x1B8E;
	s24 =	sld [smem:$0x3FFE];
	[sflag:s23] =	ssyncadd.s32 $0xFFFFFFFF  }
0xa5: {  	s26 =	simm.s32 $execute0_lowered;
	[smem:$0x3FD2] =	sst s25  }
0xa6: {  	s4 =	sshll.u32 s26, $0x1;
	_ =	strace $0x8000004F;
	[dreg:$0x1] =	wrdreg $0xFFFFFFFF  }
0xa7: {  	s28 =	simm.s32 $_size_execute0_lowered;
	s2 =	sadd.s32 s2, s4;
	[dreg:$0x0] =	wrdreg $0x0  }
0xa8: {  	s4 =	sshll.u32 s28, $0x1;
	[dreg:$0x2] =	wrdreg s2  }
0xa9: {  	[dreg:$0x3] =	wrdreg s4  }
0xaa: {  	[dreg:$0x4] =	wrdreg $0xC0  }
0xab: {  	_ =	task [dreg:s6], $0x5FFFF  }
0xac: {  	[dreg:$0x1] =	wrdreg $0xFFFFFFFF  }
0xad: {  	[dreg:$0x0] =	wrdreg $0x60  }
0xae: {  	[dreg:$0x2] =	wrdreg s24  }
0xaf: {  	[dreg:$0x3] =	wrdreg $0x16B400  }
0xb0: {  	[dreg:$0x4] =	wrdreg $0x11D000  }
0xb1: {  	[dreg:$0x5] =	wrdreg $0x9  }
0xb2: {  	_ =	task.clear_ibuf [dreg:s6], $0x6FFFF;
	_ =	strace $0x9000004F  }
0xb3: {  	s29 =	simm.s32 $0x9;
	_ =	strace $0x80000051  }
0xb4: {  	_ =	swait.ge [sflag:s29], $0x1  }
0xb5: {  	[sflag:s29] =	ssyncadd.s32 $0xFFFFFFFF  }
0xb6: {  	_ =	strace $0x90000051  }
0xb7: {  	_ =	sfence  }
0xb8: {  	s30 =	sld [smem:$0x0];
	_ =	sdelay $0x2  }
0xb9: {  	s31 =	sshll.u32 s1, $0xD;
	s1 =	sshrl.u32 s1, $0x2  }
0xba: {  	s3 =	sand.u32 $0x4000, s31;
	s1 =	sadd.s32 s1, s30  }
0xbb: {  	s0 =	sor.u32 s3, s0;
	s1 =	sshll.u32 s1, $0x11  }
0xbc: {  	s0 =	sor.u32 s1, s0  }
0xbd: {  	s0 =	sadd.s32 $0x8F2B, s0  }
0xbe: {  	[sflag:s0] =	ssyncadd.remote.s32 $0x1  }
0xbf: {  	_ =	sfence.sel $0xFFFF  }
0xc0: {  	[dreg:$0x0] =	wrdreg $0xFFFFFFFF;
	(pc) =	sbr.abs _section_cstart, $3  }
0xc1: {  	[dreg:$0x1] =	wrdreg $0xFFFFFFFF  }
0xc2: {  	_ =	task.clear_ibuf [dreg:s6], $0x2FFFF;
	_ =	strace $0x9FFFFFFF  }
0xc3: {  	(tm) =	ssettm $0x7FFFFFFF  }
tec
execute0_lowered:
.L_overlay_start_1:
0x0: {  	(tag) =	ssettag $0x1  }
0x1: {  	s5 =	rddreg [dreg:$0x0]  }
0x2: {  	s2 =	rddreg [dreg:$0x1]  }
0x3: {  	s0 =	srdreg.scid;
	s3 =	rddreg [dreg:$0x2]  }
0x4: {  	s1 =	rddreg [dreg:$0x3];
	s6 =	sand.u32 $0x1, s0  }
0x5: {  	s0 =	stileid.u32;
	s7 =	smul.u32 $0x4E400, s6  }
0x6: {  	s4 =	simm.s32 $0x0;
	s15 =	simm.s32 $0x4E80;
	s8 =	smul.u32 $0x4E40, s0  }
0x7: {  	s16 =	simm.s32 $0x80;
	s17 =	simm.s32 $0x9D00;
	s9 =	smul.u32 $0x4E80, s0  }
0x8: {  	s18 =	simm.s32 $0x1;
	s19 =	simm.s32 $0xAD00;
	s10 =	smul.u32 $0x4E800, s6  }
0x9: {  	s20 =	simm.s32 $0x2;
	s21 =	simm.s32 $0x9C80;
	s11 =	smul.u32 $0x6000, s0  }
0xa: {  	s22 =	simm.s32 $0x0;
	[smem:$0x7FF] =	sst s4;
	s12 =	smul.u32 $0x60000, s6  }
0xb: {  	_ =	strace $0x80000050;
	s6 =	ssub.s32 $0x2, s6;
	s31 =	sshll.u32 s0, $0x6  }
0xc: {  	s29 =	sshrl.u32 s6, $0x1;
	s7 =	sadd.s32 s8, s7;
	s13 =	sshrl.u32 s9, $0x3  }
0xd: {  	s9 =	sadd.s32 s9, s10;
	s28 =	sadd.s32 s11, s12;
	s30 =	ssub.s32 s6, s29  }
0xe: {  	s14 =	sadd.s32 s8, s3;
	s12 =	simm.s32 $0x3;
	s7 =	sshrl.u32 s7, $0x3  }
0xf: {  	s13 =	sadd.s32 s13, s5;
	s9 =	sshrl.u32 s9, $0x3;
	s10 =	sshrl.u32 s28, $0x3  }
0x10: {  	s14 =	sshrl.u32 s14, $0x3;
	s7 =	sadd.s32 s7, s5;
	s9 =	sadd.s32 s9, s5  }
0x11: {  	s10 =	sadd.s32 s10, s5;
	s5 =	sadd.s32 s11, s2;
	s11 =	simm.s32 $0xBD00  }
0x12: {  	s6 =	sadd.s32 $0x5600, s7;
	s7 =	sadd.s32 $0x2DC00, s13;
	s8 =	sadd.s32 $0x1A200, s9  }
0x13: {  	v0 =	vimm.f32 $0.0e+00;
	s9 =	sadd.s32 $0x37A00, s10;
	s10 =	smax.u32 s30, $0x1;
	s13 =	sor.u32 $0x1C03, s31  }
.LBB2_1:
0x14: {  	s23 =	simm.s32 $0x80;
	s24 =	simm.s32 $0x0  }
.LBB2_2:
0x15: {  	p0 =	sne.s32 s23, $0x17F80;
	[tilespmem:s24+$0xBD00] =	vst v0;
	s25 =	smov.u32 s23;
	s23 =	sadd.s32 $0x80, s23  }
.Ltmp0:
0x16: {  	[tilespmem:s24+$0xBD10] =	vst v0;
	(pc) =	sbr.rel @p0 .LBB2_2-.Ltmp0, $2  }
0x17: {  	_ =	sdelay $0x2  }
0x18: {  	s24 =	sshra.s32 s25, $0x2  }
0x19: {  	[tilespmem:s24+$0xBD00] =	vst v0  }
0x1a: {  	[tilespmem:s24+$0xBD10] =	vst v0  }
0x1b: {  	[spmem:s5] =	stream.linear.scatter [tilespmem:s11], [sflag:$0x3], $0x6000, $0x38;
	[tilespmem:$0x1CB40] =	vst v63  }
0x1c: {  	_ =	swait.ge [sflag:s12], $0x6000  }
0x1d: {  	[sflag:s12] =	ssyncset.done $0x0  }
0x1e: {  	[sflag:s12] =	ssyncadd.s32 $0xFFFFA000  }
0x1f: {  	[spmem:s14], [sflag:s13] =	dma.local [hbm:s6], $0x9C8  }
0x20: {  	_ =	swait.ge [sflag:s12], $0x9C8  }
0x21: {  	[sflag:s12] =	ssyncset.done $0x0  }
0x22: {  	s23 =	simm.s32 $0x0;
	[sflag:s12] =	ssyncadd.s32 $0xFFFFF638  }
0x23: {  	[tilespmem:s23], [sflag:$0x3] =	stream.linear.gather [hbm4b:s7+s23], $0x4E80, $0x38;
	[tilespmem:$0x1CB40] =	vst v63  }
0x24: {  	_ =	swait.ge [sflag:s12], $0x4E80  }
0x25: {  	[sflag:s12] =	ssyncset.done $0x0  }
0x26: {  	[sflag:s12] =	ssyncadd.s32 $0xFFFFB180  }
0x27: {  	[tilespmem:s15], [sflag:$0x3] =	stream.linear.gather [hbm4b:s8+s23], $0x4E80, $0x38;
	[tilespmem:$0x1CB40] =	vst v63  }
0x28: {  	_ =	swait.ge [sflag:s12], $0x4E80  }
0x29: {  	[sflag:s12] =	ssyncset.done $0x0  }
0x2a: {  	[sflag:s12] =	ssyncadd.s32 $0xFFFFB180  }
0x2b: {  	[bflag:$0x0] =	sbarrier.arrive $0xFFFF  }
0x2c: {  	[tilespmem:s17], [sflag:$0x1] =	stream.indirect.gather [spmem:s3], $0x20, s23, s16, $0xb8;
	[tilespmem:$0x1CB40] =	vst v63  }
0x2d: {  	_ =	swait.ge [sflag:s18], $0x1000  }
0x2e: {  	[sflag:s18] =	ssyncset.done $0x0  }
0x2f: {  	s28 =	simm.s32 $0x80;
	[sflag:s18] =	ssyncadd.s32 $0xFFFFF000  }
0x30: {  	[tilespmem:s19], [sflag:$0x2] =	stream.indirect.gather [spmem:s3], $0x20, s28, s16, $0xb8;
	[tilespmem:$0x1CB40] =	vst v63  }
0x31: {  	s29 =	simm.s32 $0x4E80  }
0x32: {  	[spmem:s2] =	stream.indirect.scatter.add.f32 [tilespmem:s17], [sflag:$0x3], $0x20, s29, s16, $0xb8;
	[tilespmem:$0x1CB40] =	vst v63  }
0x33: {  	_ =	swait.ge [sflag:s12], $0x1000  }
0x34: {  	[sflag:s12] =	ssyncset.done $0x0  }
0x35: {  	[sflag:s12] =	ssyncadd.s32 $0xFFFFF000  }
0x36: {  	_ =	swait.ge [sflag:s20], $0x1000  }
0x37: {  	[sflag:s20] =	ssyncset.done $0x0  }
0x38: {  	s30 =	simm.s32 $0x100;
	[sflag:s20] =	ssyncadd.s32 $0xFFFFF000  }
0x39: {  	[tilespmem:s17], [sflag:$0x1] =	stream.indirect.gather [spmem:s3], $0x20, s30, s16, $0xb8;
	[tilespmem:$0x1CB40] =	vst v63  }
0x3a: {  	s31 =	simm.s32 $0x4F00  }
0x3b: {  	[spmem:s2] =	stream.indirect.scatter.add.f32 [tilespmem:s19], [sflag:$0x3], $0x20, s31, s16, $0xb8;
	[tilespmem:$0x1CB40] =	vst v63  }
0x3c: {  	_ =	swait.ge [sflag:s12], $0x1000  }
0x3d: {  	s23 =	simm.s32 $0x400;
	[sflag:s12] =	ssyncset.done $0x0  }
.LBB2_4:
0x3e: {  	p0 =	sne.s32 s23, $0x13400  }
0x3f: {  	[sflag:s12] =	ssyncadd.s32 $0xFFFFF000;
	s24 =	smov.u32 s23;
	s23 =	sadd.s32 $0x400, s23  }
0x40: {  	_ = 	snop  }
0x41: {  	_ =	swait.ge [sflag:s18], $0x1000  }
0x42: {  	s24 =	sshra.s32 s24, $0x2;
	[sflag:s18] =	ssyncset.done $0x0  }
0x43: {  	s25 =	sadd.s32 $0x80, s24;
	[sflag:s18] =	ssyncadd.s32 $0xFFFFF000  }
0x44: {  	[tilespmem:s19], [sflag:$0x2] =	stream.indirect.gather [spmem:s3], $0x20, s25, s16, $0xb8;
	[tilespmem:$0x1CB40] =	vst v63  }
0x45: {  	s25 =	sadd.s32 $0x4E80, s24  }
0x46: {  	[spmem:s2] =	stream.indirect.scatter.add.f32 [tilespmem:s17], [sflag:$0x3], $0x20, s25, s16, $0xb8;
	[tilespmem:$0x1CB40] =	vst v63  }
0x47: {  	_ =	swait.ge [sflag:s12], $0x1000  }
0x48: {  	[sflag:s12] =	ssyncset.done $0x0  }
0x49: {  	[sflag:s12] =	ssyncadd.s32 $0xFFFFF000  }
0x4a: {  	_ =	swait.ge [sflag:s20], $0x1000  }
0x4b: {  	[sflag:s20] =	ssyncset.done $0x0  }
0x4c: {  	s25 =	sadd.s32 $0x100, s24;
	[sflag:s20] =	ssyncadd.s32 $0xFFFFF000  }
0x4d: {  	[tilespmem:s17], [sflag:$0x1] =	stream.indirect.gather [spmem:s3], $0x20, s25, s16, $0xb8;
	[tilespmem:$0x1CB40] =	vst v63  }
.Ltmp1:
0x4e: {  	_ = 	snop;
	(pc) =	sbr.rel @p0 .LBB2_4-.Ltmp1, $4  }
0x4f: {  	s24 =	sadd.s32 $0x4F00, s24  }
0x50: {  	[spmem:s2] =	stream.indirect.scatter.add.f32 [tilespmem:s19], [sflag:$0x3], $0x20, s24, s16, $0xb8;
	[tilespmem:$0x1CB40] =	vst v63  }
0x51: {  	_ =	swait.ge [sflag:s12], $0x1000  }
0x52: {  	[sflag:s12] =	ssyncset.done $0x0  }
0x53: {  	[sflag:s12] =	ssyncadd.s32 $0xFFFFF000  }
0x54: {  	_ =	swait.ge [sflag:s18], $0x1000  }
0x55: {  	[sflag:s18] =	ssyncset.done $0x0  }
0x56: {  	[sflag:s18] =	ssyncadd.s32 $0xFFFFF000  }
0x57: {  	[spmem:s2] =	stream.indirect.scatter.add.f32 [tilespmem:s17], [sflag:$0x3], $0x20, s21, s16, $0xb8;
	[tilespmem:$0x1CB40] =	vst v63  }
0x58: {  	_ =	swait.ge [sflag:s12], $0x1000  }
0x59: {  	[sflag:s12] =	ssyncset.done $0x0  }
0x5a: {  	[sflag:s12] =	ssyncadd.s32 $0xFFFFF000  }
0x5b: {  	[bflag:$0x0] =	sbarrier.arrive $0xFFFF  }
0x5c: {  	[tilespmem:s11], [sflag:$0x3] =	stream.linear.gather [spmem:s5], $0x6000, $0x38;
	[tilespmem:$0x1CB40] =	vst v63  }
0x5d: {  	s22 =	sadd.s32 $0x1, s22;
	_ =	swait.ge [sflag:s12], $0x6000  }
0x5e: {  	p0 =	sne.s32 s22, s10;
	[sflag:s12] =	ssyncset.done $0x0  }
.Ltmp2:
0x5f: {  	[sflag:s12] =	ssyncadd.s32 $0xFFFFA000;
	(pc) =	sbr.rel @p0 .LBB2_1-.Ltmp2, $4  }
0x60: {  	[hbm4b:s9+s4] =	stream.linear.scatter [tilespmem:s11], [sflag:$0x3], $0x6000, $0x38;
	[tilespmem:$0x1CB40] =	vst v63  }
0x61: {  	_ =	swait.ge [sflag:s12], $0x6000  }
0x62: {  	[sflag:s12] =	ssyncset.done $0x0  }
0x63: {  	[sflag:s12] =	ssyncadd.s32 $0xFFFFA000  }
0x64: {  	_ =	sfence.sel $0x180000  }
0x65: {  	[bflag:$0x0] =	sbarrier.arrive $0xFFFF  }
0x66: {  	p0 =	sne.s32 s0, $0x0;
	_ =	strace $0x90000050  }
0x67: {  	s0 =	sadd.s32 @!p0 $0x100000, s1;
	[bflag:$0x2] =	sbarrier.arrive $0xFFFF  }
0x68: {  	[sflag:s0] =	ssyncadd.tile.s32 @!p0 $0x1;
	_ =	shalt  }
.Lfunc_end2:
_tile_overlayer_lowered:
.L_overlay_start_2:
0x69: {  	(tag) =	ssettag $0x2  }
0x6a: {  	s0 =	rddreg [dreg:$0x0];
	s2 =	stileid.u32  }
0x6b: {  	s1 =	rddreg [dreg:$0x1];
	p0 =	sne.s32 s2, $0x0  }
0x6c: {  	s3 =	rddreg [dreg:$0x2];
	[bflag:$0x3] =	sbarrier.arrive $0xFFFF;
	s2 =	simm.s32 @!p0 $0x1C03  }
0x6d: {  	[timem:s3], [sflag:s2] =	dma.local @!p0 [hbm:s0], s1  }
0x6e: {  	s0 =	simm.s32 @!p0 $0x3  }
0x6f: {  	_ =	swait.ge @!p0 [sflag:s0], s1  }
0x70: {  	s1 =	ssub.s32 @!p0 $0x0, s1;
	[sflag:s0] =	ssyncset.done @!p0 $0x0  }
0x71: {  	[sflag:s0] =	ssyncadd.s32 @!p0 s1  }
0x72: {  	[bflag:$0x3] =	sbarrier.arrive $0xFFFF  }
0x73: {  	_ =	shalt  }

</sc_bundles>
